<compile_context>
chip_gen: v7x
topology: tpu7x:2x2x1
jax: 0.10.2.dev20260603
libtpu: 0.0.44.dev20260713+nightly
codegen_flags: <defaults>
</compile_context>

<pallas_src>
import functools

import jax
import jax.numpy as jnp
from jax import lax
from jax.experimental import pallas as pl
from jax.experimental.pallas import tpu as pltpu
from jax.experimental.pallas import tpu_sc as plsc

VOCAB = 1000000
DIM = 64
OUT = 4
SEQ = 200
BATCH = 4096
LANES = 16
NC, NS = 2, 16
NW = NC * NS
BPW = BATCH // NW

CHUNK = 20
NCHUNK = SEQ // CHUNK

VBLK = 32768
GRID = -(-VOCAB // VBLK)
VPAD = GRID * VBLK
OBLK = VBLK // 8
OSHIFT = OBLK.bit_length() - 1


def _project_body(tT_ref, w_ref, o_ref):
    tT = tT_ref[...].astype(jnp.bfloat16)
    w = (w_ref[...] * (1.0 / SEQ)).astype(jnp.bfloat16)
    packed = lax.dot_general(
        tT, w, (((0,), (1,)), ((), ())),
        preferred_element_type=jnp.float32)
    for s in range(8):
        o_ref[:, s * LANES:(s + 1) * LANES] = packed[s * OBLK:(s + 1) * OBLK]


def _project(tableT, w_pad):
    return pl.pallas_call(
        _project_body,
        grid=(GRID,),
        in_specs=[
            pl.BlockSpec((DIM, VBLK), lambda i: (0, i)),
            pl.BlockSpec((LANES, DIM), lambda i: (0, 0)),
        ],
        out_specs=pl.BlockSpec((OBLK, 128), lambda i: (i, 0)),
        out_shape=jax.ShapeDtypeStruct((VPAD // 8, 128), jnp.float32),
        compiler_params=pltpu.CompilerParams(
            dimension_semantics=("parallel",),
            fuse_transposed_lhs_in_matmul=True,
        ),
    )(tableT, w_pad)


def _permute_body(t_ref, o_ref):
    v = t_ref[...]
    o_ref[...] = (
        jnp.bitwise_and(v, ~(VBLK - 1))
        | jnp.left_shift(jnp.bitwise_and(v, OBLK - 1), 3)
        | jnp.right_shift(jnp.bitwise_and(v, VBLK - 1), OSHIFT)
    )


def _permute_text(text):
    return pl.pallas_call(
        _permute_body,
        grid=(1,),
        in_specs=[pl.BlockSpec((SEQ, BATCH), lambda i: (0, 0))],
        out_specs=pl.BlockSpec((SEQ, BATCH), lambda i: (0, 0)),
        out_shape=jax.ShapeDtypeStruct((SEQ, BATCH), jnp.int32),
    )(text)


def _gather_sum(text, proj, bias_pad):
    mesh = plsc.VectorSubcoreMesh(core_axis_name="c", subcore_axis_name="s")

    @functools.partial(
        pl.kernel,
        out_type=jax.ShapeDtypeStruct((BATCH, LANES), jnp.float32),
        mesh=mesh,
        scratch_types=[
            pltpu.VMEM((SEQ, BPW), jnp.int32),
            pltpu.VMEM((2, CHUNK, BPW, LANES), jnp.float32),
            pltpu.VMEM((BPW, LANES), jnp.float32),
            pltpu.VMEM((LANES,), jnp.float32),
            pltpu.SemaphoreType.DMA,
            pltpu.SemaphoreType.DMA,
        ],
        compiler_params=pltpu.CompilerParams(use_tc_tiling_on_sc=False),
    )
    def k(text_hbm, p_hbm, b_hbm, out_hbm, idx_v, rows_v, acc_v, b_v,
          sem0, sem1):
        wid = lax.axis_index("s") * NC + lax.axis_index("c")
        base = wid * BPW
        pltpu.sync_copy(text_hbm.at[:, pl.ds(base, BPW)], idx_v)
        pltpu.sync_copy(b_hbm, b_v)
        bias = b_v[...]

        @pl.loop(0, BPW)
        def _(i):
            acc_v[i, :] = bias

        def gather(c, buf, sem):
            for r in range(CHUNK):
                pltpu.async_copy(
                    p_hbm.at[idx_v.at[c * CHUNK + r]],
                    rows_v.at[buf, r], sem)

        def wait(c, buf, sem):
            for r in range(CHUNK):
                pltpu.make_async_copy(
                    p_hbm.at[idx_v.at[c * CHUNK + r]],
                    rows_v.at[buf, r], sem).wait()

        def accumulate(buf):
            @pl.loop(0, BPW)
            def _(i):
                acc = acc_v[i, :]
                for r in range(CHUNK):
                    acc = acc + rows_v[buf, r, i, :]
                acc_v[i, :] = acc

        gather(0, 0, sem0)

        @pl.loop(0, NCHUNK, step=2)
        def _(c):
            gather(c + 1, 1, sem1)
            wait(c, 0, sem0)
            accumulate(0)

            @pl.when(c + 2 < NCHUNK)
            def _():
                gather(c + 2, 0, sem0)

            wait(c + 1, 1, sem1)
            accumulate(1)

        pltpu.sync_copy(acc_v, out_hbm.at[pl.ds(base, BPW)])

    return k(text, proj, bias_pad)


def kernel(text, table, W, b):
    w_pad = jnp.zeros((LANES, DIM), jnp.float32).at[:OUT].set(W)
    b_pad = jnp.zeros((LANES,), jnp.float32).at[:OUT].set(b)
    proj = _project(table.T, w_pad).reshape(VPAD, LANES)
    sums = _gather_sum(_permute_text(text), proj, b_pad)
    return sums[:, :OUT]

# --- scband reference (transcript-rebuilt; emitter-appended) ---
"""Pipeline reference for scband-text-classifier-model-23811298689078 (READ-ONLY COPY).

The authoritative reference and input builder live on the scoring server;
editing this copy changes nothing except your own understanding.
"""

import jax, jax.numpy as jnp
import numpy as np

VOCAB = 1000000
DIM = 64
OUT = 4
PAD = 0
SEQ = 200
BATCH = 4096


def setup_inputs(seed: int = 0) -> dict:
    key = jax.random.key(seed)
    k1, k2, k3, k4 = jax.random.split(key, 4)
    text = jax.random.randint(k1, (SEQ, BATCH), 0, VOCAB, dtype=jnp.int32)
    table = jax.random.normal(k2, (VOCAB, DIM), dtype=jnp.float32) * 0.05
    table = table.at[PAD].set(0.0)  # nn.Embedding padding_idx row is zero
    W = jax.random.normal(k3, (OUT, DIM), dtype=jnp.float32) * 0.05
    b = jnp.zeros((OUT,), dtype=jnp.float32)
    return {"text": text, "table": table, "W": W, "b": b}


def reference(text, table, W, b):
    # embedded = self.embedding(text)  -> [seq, batch, dim]
    embedded = jnp.take(table, text, axis=0)
    # permute(1,0,2) -> [batch, seq, dim]; avg_pool2d over (seq, 1) then squeeze(1)
    # is exactly a mean over the sequence dimension -> [batch, dim]
    pooled = jnp.mean(embedded, axis=0)
    # self.fc(pooled)
    return pooled @ W.T + b

if __name__ == "__main__":
    import jax
    _d = setup_inputs()
    print(jax.jit(kernel)(*tuple(_d.values())))

</pallas_src>

<mosaic_0001>
#map = affine_map<(d0, d1) -> (0, 0)>
#map1 = affine_map<(d0, d1) -> (0)>
module attributes {stable_mosaic.version = 14 : i64} {
  func.func @k(%arg0: i32, %arg1: i32, %arg2: memref<200x4096xi32, #tpu.memory_space<hbm>>, %arg3: memref<1015808x16xf32, #tpu.memory_space<hbm>>, %arg4: memref<16xf32, #tpu.memory_space<hbm>>, %arg5: memref<4096x16xf32, #tpu.memory_space<hbm>>, %arg6: memref<200x128xi32, #tpu.memory_space<vmem>>, %arg7: memref<2x20x128x16xf32, #tpu.memory_space<vmem>>, %arg8: memref<128x16xf32, #tpu.memory_space<vmem>>, %arg9: memref<16xf32, #tpu.memory_space<vmem>>, %arg10: memref<!tpu.dma_semaphore, #tpu.memory_space<semaphore_mem>>, %arg11: memref<!tpu.dma_semaphore, #tpu.memory_space<semaphore_mem>>) attributes {dimension_semantics = [#tpu.dimension_semantics<core_parallel>, #tpu.dimension_semantics<subcore_parallel>], iteration_bounds = array<i64: 2, 16>, scalar_prefetch = 0 : i64, scratch_operands = 6 : i64, tpu.core_type = #tpu.core_type<sc_vector_subcore>, window_params = [{transform_indices = #map}, {transform_indices = #map}, {transform_indices = #map1}, {transform_indices = #map}]} {
    %mul3A = arith.constant 2 : i32
    %mul3A_0 = arith.muli %arg1, %mul3A : i32
    %add3A = arith.addi %mul3A_0, %arg0 : i32
    %mul3A_1 = arith.constant 128 : i32
    %mul3A_2 = arith.muli %add3A, %mul3A_1 : i32
    "tpu.region"() ({
      %run_scoped3A = tpu.sem_alloc : memref<!tpu.dma_semaphore, #tpu.memory_space<semaphore_mem>>
      %dma_start3A_273 = arith.constant 0 : i32
      %dma_start3A_274 = tpu.memref_slice %arg2[%dma_start3A_273, %mul3A_2] : memref<200x4096xi32, #tpu.memory_space<hbm>> -> memref<200x128xi32, #tpu.memory_space<hbm>>
      %dma_start3A_275 = arith.constant 0 : i32
      %dma_start3A_276 = tpu.memref_slice %arg2[%dma_start3A_275, %mul3A_2] : memref<200x4096xi32, #tpu.memory_space<hbm>> -> memref<200x128xi32, #tpu.memory_space<hbm>>
      tpu.enqueue_dma source(%dma_start3A_276 : memref<200x128xi32, #tpu.memory_space<hbm>>) target(%arg6 : memref<200x128xi32, #tpu.memory_space<vmem>>) target_semaphore(%run_scoped3A : memref<!tpu.dma_semaphore, #tpu.memory_space<semaphore_mem>>)
      %dma_wait3A = arith.constant 0 : i32
      %dma_wait3A_277 = tpu.memref_slice %arg2[%dma_wait3A, %mul3A_2] : memref<200x4096xi32, #tpu.memory_space<hbm>> -> memref<200x128xi32, #tpu.memory_space<hbm>>
      %dma_wait3A_278 = arith.constant 0 : i32
      %dma_wait3A_279 = tpu.memref_slice %arg2[%dma_wait3A_278, %mul3A_2] : memref<200x4096xi32, #tpu.memory_space<hbm>> -> memref<200x128xi32, #tpu.memory_space<hbm>>
      tpu.wait_dma2 semaphore(%run_scoped3A : memref<!tpu.dma_semaphore, #tpu.memory_space<semaphore_mem>>) src(%dma_wait3A_279 : memref<200x128xi32, #tpu.memory_space<hbm>>) dst(%arg6 : memref<200x128xi32, #tpu.memory_space<vmem>>)
      tpu.yield
    }) : () -> ()
    "tpu.region"() ({
      %run_scoped3A = tpu.sem_alloc : memref<!tpu.dma_semaphore, #tpu.memory_space<semaphore_mem>>
      tpu.enqueue_dma source(%arg4 : memref<16xf32, #tpu.memory_space<hbm>>) target(%arg9 : memref<16xf32, #tpu.memory_space<vmem>>) target_semaphore(%run_scoped3A : memref<!tpu.dma_semaphore, #tpu.memory_space<semaphore_mem>>)
      tpu.wait_dma2 semaphore(%run_scoped3A : memref<!tpu.dma_semaphore, #tpu.memory_space<semaphore_mem>>) src(%arg4 : memref<16xf32, #tpu.memory_space<hbm>>) dst(%arg9 : memref<16xf32, #tpu.memory_space<vmem>>)
      tpu.yield
    }) : () -> ()
    %get3A = arith.constant 0 : index
    %get3A_3 = tpu.vector_load %arg9[%get3A] {strides = array<i32>} : memref<16xf32, #tpu.memory_space<vmem>>, vector<16xf32>,
    %get3A_4 = vector.shape_cast %get3A_3 : vector<16xf32> to vector<16xf32>
    %scan3A = arith.constant 0 : i32
    %scan3A_5 = arith.constant 128 : i32
    %scan3A_6 = arith.addi %scan3A, %scan3A_5 : i32
    %scan3A_7 = arith.constant 1 : i32
    scf.for %scan3A_273 = %scan3A to %scan3A_6 step %scan3A_7  : i32 {
      %mul3A_274 = arith.constant 1 : i32
      %mul3A_275 = arith.muli %scan3A_273, %mul3A_274 : i32
      %add3A_276 = arith.constant 0 : i32
      %add3A_277 = arith.addi %add3A_276, %mul3A_275 : i32
      %swap3A = arith.index_cast %add3A_277 : i32 to index
      %swap3A_278 = arith.constant 0 : index
      %swap3A_279 = tpu.vector_load %arg8[%swap3A, %swap3A_278] {strides = array<i32>} : memref<128x16xf32, #tpu.memory_space<vmem>>, vector<1x16xf32>,
      %swap3A_280 = vector.shape_cast %swap3A_279 : vector<1x16xf32> to vector<16xf32>
      %swap3A_281 = vector.shape_cast %get3A_4 : vector<16xf32> to vector<1x16xf32>
      tpu.vector_store %arg8[%swap3A, %swap3A_278], %swap3A_281 {strides = array<i32>} : memref<128x16xf32, #tpu.memory_space<vmem>>, vector<1x16xf32>,
    }
    %scan3A_8 = arith.constant 128 : i32
    %dma_start3A = arith.constant 0 : i32
    %dma_start3A_9 = arith.constant 0 : i32
    %dma_start3A_10 = arith.constant 0 : i32
    %dma_start3A_11 = arith.constant 0 : i32
    %dma_start3A_12 = arith.constant 0 : i32
    %dma_start3A_13 = tpu.memref_slice %arg7[%dma_start3A_9, %dma_start3A_10, %dma_start3A_11, %dma_start3A_12] : memref<2x20x128x16xf32, #tpu.memory_space<vmem>> -> memref<1x1x128x16xf32, #tpu.memory_space<vmem>>
    %dma_start3A_14 = tpu.memref_squeeze %dma_start3A_13 : memref<1x1x128x16xf32, #tpu.memory_space<vmem>> -> memref<128x16xf32, #tpu.memory_space<vmem>>
    %dma_start3A_15 = arith.constant 0 : i32
    %dma_start3A_16 = tpu.memref_slice %arg6[%dma_start3A, %dma_start3A_15] : memref<200x128xi32, #tpu.memory_space<vmem>> -> memref<1x128xi32, #tpu.memory_space<vmem>>
    %dma_start3A_17 = tpu.memref_squeeze %dma_start3A_16 : memref<1x128xi32, #tpu.memory_space<vmem>> -> memref<128xi32, #tpu.memory_space<vmem>>
    %dma_start3A_18 = arith.constant 0 : i32
    %dma_start3A_19 = arith.constant 0 : i32
    %dma_start3A_20 = tpu.memref_slice %arg3[%dma_start3A_18, %dma_start3A_19] : memref<1015808x16xf32, #tpu.memory_space<hbm>> -> memref<1015808x16xf32, #tpu.memory_space<hbm>>
    tpu.enqueue_indirect_dma source(%dma_start3A_20 : memref<1015808x16xf32, #tpu.memory_space<hbm>>) target(%dma_start3A_14 : memref<128x16xf32, #tpu.memory_space<vmem>>) offsets(%dma_start3A_17 : memref<128xi32, #tpu.memory_space<vmem>>) semaphore(%arg10 : memref<!tpu.dma_semaphore, #tpu.memory_space<semaphore_mem>>)
    %dma_start3A_21 = arith.constant 1 : i32
    %dma_start3A_22 = arith.constant 0 : i32
    %dma_start3A_23 = arith.constant 1 : i32
    %dma_start3A_24 = arith.constant 0 : i32
    %dma_start3A_25 = arith.constant 0 : i32
    %dma_start3A_26 = tpu.memref_slice %arg7[%dma_start3A_22, %dma_start3A_23, %dma_start3A_24, %dma_start3A_25] : memref<2x20x128x16xf32, #tpu.memory_space<vmem>> -> memref<1x1x128x16xf32, #tpu.memory_space<vmem>>
    %dma_start3A_27 = tpu.memref_squeeze %dma_start3A_26 : memref<1x1x128x16xf32, #tpu.memory_space<vmem>> -> memref<128x16xf32, #tpu.memory_space<vmem>>
    %dma_start3A_28 = arith.constant 0 : i32
    %dma_start3A_29 = tpu.memref_slice %arg6[%dma_start3A_21, %dma_start3A_28] : memref<200x128xi32, #tpu.memory_space<vmem>> -> memref<1x128xi32, #tpu.memory_space<vmem>>
    %dma_start3A_30 = tpu.memref_squeeze %dma_start3A_29 : memref<1x128xi32, #tpu.memory_space<vmem>> -> memref<128xi32, #tpu.memory_space<vmem>>
    %dma_start3A_31 = arith.constant 0 : i32
    %dma_start3A_32 = arith.constant 0 : i32
    %dma_start3A_33 = tpu.memref_slice %arg3[%dma_start3A_31, %dma_start3A_32] : memref<1015808x16xf32, #tpu.memory_space<hbm>> -> memref<1015808x16xf32, #tpu.memory_space<hbm>>
    tpu.enqueue_indirect_dma source(%dma_start3A_33 : memref<1015808x16xf32, #tpu.memory_space<hbm>>) target(%dma_start3A_27 : memref<128x16xf32, #tpu.memory_space<vmem>>) offsets(%dma_start3A_30 : memref<128xi32, #tpu.memory_space<vmem>>) semaphore(%arg10 : memref<!tpu.dma_semaphore, #tpu.memory_space<semaphore_mem>>)
    %dma_start3A_34 = arith.constant 2 : i32
    %dma_start3A_35 = arith.constant 0 : i32
    %dma_start3A_36 = arith.constant 2 : i32
    %dma_start3A_37 = arith.constant 0 : i32
    %dma_start3A_38 = arith.constant 0 : i32
    %dma_start3A_39 = tpu.memref_slice %arg7[%dma_start3A_35, %dma_start3A_36, %dma_start3A_37, %dma_start3A_38] : memref<2x20x128x16xf32, #tpu.memory_space<vmem>> -> memref<1x1x128x16xf32, #tpu.memory_space<vmem>>
    %dma_start3A_40 = tpu.memref_squeeze %dma_start3A_39 : memref<1x1x128x16xf32, #tpu.memory_space<vmem>> -> memref<128x16xf32, #tpu.memory_space<vmem>>
    %dma_start3A_41 = arith.constant 0 : i32
    %dma_start3A_42 = tpu.memref_slice %arg6[%dma_start3A_34, %dma_start3A_41] : memref<200x128xi32, #tpu.memory_space<vmem>> -> memref<1x128xi32, #tpu.memory_space<vmem>>
    %dma_start3A_43 = tpu.memref_squeeze %dma_start3A_42 : memref<1x128xi32, #tpu.memory_space<vmem>> -> memref<128xi32, #tpu.memory_space<vmem>>
    %dma_start3A_44 = arith.constant 0 : i32
    %dma_start3A_45 = arith.constant 0 : i32
    %dma_start3A_46 = tpu.memref_slice %arg3[%dma_start3A_44, %dma_start3A_45] : memref<1015808x16xf32, #tpu.memory_space<hbm>> -> memref<1015808x16xf32, #tpu.memory_space<hbm>>
    tpu.enqueue_indirect_dma source(%dma_start3A_46 : memref<1015808x16xf32, #tpu.memory_space<hbm>>) target(%dma_start3A_40 : memref<128x16xf32, #tpu.memory_space<vmem>>) offsets(%dma_start3A_43 : memref<128xi32, #tpu.memory_space<vmem>>) semaphore(%arg10 : memref<!tpu.dma_semaphore, #tpu.memory_space<semaphore_mem>>)
    %dma_start3A_47 = arith.constant 3 : i32
    %dma_start3A_48 = arith.constant 0 : i32
    %dma_start3A_49 = arith.constant 3 : i32
    %dma_start3A_50 = arith.constant 0 : i32
    %dma_start3A_51 = arith.constant 0 : i32
    %dma_start3A_52 = tpu.memref_slice %arg7[%dma_start3A_48, %dma_start3A_49, %dma_start3A_50, %dma_start3A_51] : memref<2x20x128x16xf32, #tpu.memory_space<vmem>> -> memref<1x1x128x16xf32, #tpu.memory_space<vmem>>
    %dma_start3A_53 = tpu.memref_squeeze %dma_start3A_52 : memref<1x1x128x16xf32, #tpu.memory_space<vmem>> -> memref<128x16xf32, #tpu.memory_space<vmem>>
    %dma_start3A_54 = arith.constant 0 : i32
    %dma_start3A_55 = tpu.memref_slice %arg6[%dma_start3A_47, %dma_start3A_54] : memref<200x128xi32, #tpu.memory_space<vmem>> -> memref<1x128xi32, #tpu.memory_space<vmem>>
    %dma_start3A_56 = tpu.memref_squeeze %dma_start3A_55 : memref<1x128xi32, #tpu.memory_space<vmem>> -> memref<128xi32, #tpu.memory_space<vmem>>
    %dma_start3A_57 = arith.constant 0 : i32
    %dma_start3A_58 = arith.constant 0 : i32
    %dma_start3A_59 = tpu.memref_slice %arg3[%dma_start3A_57, %dma_start3A_58] : memref<1015808x16xf32, #tpu.memory_space<hbm>> -> memref<1015808x16xf32, #tpu.memory_space<hbm>>
    tpu.enqueue_indirect_dma source(%dma_start3A_59 : memref<1015808x16xf32, #tpu.memory_space<hbm>>) target(%dma_start3A_53 : memref<128x16xf32, #tpu.memory_space<vmem>>) offsets(%dma_start3A_56 : memref<128xi32, #tpu.memory_space<vmem>>) semaphore(%arg10 : memref<!tpu.dma_semaphore, #tpu.memory_space<semaphore_mem>>)
    %dma_start3A_60 = arith.constant 4 : i32
    %dma_start3A_61 = arith.constant 0 : i32
    %dma_start3A_62 = arith.constant 4 : i32
    %dma_start3A_63 = arith.constant 0 : i32
    %dma_start3A_64 = arith.constant 0 : i32
    %dma_start3A_65 = tpu.memref_slice %arg7[%dma_start3A_61, %dma_start3A_62, %dma_start3A_63, %dma_start3A_64] : memref<2x20x128x16xf32, #tpu.memory_space<vmem>> -> memref<1x1x128x16xf32, #tpu.memory_space<vmem>>
    %dma_start3A_66 = tpu.memref_squeeze %dma_start3A_65 : memref<1x1x128x16xf32, #tpu.memory_space<vmem>> -> memref<128x16xf32, #tpu.memory_space<vmem>>
    %dma_start3A_67 = arith.constant 0 : i32
    %dma_start3A_68 = tpu.memref_slice %arg6[%dma_start3A_60, %dma_start3A_67] : memref<200x128xi32, #tpu.memory_space<vmem>> -> memref<1x128xi32, #tpu.memory_space<vmem>>
    %dma_start3A_69 = tpu.memref_squeeze %dma_start3A_68 : memref<1x128xi32, #tpu.memory_space<vmem>> -> memref<128xi32, #tpu.memory_space<vmem>>
    %dma_start3A_70 = arith.constant 0 : i32
    %dma_start3A_71 = arith.constant 0 : i32
    %dma_start3A_72 = tpu.memref_slice %arg3[%dma_start3A_70, %dma_start3A_71] : memref<1015808x16xf32, #tpu.memory_space<hbm>> -> memref<1015808x16xf32, #tpu.memory_space<hbm>>
    tpu.enqueue_indirect_dma source(%dma_start3A_72 : memref<1015808x16xf32, #tpu.memory_space<hbm>>) target(%dma_start3A_66 : memref<128x16xf32, #tpu.memory_space<vmem>>) offsets(%dma_start3A_69 : memref<128xi32, #tpu.memory_space<vmem>>) semaphore(%arg10 : memref<!tpu.dma_semaphore, #tpu.memory_space<semaphore_mem>>)
    %dma_start3A_73 = arith.constant 5 : i32
    %dma_start3A_74 = arith.constant 0 : i32
    %dma_start3A_75 = arith.constant 5 : i32
    %dma_start3A_76 = arith.constant 0 : i32
    %dma_start3A_77 = arith.constant 0 : i32
    %dma_start3A_78 = tpu.memref_slice %arg7[%dma_start3A_74, %dma_start3A_75, %dma_start3A_76, %dma_start3A_77] : memref<2x20x128x16xf32, #tpu.memory_space<vmem>> -> memref<1x1x128x16xf32, #tpu.memory_space<vmem>>
    %dma_start3A_79 = tpu.memref_squeeze %dma_start3A_78 : memref<1x1x128x16xf32, #tpu.memory_space<vmem>> -> memref<128x16xf32, #tpu.memory_space<vmem>>
    %dma_start3A_80 = arith.constant 0 : i32
    %dma_start3A_81 = tpu.memref_slice %arg6[%dma_start3A_73, %dma_start3A_80] : memref<200x128xi32, #tpu.memory_space<vmem>> -> memref<1x128xi32, #tpu.memory_space<vmem>>
    %dma_start3A_82 = tpu.memref_squeeze %dma_start3A_81 : memref<1x128xi32, #tpu.memory_space<vmem>> -> memref<128xi32, #tpu.memory_space<vmem>>
    %dma_start3A_83 = arith.constant 0 : i32
    %dma_start3A_84 = arith.constant 0 : i32
    %dma_start3A_85 = tpu.memref_slice %arg3[%dma_start3A_83, %dma_start3A_84] : memref<1015808x16xf32, #tpu.memory_space<hbm>> -> memref<1015808x16xf32, #tpu.memory_space<hbm>>
    tpu.enqueue_indirect_dma source(%dma_start3A_85 : memref<1015808x16xf32, #tpu.memory_space<hbm>>) target(%dma_start3A_79 : memref<128x16xf32, #tpu.memory_space<vmem>>) offsets(%dma_start3A_82 : memref<128xi32, #tpu.memory_space<vmem>>) semaphore(%arg10 : memref<!tpu.dma_semaphore, #tpu.memory_space<semaphore_mem>>)
    %dma_start3A_86 = arith.constant 6 : i32
    %dma_start3A_87 = arith.constant 0 : i32
    %dma_start3A_88 = arith.constant 6 : i32
    %dma_start3A_89 = arith.constant 0 : i32
    %dma_start3A_90 = arith.constant 0 : i32
    %dma_start3A_91 = tpu.memref_slice %arg7[%dma_start3A_87, %dma_start3A_88, %dma_start3A_89, %dma_start3A_90] : memref<2x20x128x16xf32, #tpu.memory_space<vmem>> -> memref<1x1x128x16xf32, #tpu.memory_space<vmem>>
    %dma_start3A_92 = tpu.memref_squeeze %dma_start3A_91 : memref<1x1x128x16xf32, #tpu.memory_space<vmem>> -> memref<128x16xf32, #tpu.memory_space<vmem>>
    %dma_start3A_93 = arith.constant 0 : i32
    %dma_start3A_94 = tpu.memref_slice %arg6[%dma_start3A_86, %dma_start3A_93] : memref<200x128xi32, #tpu.memory_space<vmem>> -> memref<1x128xi32, #tpu.memory_space<vmem>>
    %dma_start3A_95 = tpu.memref_squeeze %dma_start3A_94 : memref<1x128xi32, #tpu.memory_space<vmem>> -> memref<128xi32, #tpu.memory_space<vmem>>
    %dma_start3A_96 = arith.constant 0 : i32
    %dma_start3A_97 = arith.constant 0 : i32
    %dma_start3A_98 = tpu.memref_slice %arg3[%dma_start3A_96, %dma_start3A_97] : memref<1015808x16xf32, #tpu.memory_space<hbm>> -> memref<1015808x16xf32, #tpu.memory_space<hbm>>
    tpu.enqueue_indirect_dma source(%dma_start3A_98 : memref<1015808x16xf32, #tpu.memory_space<hbm>>) target(%dma_start3A_92 : memref<128x16xf32, #tpu.memory_space<vmem>>) offsets(%dma_start3A_95 : memref<128xi32, #tpu.memory_space<vmem>>) semaphore(%arg10 : memref<!tpu.dma_semaphore, #tpu.memory_space<semaphore_mem>>)
    %dma_start3A_99 = arith.constant 7 : i32
    %dma_start3A_100 = arith.constant 0 : i32
    %dma_start3A_101 = arith.constant 7 : i32
    %dma_start3A_102 = arith.constant 0 : i32
    %dma_start3A_103 = arith.constant 0 : i32
    %dma_start3A_104 = tpu.memref_slice %arg7[%dma_start3A_100, %dma_start3A_101, %dma_start3A_102, %dma_start3A_103] : memref<2x20x128x16xf32, #tpu.memory_space<vmem>> -> memref<1x1x128x16xf32, #tpu.memory_space<vmem>>
    %dma_start3A_105 = tpu.memref_squeeze %dma_start3A_104 : memref<1x1x128x16xf32, #tpu.memory_space<vmem>> -> memref<128x16xf32, #tpu.memory_space<vmem>>
    %dma_start3A_106 = arith.constant 0 : i32
    %dma_start3A_107 = tpu.memref_slice %arg6[%dma_start3A_99, %dma_start3A_106] : memref<200x128xi32, #tpu.memory_space<vmem>> -> memref<1x128xi32, #tpu.memory_space<vmem>>
    %dma_start3A_108 = tpu.memref_squeeze %dma_start3A_107 : memref<1x128xi32, #tpu.memory_space<vmem>> -> memref<128xi32, #tpu.memory_space<vmem>>
    %dma_start3A_109 = arith.constant 0 : i32
    %dma_start3A_110 = arith.constant 0 : i32
    %dma_start3A_111 = tpu.memref_slice %arg3[%dma_start3A_109, %dma_start3A_110] : memref<1015808x16xf32, #tpu.memory_space<hbm>> -> memref<1015808x16xf32, #tpu.memory_space<hbm>>
    tpu.enqueue_indirect_dma source(%dma_start3A_111 : memref<1015808x16xf32, #tpu.memory_space<hbm>>) target(%dma_start3A_105 : memref<128x16xf32, #tpu.memory_space<vmem>>) offsets(%dma_start3A_108 : memref<128xi32, #tpu.memory_space<vmem>>) semaphore(%arg10 : memref<!tpu.dma_semaphore, #tpu.memory_space<semaphore_mem>>)
    %dma_start3A_112 = arith.constant 8 : i32
    %dma_start3A_113 = arith.constant 0 : i32
    %dma_start3A_114 = arith.constant 8 : i32
    %dma_start3A_115 = arith.constant 0 : i32
    %dma_start3A_116 = arith.constant 0 : i32
    %dma_start3A_117 = tpu.memref_slice %arg7[%dma_start3A_113, %dma_start3A_114, %dma_start3A_115, %dma_start3A_116] : memref<2x20x128x16xf32, #tpu.memory_space<vmem>> -> memref<1x1x128x16xf32, #tpu.memory_space<vmem>>
    %dma_start3A_118 = tpu.memref_squeeze %dma_start3A_117 : memref<1x1x128x16xf32, #tpu.memory_space<vmem>> -> memref<128x16xf32, #tpu.memory_space<vmem>>
    %dma_start3A_119 = arith.constant 0 : i32
    %dma_start3A_120 = tpu.memref_slice %arg6[%dma_start3A_112, %dma_start3A_119] : memref<200x128xi32, #tpu.memory_space<vmem>> -> memref<1x128xi32, #tpu.memory_space<vmem>>
    %dma_start3A_121 = tpu.memref_squeeze %dma_start3A_120 : memref<1x128xi32, #tpu.memory_space<vmem>> -> memref<128xi32, #tpu.memory_space<vmem>>
    %dma_start3A_122 = arith.constant 0 : i32
    %dma_start3A_123 = arith.constant 0 : i32
    %dma_start3A_124 = tpu.memref_slice %arg3[%dma_start3A_122, %dma_start3A_123] : memref<1015808x16xf32, #tpu.memory_space<hbm>> -> memref<1015808x16xf32, #tpu.memory_space<hbm>>
    tpu.enqueue_indirect_dma source(%dma_start3A_124 : memref<1015808x16xf32, #tpu.memory_space<hbm>>) target(%dma_start3A_118 : memref<128x16xf32, #tpu.memory_space<vmem>>) offsets(%dma_start3A_121 : memref<128xi32, #tpu.memory_space<vmem>>) semaphore(%arg10 : memref<!tpu.dma_semaphore, #tpu.memory_space<semaphore_mem>>)
    %dma_start3A_125 = arith.constant 9 : i32
    %dma_start3A_126 = arith.constant 0 : i32
    %dma_start3A_127 = arith.constant 9 : i32
    %dma_start3A_128 = arith.constant 0 : i32
    %dma_start3A_129 = arith.constant 0 : i32
    %dma_start3A_130 = tpu.memref_slice %arg7[%dma_start3A_126, %dma_start3A_127, %dma_start3A_128, %dma_start3A_129] : memref<2x20x128x16xf32, #tpu.memory_space<vmem>> -> memref<1x1x128x16xf32, #tpu.memory_space<vmem>>
    %dma_start3A_131 = tpu.memref_squeeze %dma_start3A_130 : memref<1x1x128x16xf32, #tpu.memory_space<vmem>> -> memref<128x16xf32, #tpu.memory_space<vmem>>
    %dma_start3A_132 = arith.constant 0 : i32
    %dma_start3A_133 = tpu.memref_slice %arg6[%dma_start3A_125, %dma_start3A_132] : memref<200x128xi32, #tpu.memory_space<vmem>> -> memref<1x128xi32, #tpu.memory_space<vmem>>
    %dma_start3A_134 = tpu.memref_squeeze %dma_start3A_133 : memref<1x128xi32, #tpu.memory_space<vmem>> -> memref<128xi32, #tpu.memory_space<vmem>>
    %dma_start3A_135 = arith.constant 0 : i32
    %dma_start3A_136 = arith.constant 0 : i32
    %dma_start3A_137 = tpu.memref_slice %arg3[%dma_start3A_135, %dma_start3A_136] : memref<1015808x16xf32, #tpu.memory_space<hbm>> -> memref<1015808x16xf32, #tpu.memory_space<hbm>>
    tpu.enqueue_indirect_dma source(%dma_start3A_137 : memref<1015808x16xf32, #tpu.memory_space<hbm>>) target(%dma_start3A_131 : memref<128x16xf32, #tpu.memory_space<vmem>>) offsets(%dma_start3A_134 : memref<128xi32, #tpu.memory_space<vmem>>) semaphore(%arg10 : memref<!tpu.dma_semaphore, #tpu.memory_space<semaphore_mem>>)
    %dma_start3A_138 = arith.constant 10 : i32
    %dma_start3A_139 = arith.constant 0 : i32
    %dma_start3A_140 = arith.constant 10 : i32
    %dma_start3A_141 = arith.constant 0 : i32
    %dma_start3A_142 = arith.constant 0 : i32
    %dma_start3A_143 = tpu.memref_slice %arg7[%dma_start3A_139, %dma_start3A_140, %dma_start3A_141, %dma_start3A_142] : memref<2x20x128x16xf32, #tpu.memory_space<vmem>> -> memref<1x1x128x16xf32, #tpu.memory_space<vmem>>
    %dma_start3A_144 = tpu.memref_squeeze %dma_start3A_143 : memref<1x1x128x16xf32, #tpu.memory_space<vmem>> -> memref<128x16xf32, #tpu.memory_space<vmem>>
    %dma_start3A_145 = arith.constant 0 : i32
    %dma_start3A_146 = tpu.memref_slice %arg6[%dma_start3A_138, %dma_start3A_145] : memref<200x128xi32, #tpu.memory_space<vmem>> -> memref<1x128xi32, #tpu.memory_space<vmem>>
    %dma_start3A_147 = tpu.memref_squeeze %dma_start3A_146 : memref<1x128xi32, #tpu.memory_space<vmem>> -> memref<128xi32, #tpu.memory_space<vmem>>
    %dma_start3A_148 = arith.constant 0 : i32
    %dma_start3A_149 = arith.constant 0 : i32
    %dma_start3A_150 = tpu.memref_slice %arg3[%dma_start3A_148, %dma_start3A_149] : memref<1015808x16xf32, #tpu.memory_space<hbm>> -> memref<1015808x16xf32, #tpu.memory_space<hbm>>
    tpu.enqueue_indirect_dma source(%dma_start3A_150 : memref<1015808x16xf32, #tpu.memory_space<hbm>>) target(%dma_start3A_144 : memref<128x16xf32, #tpu.memory_space<vmem>>) offsets(%dma_start3A_147 : memref<128xi32, #tpu.memory_space<vmem>>) semaphore(%arg10 : memref<!tpu.dma_semaphore, #tpu.memory_space<semaphore_mem>>)
    %dma_start3A_151 = arith.constant 11 : i32
    %dma_start3A_152 = arith.constant 0 : i32
    %dma_start3A_153 = arith.constant 11 : i32
    %dma_start3A_154 = arith.constant 0 : i32
    %dma_start3A_155 = arith.constant 0 : i32
    %dma_start3A_156 = tpu.memref_slice %arg7[%dma_start3A_152, %dma_start3A_153, %dma_start3A_154, %dma_start3A_155] : memref<2x20x128x16xf32, #tpu.memory_space<vmem>> -> memref<1x1x128x16xf32, #tpu.memory_space<vmem>>
    %dma_start3A_157 = tpu.memref_squeeze %dma_start3A_156 : memref<1x1x128x16xf32, #tpu.memory_space<vmem>> -> memref<128x16xf32, #tpu.memory_space<vmem>>
    %dma_start3A_158 = arith.constant 0 : i32
    %dma_start3A_159 = tpu.memref_slice %arg6[%dma_start3A_151, %dma_start3A_158] : memref<200x128xi32, #tpu.memory_space<vmem>> -> memref<1x128xi32, #tpu.memory_space<vmem>>
    %dma_start3A_160 = tpu.memref_squeeze %dma_start3A_159 : memref<1x128xi32, #tpu.memory_space<vmem>> -> memref<128xi32, #tpu.memory_space<vmem>>
    %dma_start3A_161 = arith.constant 0 : i32
    %dma_start3A_162 = arith.constant 0 : i32
    %dma_start3A_163 = tpu.memref_slice %arg3[%dma_start3A_161, %dma_start3A_162] : memref<1015808x16xf32, #tpu.memory_space<hbm>> -> memref<1015808x16xf32, #tpu.memory_space<hbm>>
    tpu.enqueue_indirect_dma source(%dma_start3A_163 : memref<1015808x16xf32, #tpu.memory_space<hbm>>) target(%dma_start3A_157 : memref<128x16xf32, #tpu.memory_space<vmem>>) offsets(%dma_start3A_160 : memref<128xi32, #tpu.memory_space<vmem>>) semaphore(%arg10 : memref<!tpu.dma_semaphore, #tpu.memory_space<semaphore_mem>>)
    %dma_start3A_164 = arith.constant 12 : i32
    %dma_start3A_165 = arith.constant 0 : i32
    %dma_start3A_166 = arith.constant 12 : i32
    %dma_start3A_167 = arith.constant 0 : i32
    %dma_start3A_168 = arith.constant 0 : i32
    %dma_start3A_169 = tpu.memref_slice %arg7[%dma_start3A_165, %dma_start3A_166, %dma_start3A_167, %dma_start3A_168] : memref<2x20x128x16xf32, #tpu.memory_space<vmem>> -> memref<1x1x128x16xf32, #tpu.memory_space<vmem>>
    %dma_start3A_170 = tpu.memref_squeeze %dma_start3A_169 : memref<1x1x128x16xf32, #tpu.memory_space<vmem>> -> memref<128x16xf32, #tpu.memory_space<vmem>>
    %dma_start3A_171 = arith.constant 0 : i32
    %dma_start3A_172 = tpu.memref_slice %arg6[%dma_start3A_164, %dma_start3A_171] : memref<200x128xi32, #tpu.memory_space<vmem>> -> memref<1x128xi32, #tpu.memory_space<vmem>>
    %dma_start3A_173 = tpu.memref_squeeze %dma_start3A_172 : memref<1x128xi32, #tpu.memory_space<vmem>> -> memref<128xi32, #tpu.memory_space<vmem>>
    %dma_start3A_174 = arith.constant 0 : i32
    %dma_start3A_175 = arith.constant 0 : i32
    %dma_start3A_176 = tpu.memref_slice %arg3[%dma_start3A_174, %dma_start3A_175] : memref<1015808x16xf32, #tpu.memory_space<hbm>> -> memref<1015808x16xf32, #tpu.memory_space<hbm>>
    tpu.enqueue_indirect_dma source(%dma_start3A_176 : memref<1015808x16xf32, #tpu.memory_space<hbm>>) target(%dma_start3A_170 : memref<128x16xf32, #tpu.memory_space<vmem>>) offsets(%dma_start3A_173 : memref<128xi32, #tpu.memory_space<vmem>>) semaphore(%arg10 : memref<!tpu.dma_semaphore, #tpu.memory_space<semaphore_mem>>)
    %dma_start3A_177 = arith.constant 13 : i32
    %dma_start3A_178 = arith.constant 0 : i32
    %dma_start3A_179 = arith.constant 13 : i32
    %dma_start3A_180 = arith.constant 0 : i32
    %dma_start3A_181 = arith.constant 0 : i32
    %dma_start3A_182 = tpu.memref_slice %arg7[%dma_start3A_178, %dma_start3A_179, %dma_start3A_180, %dma_start3A_181] : memref<2x20x128x16xf32, #tpu.memory_space<vmem>> -> memref<1x1x128x16xf32, #tpu.memory_space<vmem>>
    %dma_start3A_183 = tpu.memref_squeeze %dma_start3A_182 : memref<1x1x128x16xf32, #tpu.memory_space<vmem>> -> memref<128x16xf32, #tpu.memory_space<vmem>>
    %dma_start3A_184 = arith.constant 0 : i32
    %dma_start3A_185 = tpu.memref_slice %arg6[%dma_start3A_177, %dma_start3A_184] : memref<200x128xi32, #tpu.memory_space<vmem>> -> memref<1x128xi32, #tpu.memory_space<vmem>>
    %dma_start3A_186 = tpu.memref_squeeze %dma_start3A_185 : memref<1x128xi32, #tpu.memory_space<vmem>> -> memref<128xi32, #tpu.memory_space<vmem>>
    %dma_start3A_187 = arith.constant 0 : i32
    %dma_start3A_188 = arith.constant 0 : i32
    %dma_start3A_189 = tpu.memref_slice %arg3[%dma_start3A_187, %dma_start3A_188] : memref<1015808x16xf32, #tpu.memory_space<hbm>> -> memref<1015808x16xf32, #tpu.memory_space<hbm>>
    tpu.enqueue_indirect_dma source(%dma_start3A_189 : memref<1015808x16xf32, #tpu.memory_space<hbm>>) target(%dma_start3A_183 : memref<128x16xf32, #tpu.memory_space<vmem>>) offsets(%dma_start3A_186 : memref<128xi32, #tpu.memory_space<vmem>>) semaphore(%arg10 : memref<!tpu.dma_semaphore, #tpu.memory_space<semaphore_mem>>)
    %dma_start3A_190 = arith.constant 14 : i32
    %dma_start3A_191 = arith.constant 0 : i32
    %dma_start3A_192 = arith.constant 14 : i32
    %dma_start3A_193 = arith.constant 0 : i32
    %dma_start3A_194 = arith.constant 0 : i32
    %dma_start3A_195 = tpu.memref_slice %arg7[%dma_start3A_191, %dma_start3A_192, %dma_start3A_193, %dma_start3A_194] : memref<2x20x128x16xf32, #tpu.memory_space<vmem>> -> memref<1x1x128x16xf32, #tpu.memory_space<vmem>>
    %dma_start3A_196 = tpu.memref_squeeze %dma_start3A_195 : memref<1x1x128x16xf32, #tpu.memory_space<vmem>> -> memref<128x16xf32, #tpu.memory_space<vmem>>
    %dma_start3A_197 = arith.constant 0 : i32
    %dma_start3A_198 = tpu.memref_slice %arg6[%dma_start3A_190, %dma_start3A_197] : memref<200x128xi32, #tpu.memory_space<vmem>> -> memref<1x128xi32, #tpu.memory_space<vmem>>
    %dma_start3A_199 = tpu.memref_squeeze %dma_start3A_198 : memref<1x128xi32, #tpu.memory_space<vmem>> -> memref<128xi32, #tpu.memory_space<vmem>>
    %dma_start3A_200 = arith.constant 0 : i32
    %dma_start3A_201 = arith.constant 0 : i32
    %dma_start3A_202 = tpu.memref_slice %arg3[%dma_start3A_200, %dma_start3A_201] : memref<1015808x16xf32, #tpu.memory_space<hbm>> -> memref<1015808x16xf32, #tpu.memory_space<hbm>>
    tpu.enqueue_indirect_dma source(%dma_start3A_202 : memref<1015808x16xf32, #tpu.memory_space<hbm>>) target(%dma_start3A_196 : memref<128x16xf32, #tpu.memory_space<vmem>>) offsets(%dma_start3A_199 : memref<128xi32, #tpu.memory_space<vmem>>) semaphore(%arg10 : memref<!tpu.dma_semaphore, #tpu.memory_space<semaphore_mem>>)
    %dma_start3A_203 = arith.constant 15 : i32
    %dma_start3A_204 = arith.constant 0 : i32
    %dma_start3A_205 = arith.constant 15 : i32
    %dma_start3A_206 = arith.constant 0 : i32
    %dma_start3A_207 = arith.constant 0 : i32
    %dma_start3A_208 = tpu.memref_slice %arg7[%dma_start3A_204, %dma_start3A_205, %dma_start3A_206, %dma_start3A_207] : memref<2x20x128x16xf32, #tpu.memory_space<vmem>> -> memref<1x1x128x16xf32, #tpu.memory_space<vmem>>
    %dma_start3A_209 = tpu.memref_squeeze %dma_start3A_208 : memref<1x1x128x16xf32, #tpu.memory_space<vmem>> -> memref<128x16xf32, #tpu.memory_space<vmem>>
    %dma_start3A_210 = arith.constant 0 : i32
    %dma_start3A_211 = tpu.memref_slice %arg6[%dma_start3A_203, %dma_start3A_210] : memref<200x128xi32, #tpu.memory_space<vmem>> -> memref<1x128xi32, #tpu.memory_space<vmem>>
    %dma_start3A_212 = tpu.memref_squeeze %dma_start3A_211 : memref<1x128xi32, #tpu.memory_space<vmem>> -> memref<128xi32, #tpu.memory_space<vmem>>
    %dma_start3A_213 = arith.constant 0 : i32
    %dma_start3A_214 = arith.constant 0 : i32
    %dma_start3A_215 = tpu.memref_slice %arg3[%dma_start3A_213, %dma_start3A_214] : memref<1015808x16xf32, #tpu.memory_space<hbm>> -> memref<1015808x16xf32, #tpu.memory_space<hbm>>
    tpu.enqueue_indirect_dma source(%dma_start3A_215 : memref<1015808x16xf32, #tpu.memory_space<hbm>>) target(%dma_start3A_209 : memref<128x16xf32, #tpu.memory_space<vmem>>) offsets(%dma_start3A_212 : memref<128xi32, #tpu.memory_space<vmem>>) semaphore(%arg10 : memref<!tpu.dma_semaphore, #tpu.memory_space<semaphore_mem>>)
    %dma_start3A_216 = arith.constant 16 : i32
    %dma_start3A_217 = arith.constant 0 : i32
    %dma_start3A_218 = arith.constant 16 : i32
    %dma_start3A_219 = arith.constant 0 : i32
    %dma_start3A_220 = arith.constant 0 : i32
    %dma_start3A_221 = tpu.memref_slice %arg7[%dma_start3A_217, %dma_start3A_218, %dma_start3A_219, %dma_start3A_220] : memref<2x20x128x16xf32, #tpu.memory_space<vmem>> -> memref<1x1x128x16xf32, #tpu.memory_space<vmem>>
    %dma_start3A_222 = tpu.memref_squeeze %dma_start3A_221 : memref<1x1x128x16xf32, #tpu.memory_space<vmem>> -> memref<128x16xf32, #tpu.memory_space<vmem>>
    %dma_start3A_223 = arith.constant 0 : i32
    %dma_start3A_224 = tpu.memref_slice %arg6[%dma_start3A_216, %dma_start3A_223] : memref<200x128xi32, #tpu.memory_space<vmem>> -> memref<1x128xi32, #tpu.memory_space<vmem>>
    %dma_start3A_225 = tpu.memref_squeeze %dma_start3A_224 : memref<1x128xi32, #tpu.memory_space<vmem>> -> memref<128xi32, #tpu.memory_space<vmem>>
    %dma_start3A_226 = arith.constant 0 : i32
    %dma_start3A_227 = arith.constant 0 : i32
    %dma_start3A_228 = tpu.memref_slice %arg3[%dma_start3A_226, %dma_start3A_227] : memref<1015808x16xf32, #tpu.memory_space<hbm>> -> memref<1015808x16xf32, #tpu.memory_space<hbm>>
    tpu.enqueue_indirect_dma source(%dma_start3A_228 : memref<1015808x16xf32, #tpu.memory_space<hbm>>) target(%dma_start3A_222 : memref<128x16xf32, #tpu.memory_space<vmem>>) offsets(%dma_start3A_225 : memref<128xi32, #tpu.memory_space<vmem>>) semaphore(%arg10 : memref<!tpu.dma_semaphore, #tpu.memory_space<semaphore_mem>>)
    %dma_start3A_229 = arith.constant 17 : i32
    %dma_start3A_230 = arith.constant 0 : i32
    %dma_start3A_231 = arith.constant 17 : i32
    %dma_start3A_232 = arith.constant 0 : i32
    %dma_start3A_233 = arith.constant 0 : i32
    %dma_start3A_234 = tpu.memref_slice %arg7[%dma_start3A_230, %dma_start3A_231, %dma_start3A_232, %dma_start3A_233] : memref<2x20x128x16xf32, #tpu.memory_space<vmem>> -> memref<1x1x128x16xf32, #tpu.memory_space<vmem>>
    %dma_start3A_235 = tpu.memref_squeeze %dma_start3A_234 : memref<1x1x128x16xf32, #tpu.memory_space<vmem>> -> memref<128x16xf32, #tpu.memory_space<vmem>>
    %dma_start3A_236 = arith.constant 0 : i32
    %dma_start3A_237 = tpu.memref_slice %arg6[%dma_start3A_229, %dma_start3A_236] : memref<200x128xi32, #tpu.memory_space<vmem>> -> memref<1x128xi32, #tpu.memory_space<vmem>>
    %dma_start3A_238 = tpu.memref_squeeze %dma_start3A_237 : memref<1x128xi32, #tpu.memory_space<vmem>> -> memref<128xi32, #tpu.memory_space<vmem>>
    %dma_start3A_239 = arith.constant 0 : i32
    %dma_start3A_240 = arith.constant 0 : i32
    %dma_start3A_241 = tpu.memref_slice %arg3[%dma_start3A_239, %dma_start3A_240] : memref<1015808x16xf32, #tpu.memory_space<hbm>> -> memref<1015808x16xf32, #tpu.memory_space<hbm>>
    tpu.enqueue_indirect_dma source(%dma_start3A_241 : memref<1015808x16xf32, #tpu.memory_space<hbm>>) target(%dma_start3A_235 : memref<128x16xf32, #tpu.memory_space<vmem>>) offsets(%dma_start3A_238 : memref<128xi32, #tpu.memory_space<vmem>>) semaphore(%arg10 : memref<!tpu.dma_semaphore, #tpu.memory_space<semaphore_mem>>)
    %dma_start3A_242 = arith.constant 18 : i32
    %dma_start3A_243 = arith.constant 0 : i32
    %dma_start3A_244 = arith.constant 18 : i32
    %dma_start3A_245 = arith.constant 0 : i32
    %dma_start3A_246 = arith.constant 0 : i32
    %dma_start3A_247 = tpu.memref_slice %arg7[%dma_start3A_243, %dma_start3A_244, %dma_start3A_245, %dma_start3A_246] : memref<2x20x128x16xf32, #tpu.memory_space<vmem>> -> memref<1x1x128x16xf32, #tpu.memory_space<vmem>>
    %dma_start3A_248 = tpu.memref_squeeze %dma_start3A_247 : memref<1x1x128x16xf32, #tpu.memory_space<vmem>> -> memref<128x16xf32, #tpu.memory_space<vmem>>
    %dma_start3A_249 = arith.constant 0 : i32
    %dma_start3A_250 = tpu.memref_slice %arg6[%dma_start3A_242, %dma_start3A_249] : memref<200x128xi32, #tpu.memory_space<vmem>> -> memref<1x128xi32, #tpu.memory_space<vmem>>
    %dma_start3A_251 = tpu.memref_squeeze %dma_start3A_250 : memref<1x128xi32, #tpu.memory_space<vmem>> -> memref<128xi32, #tpu.memory_space<vmem>>
    %dma_start3A_252 = arith.constant 0 : i32
    %dma_start3A_253 = arith.constant 0 : i32
    %dma_start3A_254 = tpu.memref_slice %arg3[%dma_start3A_252, %dma_start3A_253] : memref<1015808x16xf32, #tpu.memory_space<hbm>> -> memref<1015808x16xf32, #tpu.memory_space<hbm>>
    tpu.enqueue_indirect_dma source(%dma_start3A_254 : memref<1015808x16xf32, #tpu.memory_space<hbm>>) target(%dma_start3A_248 : memref<128x16xf32, #tpu.memory_space<vmem>>) offsets(%dma_start3A_251 : memref<128xi32, #tpu.memory_space<vmem>>) semaphore(%arg10 : memref<!tpu.dma_semaphore, #tpu.memory_space<semaphore_mem>>)
    %dma_start3A_255 = arith.constant 19 : i32
    %dma_start3A_256 = arith.constant 0 : i32
    %dma_start3A_257 = arith.constant 19 : i32
    %dma_start3A_258 = arith.constant 0 : i32
    %dma_start3A_259 = arith.constant 0 : i32
    %dma_start3A_260 = tpu.memref_slice %arg7[%dma_start3A_256, %dma_start3A_257, %dma_start3A_258, %dma_start3A_259] : memref<2x20x128x16xf32, #tpu.memory_space<vmem>> -> memref<1x1x128x16xf32, #tpu.memory_space<vmem>>
    %dma_start3A_261 = tpu.memref_squeeze %dma_start3A_260 : memref<1x1x128x16xf32, #tpu.memory_space<vmem>> -> memref<128x16xf32, #tpu.memory_space<vmem>>
    %dma_start3A_262 = arith.constant 0 : i32
    %dma_start3A_263 = tpu.memref_slice %arg6[%dma_start3A_255, %dma_start3A_262] : memref<200x128xi32, #tpu.memory_space<vmem>> -> memref<1x128xi32, #tpu.memory_space<vmem>>
    %dma_start3A_264 = tpu.memref_squeeze %dma_start3A_263 : memref<1x128xi32, #tpu.memory_space<vmem>> -> memref<128xi32, #tpu.memory_space<vmem>>
    %dma_start3A_265 = arith.constant 0 : i32
    %dma_start3A_266 = arith.constant 0 : i32
    %dma_start3A_267 = tpu.memref_slice %arg3[%dma_start3A_265, %dma_start3A_266] : memref<1015808x16xf32, #tpu.memory_space<hbm>> -> memref<1015808x16xf32, #tpu.memory_space<hbm>>
    tpu.enqueue_indirect_dma source(%dma_start3A_267 : memref<1015808x16xf32, #tpu.memory_space<hbm>>) target(%dma_start3A_261 : memref<128x16xf32, #tpu.memory_space<vmem>>) offsets(%dma_start3A_264 : memref<128xi32, #tpu.memory_space<vmem>>) semaphore(%arg10 : memref<!tpu.dma_semaphore, #tpu.memory_space<semaphore_mem>>)
    %scan3A_268 = arith.constant 0 : i32
    %scan3A_269 = arith.constant 5 : i32
    %scan3A_270 = arith.addi %scan3A_268, %scan3A_269 : i32
    %scan3A_271 = arith.constant 1 : i32
    scf.for %scan3A_273 = %scan3A_268 to %scan3A_270 step %scan3A_271  : i32 {
      %mul3A_274 = arith.constant 2 : i32
      %mul3A_275 = arith.muli %scan3A_273, %mul3A_274 : i32
      %add3A_276 = arith.constant 0 : i32
      %add3A_277 = arith.addi %add3A_276, %mul3A_275 : i32
      %add3A_278 = arith.constant 1 : i32
      %add3A_279 = arith.addi %add3A_277, %add3A_278 : i32
      %mul3A_280 = arith.constant 20 : i32
      %mul3A_281 = arith.muli %add3A_279, %mul3A_280 : i32
      %add3A_282 = arith.constant 0 : i32
      %add3A_283 = arith.addi %mul3A_281, %add3A_282 : i32
      %dma_start3A_284 = arith.constant 1 : i32
      %dma_start3A_285 = arith.constant 0 : i32
      %dma_start3A_286 = arith.constant 0 : i32
      %dma_start3A_287 = arith.constant 0 : i32
      %dma_start3A_288 = tpu.memref_slice %arg7[%dma_start3A_284, %dma_start3A_285, %dma_start3A_286, %dma_start3A_287] : memref<2x20x128x16xf32, #tpu.memory_space<vmem>> -> memref<1x1x128x16xf32, #tpu.memory_space<vmem>>
      %dma_start3A_289 = tpu.memref_squeeze %dma_start3A_288 : memref<1x1x128x16xf32, #tpu.memory_space<vmem>> -> memref<128x16xf32, #tpu.memory_space<vmem>>
      %dma_start3A_290 = arith.constant 0 : i32
      %dma_start3A_291 = tpu.memref_slice %arg6[%add3A_283, %dma_start3A_290] : memref<200x128xi32, #tpu.memory_space<vmem>> -> memref<1x128xi32, #tpu.memory_space<vmem>>
      %dma_start3A_292 = tpu.memref_squeeze %dma_start3A_291 : memref<1x128xi32, #tpu.memory_space<vmem>> -> memref<128xi32, #tpu.memory_space<vmem>>
      %dma_start3A_293 = arith.constant 0 : i32
      %dma_start3A_294 = arith.constant 0 : i32
      %dma_start3A_295 = tpu.memref_slice %arg3[%dma_start3A_293, %dma_start3A_294] : memref<1015808x16xf32, #tpu.memory_space<hbm>> -> memref<1015808x16xf32, #tpu.memory_space<hbm>>
      tpu.enqueue_indirect_dma source(%dma_start3A_295 : memref<1015808x16xf32, #tpu.memory_space<hbm>>) target(%dma_start3A_289 : memref<128x16xf32, #tpu.memory_space<vmem>>) offsets(%dma_start3A_292 : memref<128xi32, #tpu.memory_space<vmem>>) semaphore(%arg11 : memref<!tpu.dma_semaphore, #tpu.memory_space<semaphore_mem>>)
      %mul3A_296 = arith.constant 20 : i32
      %mul3A_297 = arith.muli %add3A_279, %mul3A_296 : i32
      %add3A_298 = arith.constant 1 : i32
      %add3A_299 = arith.addi %mul3A_297, %add3A_298 : i32
      %dma_start3A_300 = arith.constant 1 : i32
      %dma_start3A_301 = arith.constant 1 : i32
      %dma_start3A_302 = arith.constant 0 : i32
      %dma_start3A_303 = arith.constant 0 : i32
      %dma_start3A_304 = tpu.memref_slice %arg7[%dma_start3A_300, %dma_start3A_301, %dma_start3A_302, %dma_start3A_303] : memref<2x20x128x16xf32, #tpu.memory_space<vmem>> -> memref<1x1x128x16xf32, #tpu.memory_space<vmem>>
      %dma_start3A_305 = tpu.memref_squeeze %dma_start3A_304 : memref<1x1x128x16xf32, #tpu.memory_space<vmem>> -> memref<128x16xf32, #tpu.memory_space<vmem>>
      %dma_start3A_306 = arith.constant 0 : i32
      %dma_start3A_307 = tpu.memref_slice %arg6[%add3A_299, %dma_start3A_306] : memref<200x128xi32, #tpu.memory_space<vmem>> -> memref<1x128xi32, #tpu.memory_space<vmem>>
      %dma_start3A_308 = tpu.memref_squeeze %dma_start3A_307 : memref<1x128xi32, #tpu.memory_space<vmem>> -> memref<128xi32, #tpu.memory_space<vmem>>
      %dma_start3A_309 = arith.constant 0 : i32
      %dma_start3A_310 = arith.constant 0 : i32
      %dma_start3A_311 = tpu.memref_slice %arg3[%dma_start3A_309, %dma_start3A_310] : memref<1015808x16xf32, #tpu.memory_space<hbm>> -> memref<1015808x16xf32, #tpu.memory_space<hbm>>
      tpu.enqueue_indirect_dma source(%dma_start3A_311 : memref<1015808x16xf32, #tpu.memory_space<hbm>>) target(%dma_start3A_305 : memref<128x16xf32, #tpu.memory_space<vmem>>) offsets(%dma_start3A_308 : memref<128xi32, #tpu.memory_space<vmem>>) semaphore(%arg11 : memref<!tpu.dma_semaphore, #tpu.memory_space<semaphore_mem>>)
      %mul3A_312 = arith.constant 20 : i32
      %mul3A_313 = arith.muli %add3A_279, %mul3A_312 : i32
      %add3A_314 = arith.constant 2 : i32
      %add3A_315 = arith.addi %mul3A_313, %add3A_314 : i32
      %dma_start3A_316 = arith.constant 1 : i32
      %dma_start3A_317 = arith.constant 2 : i32
      %dma_start3A_318 = arith.constant 0 : i32
      %dma_start3A_319 = arith.constant 0 : i32
      %dma_start3A_320 = tpu.memref_slice %arg7[%dma_start3A_316, %dma_start3A_317, %dma_start3A_318, %dma_start3A_319] : memref<2x20x128x16xf32, #tpu.memory_space<vmem>> -> memref<1x1x128x16xf32, #tpu.memory_space<vmem>>
      %dma_start3A_321 = tpu.memref_squeeze %dma_start3A_320 : memref<1x1x128x16xf32, #tpu.memory_space<vmem>> -> memref<128x16xf32, #tpu.memory_space<vmem>>
      %dma_start3A_322 = arith.constant 0 : i32
      %dma_start3A_323 = tpu.memref_slice %arg6[%add3A_315, %dma_start3A_322] : memref<200x128xi32, #tpu.memory_space<vmem>> -> memref<1x128xi32, #tpu.memory_space<vmem>>
      %dma_start3A_324 = tpu.memref_squeeze %dma_start3A_323 : memref<1x128xi32, #tpu.memory_space<vmem>> -> memref<128xi32, #tpu.memory_space<vmem>>
      %dma_start3A_325 = arith.constant 0 : i32
      %dma_start3A_326 = arith.constant 0 : i32
      %dma_start3A_327 = tpu.memref_slice %arg3[%dma_start3A_325, %dma_start3A_326] : memref<1015808x16xf32, #tpu.memory_space<hbm>> -> memref<1015808x16xf32, #tpu.memory_space<hbm>>
      tpu.enqueue_indirect_dma source(%dma_start3A_327 : memref<1015808x16xf32, #tpu.memory_space<hbm>>) target(%dma_start3A_321 : memref<128x16xf32, #tpu.memory_space<vmem>>) offsets(%dma_start3A_324 : memref<128xi32, #tpu.memory_space<vmem>>) semaphore(%arg11 : memref<!tpu.dma_semaphore, #tpu.memory_space<semaphore_mem>>)
      %mul3A_328 = arith.constant 20 : i32
      %mul3A_329 = arith.muli %add3A_279, %mul3A_328 : i32
      %add3A_330 = arith.constant 3 : i32
      %add3A_331 = arith.addi %mul3A_329, %add3A_330 : i32
      %dma_start3A_332 = arith.constant 1 : i32
      %dma_start3A_333 = arith.constant 3 : i32
      %dma_start3A_334 = arith.constant 0 : i32
      %dma_start3A_335 = arith.constant 0 : i32
      %dma_start3A_336 = tpu.memref_slice %arg7[%dma_start3A_332, %dma_start3A_333, %dma_start3A_334, %dma_start3A_335] : memref<2x20x128x16xf32, #tpu.memory_space<vmem>> -> memref<1x1x128x16xf32, #tpu.memory_space<vmem>>
      %dma_start3A_337 = tpu.memref_squeeze %dma_start3A_336 : memref<1x1x128x16xf32, #tpu.memory_space<vmem>> -> memref<128x16xf32, #tpu.memory_space<vmem>>
      %dma_start3A_338 = arith.constant 0 : i32
      %dma_start3A_339 = tpu.memref_slice %arg6[%add3A_331, %dma_start3A_338] : memref<200x128xi32, #tpu.memory_space<vmem>> -> memref<1x128xi32, #tpu.memory_space<vmem>>
      %dma_start3A_340 = tpu.memref_squeeze %dma_start3A_339 : memref<1x128xi32, #tpu.memory_space<vmem>> -> memref<128xi32, #tpu.memory_space<vmem>>
      %dma_start3A_341 = arith.constant 0 : i32
      %dma_start3A_342 = arith.constant 0 : i32
      %dma_start3A_343 = tpu.memref_slice %arg3[%dma_start3A_341, %dma_start3A_342] : memref<1015808x16xf32, #tpu.memory_space<hbm>> -> memref<1015808x16xf32, #tpu.memory_space<hbm>>
      tpu.enqueue_indirect_dma source(%dma_start3A_343 : memref<1015808x16xf32, #tpu.memory_space<hbm>>) target(%dma_start3A_337 : memref<128x16xf32, #tpu.memory_space<vmem>>) offsets(%dma_start3A_340 : memref<128xi32, #tpu.memory_space<vmem>>) semaphore(%arg11 : memref<!tpu.dma_semaphore, #tpu.memory_space<semaphore_mem>>)
      %mul3A_344 = arith.constant 20 : i32
      %mul3A_345 = arith.muli %add3A_279, %mul3A_344 : i32
      %add3A_346 = arith.constant 4 : i32
      %add3A_347 = arith.addi %mul3A_345, %add3A_346 : i32
      %dma_start3A_348 = arith.constant 1 : i32
      %dma_start3A_349 = arith.constant 4 : i32
      %dma_start3A_350 = arith.constant 0 : i32
      %dma_start3A_351 = arith.constant 0 : i32
      %dma_start3A_352 = tpu.memref_slice %arg7[%dma_start3A_348, %dma_start3A_349, %dma_start3A_350, %dma_start3A_351] : memref<2x20x128x16xf32, #tpu.memory_space<vmem>> -> memref<1x1x128x16xf32, #tpu.memory_space<vmem>>
      %dma_start3A_353 = tpu.memref_squeeze %dma_start3A_352 : memref<1x1x128x16xf32, #tpu.memory_space<vmem>> -> memref<128x16xf32, #tpu.memory_space<vmem>>
      %dma_start3A_354 = arith.constant 0 : i32
      %dma_start3A_355 = tpu.memref_slice %arg6[%add3A_347, %dma_start3A_354] : memref<200x128xi32, #tpu.memory_space<vmem>> -> memref<1x128xi32, #tpu.memory_space<vmem>>
      %dma_start3A_356 = tpu.memref_squeeze %dma_start3A_355 : memref<1x128xi32, #tpu.memory_space<vmem>> -> memref<128xi32, #tpu.memory_space<vmem>>
      %dma_start3A_357 = arith.constant 0 : i32
      %dma_start3A_358 = arith.constant 0 : i32
      %dma_start3A_359 = tpu.memref_slice %arg3[%dma_start3A_357, %dma_start3A_358] : memref<1015808x16xf32, #tpu.memory_space<hbm>> -> memref<1015808x16xf32, #tpu.memory_space<hbm>>
      tpu.enqueue_indirect_dma source(%dma_start3A_359 : memref<1015808x16xf32, #tpu.memory_space<hbm>>) target(%dma_start3A_353 : memref<128x16xf32, #tpu.memory_space<vmem>>) offsets(%dma_start3A_356 : memref<128xi32, #tpu.memory_space<vmem>>) semaphore(%arg11 : memref<!tpu.dma_semaphore, #tpu.memory_space<semaphore_mem>>)
      %mul3A_360 = arith.constant 20 : i32
      %mul3A_361 = arith.muli %add3A_279, %mul3A_360 : i32
      %add3A_362 = arith.constant 5 : i32
      %add3A_363 = arith.addi %mul3A_361, %add3A_362 : i32
      %dma_start3A_364 = arith.constant 1 : i32
      %dma_start3A_365 = arith.constant 5 : i32
      %dma_start3A_366 = arith.constant 0 : i32
      %dma_start3A_367 = arith.constant 0 : i32
      %dma_start3A_368 = tpu.memref_slice %arg7[%dma_start3A_364, %dma_start3A_365, %dma_start3A_366, %dma_start3A_367] : memref<2x20x128x16xf32, #tpu.memory_space<vmem>> -> memref<1x1x128x16xf32, #tpu.memory_space<vmem>>
      %dma_start3A_369 = tpu.memref_squeeze %dma_start3A_368 : memref<1x1x128x16xf32, #tpu.memory_space<vmem>> -> memref<128x16xf32, #tpu.memory_space<vmem>>
      %dma_start3A_370 = arith.constant 0 : i32
      %dma_start3A_371 = tpu.memref_slice %arg6[%add3A_363, %dma_start3A_370] : memref<200x128xi32, #tpu.memory_space<vmem>> -> memref<1x128xi32, #tpu.memory_space<vmem>>
      %dma_start3A_372 = tpu.memref_squeeze %dma_start3A_371 : memref<1x128xi32, #tpu.memory_space<vmem>> -> memref<128xi32, #tpu.memory_space<vmem>>
      %dma_start3A_373 = arith.constant 0 : i32
      %dma_start3A_374 = arith.constant 0 : i32
      %dma_start3A_375 = tpu.memref_slice %arg3[%dma_start3A_373, %dma_start3A_374] : memref<1015808x16xf32, #tpu.memory_space<hbm>> -> memref<1015808x16xf32, #tpu.memory_space<hbm>>
      tpu.enqueue_indirect_dma source(%dma_start3A_375 : memref<1015808x16xf32, #tpu.memory_space<hbm>>) target(%dma_start3A_369 : memref<128x16xf32, #tpu.memory_space<vmem>>) offsets(%dma_start3A_372 : memref<128xi32, #tpu.memory_space<vmem>>) semaphore(%arg11 : memref<!tpu.dma_semaphore, #tpu.memory_space<semaphore_mem>>)
      %mul3A_376 = arith.constant 20 : i32
      %mul3A_377 = arith.muli %add3A_279, %mul3A_376 : i32
      %add3A_378 = arith.constant 6 : i32
      %add3A_379 = arith.addi %mul3A_377, %add3A_378 : i32
      %dma_start3A_380 = arith.constant 1 : i32
      %dma_start3A_381 = arith.constant 6 : i32
      %dma_start3A_382 = arith.constant 0 : i32
      %dma_start3A_383 = arith.constant 0 : i32
      %dma_start3A_384 = tpu.memref_slice %arg7[%dma_start3A_380, %dma_start3A_381, %dma_start3A_382, %dma_start3A_383] : memref<2x20x128x16xf32, #tpu.memory_space<vmem>> -> memref<1x1x128x16xf32, #tpu.memory_space<vmem>>
      %dma_start3A_385 = tpu.memref_squeeze %dma_start3A_384 : memref<1x1x128x16xf32, #tpu.memory_space<vmem>> -> memref<128x16xf32, #tpu.memory_space<vmem>>
      %dma_start3A_386 = arith.constant 0 : i32
      %dma_start3A_387 = tpu.memref_slice %arg6[%add3A_379, %dma_start3A_386] : memref<200x128xi32, #tpu.memory_space<vmem>> -> memref<1x128xi32, #tpu.memory_space<vmem>>
      %dma_start3A_388 = tpu.memref_squeeze %dma_start3A_387 : memref<1x128xi32, #tpu.memory_space<vmem>> -> memref<128xi32, #tpu.memory_space<vmem>>
      %dma_start3A_389 = arith.constant 0 : i32
      %dma_start3A_390 = arith.constant 0 : i32
      %dma_start3A_391 = tpu.memref_slice %arg3[%dma_start3A_389, %dma_start3A_390] : memref<1015808x16xf32, #tpu.memory_space<hbm>> -> memref<1015808x16xf32, #tpu.memory_space<hbm>>
      tpu.enqueue_indirect_dma source(%dma_start3A_391 : memref<1015808x16xf32, #tpu.memory_space<hbm>>) target(%dma_start3A_385 : memref<128x16xf32, #tpu.memory_space<vmem>>) offsets(%dma_start3A_388 : memref<128xi32, #tpu.memory_space<vmem>>) semaphore(%arg11 : memref<!tpu.dma_semaphore, #tpu.memory_space<semaphore_mem>>)
      %mul3A_392 = arith.constant 20 : i32
      %mul3A_393 = arith.muli %add3A_279, %mul3A_392 : i32
      %add3A_394 = arith.constant 7 : i32
      %add3A_395 = arith.addi %mul3A_393, %add3A_394 : i32
      %dma_start3A_396 = arith.constant 1 : i32
      %dma_start3A_397 = arith.constant 7 : i32
      %dma_start3A_398 = arith.constant 0 : i32
      %dma_start3A_399 = arith.constant 0 : i32
      %dma_start3A_400 = tpu.memref_slice %arg7[%dma_start3A_396, %dma_start3A_397, %dma_start3A_398, %dma_start3A_399] : memref<2x20x128x16xf32, #tpu.memory_space<vmem>> -> memref<1x1x128x16xf32, #tpu.memory_space<vmem>>
      %dma_start3A_401 = tpu.memref_squeeze %dma_start3A_400 : memref<1x1x128x16xf32, #tpu.memory_space<vmem>> -> memref<128x16xf32, #tpu.memory_space<vmem>>
      %dma_start3A_402 = arith.constant 0 : i32
      %dma_start3A_403 = tpu.memref_slice %arg6[%add3A_395, %dma_start3A_402] : memref<200x128xi32, #tpu.memory_space<vmem>> -> memref<1x128xi32, #tpu.memory_space<vmem>>
      %dma_start3A_404 = tpu.memref_squeeze %dma_start3A_403 : memref<1x128xi32, #tpu.memory_space<vmem>> -> memref<128xi32, #tpu.memory_space<vmem>>
      %dma_start3A_405 = arith.constant 0 : i32
      %dma_start3A_406 = arith.constant 0 : i32
      %dma_start3A_407 = tpu.memref_slice %arg3[%dma_start3A_405, %dma_start3A_406] : memref<1015808x16xf32, #tpu.memory_space<hbm>> -> memref<1015808x16xf32, #tpu.memory_space<hbm>>
      tpu.enqueue_indirect_dma source(%dma_start3A_407 : memref<1015808x16xf32, #tpu.memory_space<hbm>>) target(%dma_start3A_401 : memref<128x16xf32, #tpu.memory_space<vmem>>) offsets(%dma_start3A_404 : memref<128xi32, #tpu.memory_space<vmem>>) semaphore(%arg11 : memref<!tpu.dma_semaphore, #tpu.memory_space<semaphore_mem>>)
      %mul3A_408 = arith.constant 20 : i32
      %mul3A_409 = arith.muli %add3A_279, %mul3A_408 : i32
      %add3A_410 = arith.constant 8 : i32
      %add3A_411 = arith.addi %mul3A_409, %add3A_410 : i32
      %dma_start3A_412 = arith.constant 1 : i32
      %dma_start3A_413 = arith.constant 8 : i32
      %dma_start3A_414 = arith.constant 0 : i32
      %dma_start3A_415 = arith.constant 0 : i32
      %dma_start3A_416 = tpu.memref_slice %arg7[%dma_start3A_412, %dma_start3A_413, %dma_start3A_414, %dma_start3A_415] : memref<2x20x128x16xf32, #tpu.memory_space<vmem>> -> memref<1x1x128x16xf32, #tpu.memory_space<vmem>>
      %dma_start3A_417 = tpu.memref_squeeze %dma_start3A_416 : memref<1x1x128x16xf32, #tpu.memory_space<vmem>> -> memref<128x16xf32, #tpu.memory_space<vmem>>
      %dma_start3A_418 = arith.constant 0 : i32
      %dma_start3A_419 = tpu.memref_slice %arg6[%add3A_411, %dma_start3A_418] : memref<200x128xi32, #tpu.memory_space<vmem>> -> memref<1x128xi32, #tpu.memory_space<vmem>>
      %dma_start3A_420 = tpu.memref_squeeze %dma_start3A_419 : memref<1x128xi32, #tpu.memory_space<vmem>> -> memref<128xi32, #tpu.memory_space<vmem>>
      %dma_start3A_421 = arith.constant 0 : i32
      %dma_start3A_422 = arith.constant 0 : i32
      %dma_start3A_423 = tpu.memref_slice %arg3[%dma_start3A_421, %dma_start3A_422] : memref<1015808x16xf32, #tpu.memory_space<hbm>> -> memref<1015808x16xf32, #tpu.memory_space<hbm>>
      tpu.enqueue_indirect_dma source(%dma_start3A_423 : memref<1015808x16xf32, #tpu.memory_space<hbm>>) target(%dma_start3A_417 : memref<128x16xf32, #tpu.memory_space<vmem>>) offsets(%dma_start3A_420 : memref<128xi32, #tpu.memory_space<vmem>>) semaphore(%arg11 : memref<!tpu.dma_semaphore, #tpu.memory_space<semaphore_mem>>)
      %mul3A_424 = arith.constant 20 : i32
      %mul3A_425 = arith.muli %add3A_279, %mul3A_424 : i32
      %add3A_426 = arith.constant 9 : i32
      %add3A_427 = arith.addi %mul3A_425, %add3A_426 : i32
      %dma_start3A_428 = arith.constant 1 : i32
      %dma_start3A_429 = arith.constant 9 : i32
      %dma_start3A_430 = arith.constant 0 : i32
      %dma_start3A_431 = arith.constant 0 : i32
      %dma_start3A_432 = tpu.memref_slice %arg7[%dma_start3A_428, %dma_start3A_429, %dma_start3A_430, %dma_start3A_431] : memref<2x20x128x16xf32, #tpu.memory_space<vmem>> -> memref<1x1x128x16xf32, #tpu.memory_space<vmem>>
      %dma_start3A_433 = tpu.memref_squeeze %dma_start3A_432 : memref<1x1x128x16xf32, #tpu.memory_space<vmem>> -> memref<128x16xf32, #tpu.memory_space<vmem>>
      %dma_start3A_434 = arith.constant 0 : i32
      %dma_start3A_435 = tpu.memref_slice %arg6[%add3A_427, %dma_start3A_434] : memref<200x128xi32, #tpu.memory_space<vmem>> -> memref<1x128xi32, #tpu.memory_space<vmem>>
      %dma_start3A_436 = tpu.memref_squeeze %dma_start3A_435 : memref<1x128xi32, #tpu.memory_space<vmem>> -> memref<128xi32, #tpu.memory_space<vmem>>
      %dma_start3A_437 = arith.constant 0 : i32
      %dma_start3A_438 = arith.constant 0 : i32
      %dma_start3A_439 = tpu.memref_slice %arg3[%dma_start3A_437, %dma_start3A_438] : memref<1015808x16xf32, #tpu.memory_space<hbm>> -> memref<1015808x16xf32, #tpu.memory_space<hbm>>
      tpu.enqueue_indirect_dma source(%dma_start3A_439 : memref<1015808x16xf32, #tpu.memory_space<hbm>>) target(%dma_start3A_433 : memref<128x16xf32, #tpu.memory_space<vmem>>) offsets(%dma_start3A_436 : memref<128xi32, #tpu.memory_space<vmem>>) semaphore(%arg11 : memref<!tpu.dma_semaphore, #tpu.memory_space<semaphore_mem>>)
      %mul3A_440 = arith.constant 20 : i32
      %mul3A_441 = arith.muli %add3A_279, %mul3A_440 : i32
      %add3A_442 = arith.constant 10 : i32
      %add3A_443 = arith.addi %mul3A_441, %add3A_442 : i32
      %dma_start3A_444 = arith.constant 1 : i32
      %dma_start3A_445 = arith.constant 10 : i32
      %dma_start3A_446 = arith.constant 0 : i32
      %dma_start3A_447 = arith.constant 0 : i32
      %dma_start3A_448 = tpu.memref_slice %arg7[%dma_start3A_444, %dma_start3A_445, %dma_start3A_446, %dma_start3A_447] : memref<2x20x128x16xf32, #tpu.memory_space<vmem>> -> memref<1x1x128x16xf32, #tpu.memory_space<vmem>>
      %dma_start3A_449 = tpu.memref_squeeze %dma_start3A_448 : memref<1x1x128x16xf32, #tpu.memory_space<vmem>> -> memref<128x16xf32, #tpu.memory_space<vmem>>
      %dma_start3A_450 = arith.constant 0 : i32
      %dma_start3A_451 = tpu.memref_slice %arg6[%add3A_443, %dma_start3A_450] : memref<200x128xi32, #tpu.memory_space<vmem>> -> memref<1x128xi32, #tpu.memory_space<vmem>>
      %dma_start3A_452 = tpu.memref_squeeze %dma_start3A_451 : memref<1x128xi32, #tpu.memory_space<vmem>> -> memref<128xi32, #tpu.memory_space<vmem>>
      %dma_start3A_453 = arith.constant 0 : i32
      %dma_start3A_454 = arith.constant 0 : i32
      %dma_start3A_455 = tpu.memref_slice %arg3[%dma_start3A_453, %dma_start3A_454] : memref<1015808x16xf32, #tpu.memory_space<hbm>> -> memref<1015808x16xf32, #tpu.memory_space<hbm>>
      tpu.enqueue_indirect_dma source(%dma_start3A_455 : memref<1015808x16xf32, #tpu.memory_space<hbm>>) target(%dma_start3A_449 : memref<128x16xf32, #tpu.memory_space<vmem>>) offsets(%dma_start3A_452 : memref<128xi32, #tpu.memory_space<vmem>>) semaphore(%arg11 : memref<!tpu.dma_semaphore, #tpu.memory_space<semaphore_mem>>)
      %mul3A_456 = arith.constant 20 : i32
      %mul3A_457 = arith.muli %add3A_279, %mul3A_456 : i32
      %add3A_458 = arith.constant 11 : i32
      %add3A_459 = arith.addi %mul3A_457, %add3A_458 : i32
      %dma_start3A_460 = arith.constant 1 : i32
      %dma_start3A_461 = arith.constant 11 : i32
      %dma_start3A_462 = arith.constant 0 : i32
      %dma_start3A_463 = arith.constant 0 : i32
      %dma_start3A_464 = tpu.memref_slice %arg7[%dma_start3A_460, %dma_start3A_461, %dma_start3A_462, %dma_start3A_463] : memref<2x20x128x16xf32, #tpu.memory_space<vmem>> -> memref<1x1x128x16xf32, #tpu.memory_space<vmem>>
      %dma_start3A_465 = tpu.memref_squeeze %dma_start3A_464 : memref<1x1x128x16xf32, #tpu.memory_space<vmem>> -> memref<128x16xf32, #tpu.memory_space<vmem>>
      %dma_start3A_466 = arith.constant 0 : i32
      %dma_start3A_467 = tpu.memref_slice %arg6[%add3A_459, %dma_start3A_466] : memref<200x128xi32, #tpu.memory_space<vmem>> -> memref<1x128xi32, #tpu.memory_space<vmem>>
      %dma_start3A_468 = tpu.memref_squeeze %dma_start3A_467 : memref<1x128xi32, #tpu.memory_space<vmem>> -> memref<128xi32, #tpu.memory_space<vmem>>
      %dma_start3A_469 = arith.constant 0 : i32
      %dma_start3A_470 = arith.constant 0 : i32
      %dma_start3A_471 = tpu.memref_slice %arg3[%dma_start3A_469, %dma_start3A_470] : memref<1015808x16xf32, #tpu.memory_space<hbm>> -> memref<1015808x16xf32, #tpu.memory_space<hbm>>
      tpu.enqueue_indirect_dma source(%dma_start3A_471 : memref<1015808x16xf32, #tpu.memory_space<hbm>>) target(%dma_start3A_465 : memref<128x16xf32, #tpu.memory_space<vmem>>) offsets(%dma_start3A_468 : memref<128xi32, #tpu.memory_space<vmem>>) semaphore(%arg11 : memref<!tpu.dma_semaphore, #tpu.memory_space<semaphore_mem>>)
      %mul3A_472 = arith.constant 20 : i32
      %mul3A_473 = arith.muli %add3A_279, %mul3A_472 : i32
      %add3A_474 = arith.constant 12 : i32
      %add3A_475 = arith.addi %mul3A_473, %add3A_474 : i32
      %dma_start3A_476 = arith.constant 1 : i32
      %dma_start3A_477 = arith.constant 12 : i32
      %dma_start3A_478 = arith.constant 0 : i32
      %dma_start3A_479 = arith.constant 0 : i32
      %dma_start3A_480 = tpu.memref_slice %arg7[%dma_start3A_476, %dma_start3A_477, %dma_start3A_478, %dma_start3A_479] : memref<2x20x128x16xf32, #tpu.memory_space<vmem>> -> memref<1x1x128x16xf32, #tpu.memory_space<vmem>>
      %dma_start3A_481 = tpu.memref_squeeze %dma_start3A_480 : memref<1x1x128x16xf32, #tpu.memory_space<vmem>> -> memref<128x16xf32, #tpu.memory_space<vmem>>
      %dma_start3A_482 = arith.constant 0 : i32
      %dma_start3A_483 = tpu.memref_slice %arg6[%add3A_475, %dma_start3A_482] : memref<200x128xi32, #tpu.memory_space<vmem>> -> memref<1x128xi32, #tpu.memory_space<vmem>>
      %dma_start3A_484 = tpu.memref_squeeze %dma_start3A_483 : memref<1x128xi32, #tpu.memory_space<vmem>> -> memref<128xi32, #tpu.memory_space<vmem>>
      %dma_start3A_485 = arith.constant 0 : i32
      %dma_start3A_486 = arith.constant 0 : i32
      %dma_start3A_487 = tpu.memref_slice %arg3[%dma_start3A_485, %dma_start3A_486] : memref<1015808x16xf32, #tpu.memory_space<hbm>> -> memref<1015808x16xf32, #tpu.memory_space<hbm>>
      tpu.enqueue_indirect_dma source(%dma_start3A_487 : memref<1015808x16xf32, #tpu.memory_space<hbm>>) target(%dma_start3A_481 : memref<128x16xf32, #tpu.memory_space<vmem>>) offsets(%dma_start3A_484 : memref<128xi32, #tpu.memory_space<vmem>>) semaphore(%arg11 : memref<!tpu.dma_semaphore, #tpu.memory_space<semaphore_mem>>)
      %mul3A_488 = arith.constant 20 : i32
      %mul3A_489 = arith.muli %add3A_279, %mul3A_488 : i32
      %add3A_490 = arith.constant 13 : i32
      %add3A_491 = arith.addi %mul3A_489, %add3A_490 : i32
      %dma_start3A_492 = arith.constant 1 : i32
      %dma_start3A_493 = arith.constant 13 : i32
      %dma_start3A_494 = arith.constant 0 : i32
      %dma_start3A_495 = arith.constant 0 : i32
      %dma_start3A_496 = tpu.memref_slice %arg7[%dma_start3A_492, %dma_start3A_493, %dma_start3A_494, %dma_start3A_495] : memref<2x20x128x16xf32, #tpu.memory_space<vmem>> -> memref<1x1x128x16xf32, #tpu.memory_space<vmem>>
      %dma_start3A_497 = tpu.memref_squeeze %dma_start3A_496 : memref<1x1x128x16xf32, #tpu.memory_space<vmem>> -> memref<128x16xf32, #tpu.memory_space<vmem>>
      %dma_start3A_498 = arith.constant 0 : i32
      %dma_start3A_499 = tpu.memref_slice %arg6[%add3A_491, %dma_start3A_498] : memref<200x128xi32, #tpu.memory_space<vmem>> -> memref<1x128xi32, #tpu.memory_space<vmem>>
      %dma_start3A_500 = tpu.memref_squeeze %dma_start3A_499 : memref<1x128xi32, #tpu.memory_space<vmem>> -> memref<128xi32, #tpu.memory_space<vmem>>
      %dma_start3A_501 = arith.constant 0 : i32
      %dma_start3A_502 = arith.constant 0 : i32
      %dma_start3A_503 = tpu.memref_slice %arg3[%dma_start3A_501, %dma_start3A_502] : memref<1015808x16xf32, #tpu.memory_space<hbm>> -> memref<1015808x16xf32, #tpu.memory_space<hbm>>
      tpu.enqueue_indirect_dma source(%dma_start3A_503 : memref<1015808x16xf32, #tpu.memory_space<hbm>>) target(%dma_start3A_497 : memref<128x16xf32, #tpu.memory_space<vmem>>) offsets(%dma_start3A_500 : memref<128xi32, #tpu.memory_space<vmem>>) semaphore(%arg11 : memref<!tpu.dma_semaphore, #tpu.memory_space<semaphore_mem>>)
      %mul3A_504 = arith.constant 20 : i32
      %mul3A_505 = arith.muli %add3A_279, %mul3A_504 : i32
      %add3A_506 = arith.constant 14 : i32
      %add3A_507 = arith.addi %mul3A_505, %add3A_506 : i32
      %dma_start3A_508 = arith.constant 1 : i32
      %dma_start3A_509 = arith.constant 14 : i32
      %dma_start3A_510 = arith.constant 0 : i32
      %dma_start3A_511 = arith.constant 0 : i32
      %dma_start3A_512 = tpu.memref_slice %arg7[%dma_start3A_508, %dma_start3A_509, %dma_start3A_510, %dma_start3A_511] : memref<2x20x128x16xf32, #tpu.memory_space<vmem>> -> memref<1x1x128x16xf32, #tpu.memory_space<vmem>>
      %dma_start3A_513 = tpu.memref_squeeze %dma_start3A_512 : memref<1x1x128x16xf32, #tpu.memory_space<vmem>> -> memref<128x16xf32, #tpu.memory_space<vmem>>
      %dma_start3A_514 = arith.constant 0 : i32
      %dma_start3A_515 = tpu.memref_slice %arg6[%add3A_507, %dma_start3A_514] : memref<200x128xi32, #tpu.memory_space<vmem>> -> memref<1x128xi32, #tpu.memory_space<vmem>>
      %dma_start3A_516 = tpu.memref_squeeze %dma_start3A_515 : memref<1x128xi32, #tpu.memory_space<vmem>> -> memref<128xi32, #tpu.memory_space<vmem>>
      %dma_start3A_517 = arith.constant 0 : i32
      %dma_start3A_518 = arith.constant 0 : i32
      %dma_start3A_519 = tpu.memref_slice %arg3[%dma_start3A_517, %dma_start3A_518] : memref<1015808x16xf32, #tpu.memory_space<hbm>> -> memref<1015808x16xf32, #tpu.memory_space<hbm>>
      tpu.enqueue_indirect_dma source(%dma_start3A_519 : memref<1015808x16xf32, #tpu.memory_space<hbm>>) target(%dma_start3A_513 : memref<128x16xf32, #tpu.memory_space<vmem>>) offsets(%dma_start3A_516 : memref<128xi32, #tpu.memory_space<vmem>>) semaphore(%arg11 : memref<!tpu.dma_semaphore, #tpu.memory_space<semaphore_mem>>)
      %mul3A_520 = arith.constant 20 : i32
      %mul3A_521 = arith.muli %add3A_279, %mul3A_520 : i32
      %add3A_522 = arith.constant 15 : i32
      %add3A_523 = arith.addi %mul3A_521, %add3A_522 : i32
      %dma_start3A_524 = arith.constant 1 : i32
      %dma_start3A_525 = arith.constant 15 : i32
      %dma_start3A_526 = arith.constant 0 : i32
      %dma_start3A_527 = arith.constant 0 : i32
      %dma_start3A_528 = tpu.memref_slice %arg7[%dma_start3A_524, %dma_start3A_525, %dma_start3A_526, %dma_start3A_527] : memref<2x20x128x16xf32, #tpu.memory_space<vmem>> -> memref<1x1x128x16xf32, #tpu.memory_space<vmem>>
      %dma_start3A_529 = tpu.memref_squeeze %dma_start3A_528 : memref<1x1x128x16xf32, #tpu.memory_space<vmem>> -> memref<128x16xf32, #tpu.memory_space<vmem>>
      %dma_start3A_530 = arith.constant 0 : i32
      %dma_start3A_531 = tpu.memref_slice %arg6[%add3A_523, %dma_start3A_530] : memref<200x128xi32, #tpu.memory_space<vmem>> -> memref<1x128xi32, #tpu.memory_space<vmem>>
      %dma_start3A_532 = tpu.memref_squeeze %dma_start3A_531 : memref<1x128xi32, #tpu.memory_space<vmem>> -> memref<128xi32, #tpu.memory_space<vmem>>
      %dma_start3A_533 = arith.constant 0 : i32
      %dma_start3A_534 = arith.constant 0 : i32
      %dma_start3A_535 = tpu.memref_slice %arg3[%dma_start3A_533, %dma_start3A_534] : memref<1015808x16xf32, #tpu.memory_space<hbm>> -> memref<1015808x16xf32, #tpu.memory_space<hbm>>
      tpu.enqueue_indirect_dma source(%dma_start3A_535 : memref<1015808x16xf32, #tpu.memory_space<hbm>>) target(%dma_start3A_529 : memref<128x16xf32, #tpu.memory_space<vmem>>) offsets(%dma_start3A_532 : memref<128xi32, #tpu.memory_space<vmem>>) semaphore(%arg11 : memref<!tpu.dma_semaphore, #tpu.memory_space<semaphore_mem>>)
      %mul3A_536 = arith.constant 20 : i32
      %mul3A_537 = arith.muli %add3A_279, %mul3A_536 : i32
      %add3A_538 = arith.constant 16 : i32
      %add3A_539 = arith.addi %mul3A_537, %add3A_538 : i32
      %dma_start3A_540 = arith.constant 1 : i32
      %dma_start3A_541 = arith.constant 16 : i32
      %dma_start3A_542 = arith.constant 0 : i32
      %dma_start3A_543 = arith.constant 0 : i32
      %dma_start3A_544 = tpu.memref_slice %arg7[%dma_start3A_540, %dma_start3A_541, %dma_start3A_542, %dma_start3A_543] : memref<2x20x128x16xf32, #tpu.memory_space<vmem>> -> memref<1x1x128x16xf32, #tpu.memory_space<vmem>>
      %dma_start3A_545 = tpu.memref_squeeze %dma_start3A_544 : memref<1x1x128x16xf32, #tpu.memory_space<vmem>> -> memref<128x16xf32, #tpu.memory_space<vmem>>
      %dma_start3A_546 = arith.constant 0 : i32
      %dma_start3A_547 = tpu.memref_slice %arg6[%add3A_539, %dma_start3A_546] : memref<200x128xi32, #tpu.memory_space<vmem>> -> memref<1x128xi32, #tpu.memory_space<vmem>>
      %dma_start3A_548 = tpu.memref_squeeze %dma_start3A_547 : memref<1x128xi32, #tpu.memory_space<vmem>> -> memref<128xi32, #tpu.memory_space<vmem>>
      %dma_start3A_549 = arith.constant 0 : i32
      %dma_start3A_550 = arith.constant 0 : i32
      %dma_start3A_551 = tpu.memref_slice %arg3[%dma_start3A_549, %dma_start3A_550] : memref<1015808x16xf32, #tpu.memory_space<hbm>> -> memref<1015808x16xf32, #tpu.memory_space<hbm>>
      tpu.enqueue_indirect_dma source(%dma_start3A_551 : memref<1015808x16xf32, #tpu.memory_space<hbm>>) target(%dma_start3A_545 : memref<128x16xf32, #tpu.memory_space<vmem>>) offsets(%dma_start3A_548 : memref<128xi32, #tpu.memory_space<vmem>>) semaphore(%arg11 : memref<!tpu.dma_semaphore, #tpu.memory_space<semaphore_mem>>)
      %mul3A_552 = arith.constant 20 : i32
      %mul3A_553 = arith.muli %add3A_279, %mul3A_552 : i32
      %add3A_554 = arith.constant 17 : i32
      %add3A_555 = arith.addi %mul3A_553, %add3A_554 : i32
      %dma_start3A_556 = arith.constant 1 : i32
      %dma_start3A_557 = arith.constant 17 : i32
      %dma_start3A_558 = arith.constant 0 : i32
      %dma_start3A_559 = arith.constant 0 : i32
      %dma_start3A_560 = tpu.memref_slice %arg7[%dma_start3A_556, %dma_start3A_557, %dma_start3A_558, %dma_start3A_559] : memref<2x20x128x16xf32, #tpu.memory_space<vmem>> -> memref<1x1x128x16xf32, #tpu.memory_space<vmem>>
      %dma_start3A_561 = tpu.memref_squeeze %dma_start3A_560 : memref<1x1x128x16xf32, #tpu.memory_space<vmem>> -> memref<128x16xf32, #tpu.memory_space<vmem>>
      %dma_start3A_562 = arith.constant 0 : i32
      %dma_start3A_563 = tpu.memref_slice %arg6[%add3A_555, %dma_start3A_562] : memref<200x128xi32, #tpu.memory_space<vmem>> -> memref<1x128xi32, #tpu.memory_space<vmem>>
      %dma_start3A_564 = tpu.memref_squeeze %dma_start3A_563 : memref<1x128xi32, #tpu.memory_space<vmem>> -> memref<128xi32, #tpu.memory_space<vmem>>
      %dma_start3A_565 = arith.constant 0 : i32
      %dma_start3A_566 = arith.constant 0 : i32
      %dma_start3A_567 = tpu.memref_slice %arg3[%dma_start3A_565, %dma_start3A_566] : memref<1015808x16xf32, #tpu.memory_space<hbm>> -> memref<1015808x16xf32, #tpu.memory_space<hbm>>
      tpu.enqueue_indirect_dma source(%dma_start3A_567 : memref<1015808x16xf32, #tpu.memory_space<hbm>>) target(%dma_start3A_561 : memref<128x16xf32, #tpu.memory_space<vmem>>) offsets(%dma_start3A_564 : memref<128xi32, #tpu.memory_space<vmem>>) semaphore(%arg11 : memref<!tpu.dma_semaphore, #tpu.memory_space<semaphore_mem>>)
      %mul3A_568 = arith.constant 20 : i32
      %mul3A_569 = arith.muli %add3A_279, %mul3A_568 : i32
      %add3A_570 = arith.constant 18 : i32
      %add3A_571 = arith.addi %mul3A_569, %add3A_570 : i32
      %dma_start3A_572 = arith.constant 1 : i32
      %dma_start3A_573 = arith.constant 18 : i32
      %dma_start3A_574 = arith.constant 0 : i32
      %dma_start3A_575 = arith.constant 0 : i32
      %dma_start3A_576 = tpu.memref_slice %arg7[%dma_start3A_572, %dma_start3A_573, %dma_start3A_574, %dma_start3A_575] : memref<2x20x128x16xf32, #tpu.memory_space<vmem>> -> memref<1x1x128x16xf32, #tpu.memory_space<vmem>>
      %dma_start3A_577 = tpu.memref_squeeze %dma_start3A_576 : memref<1x1x128x16xf32, #tpu.memory_space<vmem>> -> memref<128x16xf32, #tpu.memory_space<vmem>>
      %dma_start3A_578 = arith.constant 0 : i32
      %dma_start3A_579 = tpu.memref_slice %arg6[%add3A_571, %dma_start3A_578] : memref<200x128xi32, #tpu.memory_space<vmem>> -> memref<1x128xi32, #tpu.memory_space<vmem>>
      %dma_start3A_580 = tpu.memref_squeeze %dma_start3A_579 : memref<1x128xi32, #tpu.memory_space<vmem>> -> memref<128xi32, #tpu.memory_space<vmem>>
      %dma_start3A_581 = arith.constant 0 : i32
      %dma_start3A_582 = arith.constant 0 : i32
      %dma_start3A_583 = tpu.memref_slice %arg3[%dma_start3A_581, %dma_start3A_582] : memref<1015808x16xf32, #tpu.memory_space<hbm>> -> memref<1015808x16xf32, #tpu.memory_space<hbm>>
      tpu.enqueue_indirect_dma source(%dma_start3A_583 : memref<1015808x16xf32, #tpu.memory_space<hbm>>) target(%dma_start3A_577 : memref<128x16xf32, #tpu.memory_space<vmem>>) offsets(%dma_start3A_580 : memref<128xi32, #tpu.memory_space<vmem>>) semaphore(%arg11 : memref<!tpu.dma_semaphore, #tpu.memory_space<semaphore_mem>>)
      %mul3A_584 = arith.constant 20 : i32
      %mul3A_585 = arith.muli %add3A_279, %mul3A_584 : i32
      %add3A_586 = arith.constant 19 : i32
      %add3A_587 = arith.addi %mul3A_585, %add3A_586 : i32
      %dma_start3A_588 = arith.constant 1 : i32
      %dma_start3A_589 = arith.constant 19 : i32
      %dma_start3A_590 = arith.constant 0 : i32
      %dma_start3A_591 = arith.constant 0 : i32
      %dma_start3A_592 = tpu.memref_slice %arg7[%dma_start3A_588, %dma_start3A_589, %dma_start3A_590, %dma_start3A_591] : memref<2x20x128x16xf32, #tpu.memory_space<vmem>> -> memref<1x1x128x16xf32, #tpu.memory_space<vmem>>
      %dma_start3A_593 = tpu.memref_squeeze %dma_start3A_592 : memref<1x1x128x16xf32, #tpu.memory_space<vmem>> -> memref<128x16xf32, #tpu.memory_space<vmem>>
      %dma_start3A_594 = arith.constant 0 : i32
      %dma_start3A_595 = tpu.memref_slice %arg6[%add3A_587, %dma_start3A_594] : memref<200x128xi32, #tpu.memory_space<vmem>> -> memref<1x128xi32, #tpu.memory_space<vmem>>
      %dma_start3A_596 = tpu.memref_squeeze %dma_start3A_595 : memref<1x128xi32, #tpu.memory_space<vmem>> -> memref<128xi32, #tpu.memory_space<vmem>>
      %dma_start3A_597 = arith.constant 0 : i32
      %dma_start3A_598 = arith.constant 0 : i32
      %dma_start3A_599 = tpu.memref_slice %arg3[%dma_start3A_597, %dma_start3A_598] : memref<1015808x16xf32, #tpu.memory_space<hbm>> -> memref<1015808x16xf32, #tpu.memory_space<hbm>>
      tpu.enqueue_indirect_dma source(%dma_start3A_599 : memref<1015808x16xf32, #tpu.memory_space<hbm>>) target(%dma_start3A_593 : memref<128x16xf32, #tpu.memory_space<vmem>>) offsets(%dma_start3A_596 : memref<128xi32, #tpu.memory_space<vmem>>) semaphore(%arg11 : memref<!tpu.dma_semaphore, #tpu.memory_space<semaphore_mem>>)
      %mul3A_600 = arith.constant 20 : i32
      %mul3A_601 = arith.muli %add3A_277, %mul3A_600 : i32
      %add3A_602 = arith.constant 0 : i32
      %add3A_603 = arith.addi %mul3A_601, %add3A_602 : i32
      %dma_wait3A = arith.constant 0 : i32
      %dma_wait3A_604 = arith.constant 0 : i32
      %dma_wait3A_605 = arith.constant 0 : i32
      %dma_wait3A_606 = arith.constant 0 : i32
      %dma_wait3A_607 = tpu.memref_slice %arg7[%dma_wait3A, %dma_wait3A_604, %dma_wait3A_605, %dma_wait3A_606] : memref<2x20x128x16xf32, #tpu.memory_space<vmem>> -> memref<1x1x128x16xf32, #tpu.memory_space<vmem>>
      %dma_wait3A_608 = tpu.memref_squeeze %dma_wait3A_607 : memref<1x1x128x16xf32, #tpu.memory_space<vmem>> -> memref<128x16xf32, #tpu.memory_space<vmem>>
      %dma_wait3A_609 = arith.constant 0 : i32
      %dma_wait3A_610 = tpu.memref_slice %arg6[%add3A_603, %dma_wait3A_609] : memref<200x128xi32, #tpu.memory_space<vmem>> -> memref<1x128xi32, #tpu.memory_space<vmem>>
      %dma_wait3A_611 = tpu.memref_squeeze %dma_wait3A_610 : memref<1x128xi32, #tpu.memory_space<vmem>> -> memref<128xi32, #tpu.memory_space<vmem>>
      %dma_wait3A_612 = arith.constant 0 : i32
      %dma_wait3A_613 = arith.constant 0 : i32
      %dma_wait3A_614 = tpu.memref_slice %arg3[%dma_wait3A_612, %dma_wait3A_613] : memref<1015808x16xf32, #tpu.memory_space<hbm>> -> memref<1015808x16xf32, #tpu.memory_space<hbm>>
      tpu.wait_indirect_dma semaphore(%arg10 : memref<!tpu.dma_semaphore, #tpu.memory_space<semaphore_mem>>) src(%dma_wait3A_614 : memref<1015808x16xf32, #tpu.memory_space<hbm>>) dst(%dma_wait3A_608 : memref<128x16xf32, #tpu.memory_space<vmem>>)
      %mul3A_615 = arith.constant 20 : i32
      %mul3A_616 = arith.muli %add3A_277, %mul3A_615 : i32
      %add3A_617 = arith.constant 1 : i32
      %add3A_618 = arith.addi %mul3A_616, %add3A_617 : i32
      %dma_wait3A_619 = arith.constant 0 : i32
      %dma_wait3A_620 = arith.constant 1 : i32
      %dma_wait3A_621 = arith.constant 0 : i32
      %dma_wait3A_622 = arith.constant 0 : i32
      %dma_wait3A_623 = tpu.memref_slice %arg7[%dma_wait3A_619, %dma_wait3A_620, %dma_wait3A_621, %dma_wait3A_622] : memref<2x20x128x16xf32, #tpu.memory_space<vmem>> -> memref<1x1x128x16xf32, #tpu.memory_space<vmem>>
      %dma_wait3A_624 = tpu.memref_squeeze %dma_wait3A_623 : memref<1x1x128x16xf32, #tpu.memory_space<vmem>> -> memref<128x16xf32, #tpu.memory_space<vmem>>
      %dma_wait3A_625 = arith.constant 0 : i32
      %dma_wait3A_626 = tpu.memref_slice %arg6[%add3A_618, %dma_wait3A_625] : memref<200x128xi32, #tpu.memory_space<vmem>> -> memref<1x128xi32, #tpu.memory_space<vmem>>
      %dma_wait3A_627 = tpu.memref_squeeze %dma_wait3A_626 : memref<1x128xi32, #tpu.memory_space<vmem>> -> memref<128xi32, #tpu.memory_space<vmem>>
      %dma_wait3A_628 = arith.constant 0 : i32
      %dma_wait3A_629 = arith.constant 0 : i32
      %dma_wait3A_630 = tpu.memref_slice %arg3[%dma_wait3A_628, %dma_wait3A_629] : memref<1015808x16xf32, #tpu.memory_space<hbm>> -> memref<1015808x16xf32, #tpu.memory_space<hbm>>
      tpu.wait_indirect_dma semaphore(%arg10 : memref<!tpu.dma_semaphore, #tpu.memory_space<semaphore_mem>>) src(%dma_wait3A_630 : memref<1015808x16xf32, #tpu.memory_space<hbm>>) dst(%dma_wait3A_624 : memref<128x16xf32, #tpu.memory_space<vmem>>)
      %mul3A_631 = arith.constant 20 : i32
      %mul3A_632 = arith.muli %add3A_277, %mul3A_631 : i32
      %add3A_633 = arith.constant 2 : i32
      %add3A_634 = arith.addi %mul3A_632, %add3A_633 : i32
      %dma_wait3A_635 = arith.constant 0 : i32
      %dma_wait3A_636 = arith.constant 2 : i32
      %dma_wait3A_637 = arith.constant 0 : i32
      %dma_wait3A_638 = arith.constant 0 : i32
      %dma_wait3A_639 = tpu.memref_slice %arg7[%dma_wait3A_635, %dma_wait3A_636, %dma_wait3A_637, %dma_wait3A_638] : memref<2x20x128x16xf32, #tpu.memory_space<vmem>> -> memref<1x1x128x16xf32, #tpu.memory_space<vmem>>
      %dma_wait3A_640 = tpu.memref_squeeze %dma_wait3A_639 : memref<1x1x128x16xf32, #tpu.memory_space<vmem>> -> memref<128x16xf32, #tpu.memory_space<vmem>>
      %dma_wait3A_641 = arith.constant 0 : i32
      %dma_wait3A_642 = tpu.memref_slice %arg6[%add3A_634, %dma_wait3A_641] : memref<200x128xi32, #tpu.memory_space<vmem>> -> memref<1x128xi32, #tpu.memory_space<vmem>>
      %dma_wait3A_643 = tpu.memref_squeeze %dma_wait3A_642 : memref<1x128xi32, #tpu.memory_space<vmem>> -> memref<128xi32, #tpu.memory_space<vmem>>
      %dma_wait3A_644 = arith.constant 0 : i32
      %dma_wait3A_645 = arith.constant 0 : i32
      %dma_wait3A_646 = tpu.memref_slice %arg3[%dma_wait3A_644, %dma_wait3A_645] : memref<1015808x16xf32, #tpu.memory_space<hbm>> -> memref<1015808x16xf32, #tpu.memory_space<hbm>>
      tpu.wait_indirect_dma semaphore(%arg10 : memref<!tpu.dma_semaphore, #tpu.memory_space<semaphore_mem>>) src(%dma_wait3A_646 : memref<1015808x16xf32, #tpu.memory_space<hbm>>) dst(%dma_wait3A_640 : memref<128x16xf32, #tpu.memory_space<vmem>>)
      %mul3A_647 = arith.constant 20 : i32
      %mul3A_648 = arith.muli %add3A_277, %mul3A_647 : i32
      %add3A_649 = arith.constant 3 : i32
      %add3A_650 = arith.addi %mul3A_648, %add3A_649 : i32
      %dma_wait3A_651 = arith.constant 0 : i32
      %dma_wait3A_652 = arith.constant 3 : i32
      %dma_wait3A_653 = arith.constant 0 : i32
      %dma_wait3A_654 = arith.constant 0 : i32
      %dma_wait3A_655 = tpu.memref_slice %arg7[%dma_wait3A_651, %dma_wait3A_652, %dma_wait3A_653, %dma_wait3A_654] : memref<2x20x128x16xf32, #tpu.memory_space<vmem>> -> memref<1x1x128x16xf32, #tpu.memory_space<vmem>>
      %dma_wait3A_656 = tpu.memref_squeeze %dma_wait3A_655 : memref<1x1x128x16xf32, #tpu.memory_space<vmem>> -> memref<128x16xf32, #tpu.memory_space<vmem>>
      %dma_wait3A_657 = arith.constant 0 : i32
      %dma_wait3A_658 = tpu.memref_slice %arg6[%add3A_650, %dma_wait3A_657] : memref<200x128xi32, #tpu.memory_space<vmem>> -> memref<1x128xi32, #tpu.memory_space<vmem>>
      %dma_wait3A_659 = tpu.memref_squeeze %dma_wait3A_658 : memref<1x128xi32, #tpu.memory_space<vmem>> -> memref<128xi32, #tpu.memory_space<vmem>>
      %dma_wait3A_660 = arith.constant 0 : i32
      %dma_wait3A_661 = arith.constant 0 : i32
      %dma_wait3A_662 = tpu.memref_slice %arg3[%dma_wait3A_660, %dma_wait3A_661] : memref<1015808x16xf32, #tpu.memory_space<hbm>> -> memref<1015808x16xf32, #tpu.memory_space<hbm>>
      tpu.wait_indirect_dma semaphore(%arg10 : memref<!tpu.dma_semaphore, #tpu.memory_space<semaphore_mem>>) src(%dma_wait3A_662 : memref<1015808x16xf32, #tpu.memory_space<hbm>>) dst(%dma_wait3A_656 : memref<128x16xf32, #tpu.memory_space<vmem>>)
      %mul3A_663 = arith.constant 20 : i32
      %mul3A_664 = arith.muli %add3A_277, %mul3A_663 : i32
      %add3A_665 = arith.constant 4 : i32
      %add3A_666 = arith.addi %mul3A_664, %add3A_665 : i32
      %dma_wait3A_667 = arith.constant 0 : i32
      %dma_wait3A_668 = arith.constant 4 : i32
      %dma_wait3A_669 = arith.constant 0 : i32
      %dma_wait3A_670 = arith.constant 0 : i32
      %dma_wait3A_671 = tpu.memref_slice %arg7[%dma_wait3A_667, %dma_wait3A_668, %dma_wait3A_669, %dma_wait3A_670] : memref<2x20x128x16xf32, #tpu.memory_space<vmem>> -> memref<1x1x128x16xf32, #tpu.memory_space<vmem>>
      %dma_wait3A_672 = tpu.memref_squeeze %dma_wait3A_671 : memref<1x1x128x16xf32, #tpu.memory_space<vmem>> -> memref<128x16xf32, #tpu.memory_space<vmem>>
      %dma_wait3A_673 = arith.constant 0 : i32
      %dma_wait3A_674 = tpu.memref_slice %arg6[%add3A_666, %dma_wait3A_673] : memref<200x128xi32, #tpu.memory_space<vmem>> -> memref<1x128xi32, #tpu.memory_space<vmem>>
      %dma_wait3A_675 = tpu.memref_squeeze %dma_wait3A_674 : memref<1x128xi32, #tpu.memory_space<vmem>> -> memref<128xi32, #tpu.memory_space<vmem>>
      %dma_wait3A_676 = arith.constant 0 : i32
      %dma_wait3A_677 = arith.constant 0 : i32
      %dma_wait3A_678 = tpu.memref_slice %arg3[%dma_wait3A_676, %dma_wait3A_677] : memref<1015808x16xf32, #tpu.memory_space<hbm>> -> memref<1015808x16xf32, #tpu.memory_space<hbm>>
      tpu.wait_indirect_dma semaphore(%arg10 : memref<!tpu.dma_semaphore, #tpu.memory_space<semaphore_mem>>) src(%dma_wait3A_678 : memref<1015808x16xf32, #tpu.memory_space<hbm>>) dst(%dma_wait3A_672 : memref<128x16xf32, #tpu.memory_space<vmem>>)
      %mul3A_679 = arith.constant 20 : i32
      %mul3A_680 = arith.muli %add3A_277, %mul3A_679 : i32
      %add3A_681 = arith.constant 5 : i32
      %add3A_682 = arith.addi %mul3A_680, %add3A_681 : i32
      %dma_wait3A_683 = arith.constant 0 : i32
      %dma_wait3A_684 = arith.constant 5 : i32
      %dma_wait3A_685 = arith.constant 0 : i32
      %dma_wait3A_686 = arith.constant 0 : i32
      %dma_wait3A_687 = tpu.memref_slice %arg7[%dma_wait3A_683, %dma_wait3A_684, %dma_wait3A_685, %dma_wait3A_686] : memref<2x20x128x16xf32, #tpu.memory_space<vmem>> -> memref<1x1x128x16xf32, #tpu.memory_space<vmem>>
      %dma_wait3A_688 = tpu.memref_squeeze %dma_wait3A_687 : memref<1x1x128x16xf32, #tpu.memory_space<vmem>> -> memref<128x16xf32, #tpu.memory_space<vmem>>
      %dma_wait3A_689 = arith.constant 0 : i32
      %dma_wait3A_690 = tpu.memref_slice %arg6[%add3A_682, %dma_wait3A_689] : memref<200x128xi32, #tpu.memory_space<vmem>> -> memref<1x128xi32, #tpu.memory_space<vmem>>
      %dma_wait3A_691 = tpu.memref_squeeze %dma_wait3A_690 : memref<1x128xi32, #tpu.memory_space<vmem>> -> memref<128xi32, #tpu.memory_space<vmem>>
      %dma_wait3A_692 = arith.constant 0 : i32
      %dma_wait3A_693 = arith.constant 0 : i32
      %dma_wait3A_694 = tpu.memref_slice %arg3[%dma_wait3A_692, %dma_wait3A_693] : memref<1015808x16xf32, #tpu.memory_space<hbm>> -> memref<1015808x16xf32, #tpu.memory_space<hbm>>
      tpu.wait_indirect_dma semaphore(%arg10 : memref<!tpu.dma_semaphore, #tpu.memory_space<semaphore_mem>>) src(%dma_wait3A_694 : memref<1015808x16xf32, #tpu.memory_space<hbm>>) dst(%dma_wait3A_688 : memref<128x16xf32, #tpu.memory_space<vmem>>)
      %mul3A_695 = arith.constant 20 : i32
      %mul3A_696 = arith.muli %add3A_277, %mul3A_695 : i32
      %add3A_697 = arith.constant 6 : i32
      %add3A_698 = arith.addi %mul3A_696, %add3A_697 : i32
      %dma_wait3A_699 = arith.constant 0 : i32
      %dma_wait3A_700 = arith.constant 6 : i32
      %dma_wait3A_701 = arith.constant 0 : i32
      %dma_wait3A_702 = arith.constant 0 : i32
      %dma_wait3A_703 = tpu.memref_slice %arg7[%dma_wait3A_699, %dma_wait3A_700, %dma_wait3A_701, %dma_wait3A_702] : memref<2x20x128x16xf32, #tpu.memory_space<vmem>> -> memref<1x1x128x16xf32, #tpu.memory_space<vmem>>
      %dma_wait3A_704 = tpu.memref_squeeze %dma_wait3A_703 : memref<1x1x128x16xf32, #tpu.memory_space<vmem>> -> memref<128x16xf32, #tpu.memory_space<vmem>>
      %dma_wait3A_705 = arith.constant 0 : i32
      %dma_wait3A_706 = tpu.memref_slice %arg6[%add3A_698, %dma_wait3A_705] : memref<200x128xi32, #tpu.memory_space<vmem>> -> memref<1x128xi32, #tpu.memory_space<vmem>>
      %dma_wait3A_707 = tpu.memref_squeeze %dma_wait3A_706 : memref<1x128xi32, #tpu.memory_space<vmem>> -> memref<128xi32, #tpu.memory_space<vmem>>
      %dma_wait3A_708 = arith.constant 0 : i32
      %dma_wait3A_709 = arith.constant 0 : i32
      %dma_wait3A_710 = tpu.memref_slice %arg3[%dma_wait3A_708, %dma_wait3A_709] : memref<1015808x16xf32, #tpu.memory_space<hbm>> -> memref<1015808x16xf32, #tpu.memory_space<hbm>>
      tpu.wait_indirect_dma semaphore(%arg10 : memref<!tpu.dma_semaphore, #tpu.memory_space<semaphore_mem>>) src(%dma_wait3A_710 : memref<1015808x16xf32, #tpu.memory_space<hbm>>) dst(%dma_wait3A_704 : memref<128x16xf32, #tpu.memory_space<vmem>>)
      %mul3A_711 = arith.constant 20 : i32
      %mul3A_712 = arith.muli %add3A_277, %mul3A_711 : i32
      %add3A_713 = arith.constant 7 : i32
      %add3A_714 = arith.addi %mul3A_712, %add3A_713 : i32
      %dma_wait3A_715 = arith.constant 0 : i32
      %dma_wait3A_716 = arith.constant 7 : i32
      %dma_wait3A_717 = arith.constant 0 : i32
      %dma_wait3A_718 = arith.constant 0 : i32
      %dma_wait3A_719 = tpu.memref_slice %arg7[%dma_wait3A_715, %dma_wait3A_716, %dma_wait3A_717, %dma_wait3A_718] : memref<2x20x128x16xf32, #tpu.memory_space<vmem>> -> memref<1x1x128x16xf32, #tpu.memory_space<vmem>>
      %dma_wait3A_720 = tpu.memref_squeeze %dma_wait3A_719 : memref<1x1x128x16xf32, #tpu.memory_space<vmem>> -> memref<128x16xf32, #tpu.memory_space<vmem>>
      %dma_wait3A_721 = arith.constant 0 : i32
      %dma_wait3A_722 = tpu.memref_slice %arg6[%add3A_714, %dma_wait3A_721] : memref<200x128xi32, #tpu.memory_space<vmem>> -> memref<1x128xi32, #tpu.memory_space<vmem>>
      %dma_wait3A_723 = tpu.memref_squeeze %dma_wait3A_722 : memref<1x128xi32, #tpu.memory_space<vmem>> -> memref<128xi32, #tpu.memory_space<vmem>>
      %dma_wait3A_724 = arith.constant 0 : i32
      %dma_wait3A_725 = arith.constant 0 : i32
      %dma_wait3A_726 = tpu.memref_slice %arg3[%dma_wait3A_724, %dma_wait3A_725] : memref<1015808x16xf32, #tpu.memory_space<hbm>> -> memref<1015808x16xf32, #tpu.memory_space<hbm>>
      tpu.wait_indirect_dma semaphore(%arg10 : memref<!tpu.dma_semaphore, #tpu.memory_space<semaphore_mem>>) src(%dma_wait3A_726 : memref<1015808x16xf32, #tpu.memory_space<hbm>>) dst(%dma_wait3A_720 : memref<128x16xf32, #tpu.memory_space<vmem>>)
      %mul3A_727 = arith.constant 20 : i32
      %mul3A_728 = arith.muli %add3A_277, %mul3A_727 : i32
      %add3A_729 = arith.constant 8 : i32
      %add3A_730 = arith.addi %mul3A_728, %add3A_729 : i32
      %dma_wait3A_731 = arith.constant 0 : i32
      %dma_wait3A_732 = arith.constant 8 : i32
      %dma_wait3A_733 = arith.constant 0 : i32
      %dma_wait3A_734 = arith.constant 0 : i32
      %dma_wait3A_735 = tpu.memref_slice %arg7[%dma_wait3A_731, %dma_wait3A_732, %dma_wait3A_733, %dma_wait3A_734] : memref<2x20x128x16xf32, #tpu.memory_space<vmem>> -> memref<1x1x128x16xf32, #tpu.memory_space<vmem>>
      %dma_wait3A_736 = tpu.memref_squeeze %dma_wait3A_735 : memref<1x1x128x16xf32, #tpu.memory_space<vmem>> -> memref<128x16xf32, #tpu.memory_space<vmem>>
      %dma_wait3A_737 = arith.constant 0 : i32
      %dma_wait3A_738 = tpu.memref_slice %arg6[%add3A_730, %dma_wait3A_737] : memref<200x128xi32, #tpu.memory_space<vmem>> -> memref<1x128xi32, #tpu.memory_space<vmem>>
      %dma_wait3A_739 = tpu.memref_squeeze %dma_wait3A_738 : memref<1x128xi32, #tpu.memory_space<vmem>> -> memref<128xi32, #tpu.memory_space<vmem>>
      %dma_wait3A_740 = arith.constant 0 : i32
      %dma_wait3A_741 = arith.constant 0 : i32
      %dma_wait3A_742 = tpu.memref_slice %arg3[%dma_wait3A_740, %dma_wait3A_741] : memref<1015808x16xf32, #tpu.memory_space<hbm>> -> memref<1015808x16xf32, #tpu.memory_space<hbm>>
      tpu.wait_indirect_dma semaphore(%arg10 : memref<!tpu.dma_semaphore, #tpu.memory_space<semaphore_mem>>) src(%dma_wait3A_742 : memref<1015808x16xf32, #tpu.memory_space<hbm>>) dst(%dma_wait3A_736 : memref<128x16xf32, #tpu.memory_space<vmem>>)
      %mul3A_743 = arith.constant 20 : i32
      %mul3A_744 = arith.muli %add3A_277, %mul3A_743 : i32
      %add3A_745 = arith.constant 9 : i32
      %add3A_746 = arith.addi %mul3A_744, %add3A_745 : i32
      %dma_wait3A_747 = arith.constant 0 : i32
      %dma_wait3A_748 = arith.constant 9 : i32
      %dma_wait3A_749 = arith.constant 0 : i32
      %dma_wait3A_750 = arith.constant 0 : i32
      %dma_wait3A_751 = tpu.memref_slice %arg7[%dma_wait3A_747, %dma_wait3A_748, %dma_wait3A_749, %dma_wait3A_750] : memref<2x20x128x16xf32, #tpu.memory_space<vmem>> -> memref<1x1x128x16xf32, #tpu.memory_space<vmem>>
      %dma_wait3A_752 = tpu.memref_squeeze %dma_wait3A_751 : memref<1x1x128x16xf32, #tpu.memory_space<vmem>> -> memref<128x16xf32, #tpu.memory_space<vmem>>
      %dma_wait3A_753 = arith.constant 0 : i32
      %dma_wait3A_754 = tpu.memref_slice %arg6[%add3A_746, %dma_wait3A_753] : memref<200x128xi32, #tpu.memory_space<vmem>> -> memref<1x128xi32, #tpu.memory_space<vmem>>
      %dma_wait3A_755 = tpu.memref_squeeze %dma_wait3A_754 : memref<1x128xi32, #tpu.memory_space<vmem>> -> memref<128xi32, #tpu.memory_space<vmem>>
      %dma_wait3A_756 = arith.constant 0 : i32
      %dma_wait3A_757 = arith.constant 0 : i32
      %dma_wait3A_758 = tpu.memref_slice %arg3[%dma_wait3A_756, %dma_wait3A_757] : memref<1015808x16xf32, #tpu.memory_space<hbm>> -> memref<1015808x16xf32, #tpu.memory_space<hbm>>
      tpu.wait_indirect_dma semaphore(%arg10 : memref<!tpu.dma_semaphore, #tpu.memory_space<semaphore_mem>>) src(%dma_wait3A_758 : memref<1015808x16xf32, #tpu.memory_space<hbm>>) dst(%dma_wait3A_752 : memref<128x16xf32, #tpu.memory_space<vmem>>)
      %mul3A_759 = arith.constant 20 : i32
      %mul3A_760 = arith.muli %add3A_277, %mul3A_759 : i32
      %add3A_761 = arith.constant 10 : i32
      %add3A_762 = arith.addi %mul3A_760, %add3A_761 : i32
      %dma_wait3A_763 = arith.constant 0 : i32
      %dma_wait3A_764 = arith.constant 10 : i32
      %dma_wait3A_765 = arith.constant 0 : i32
      %dma_wait3A_766 = arith.constant 0 : i32
      %dma_wait3A_767 = tpu.memref_slice %arg7[%dma_wait3A_763, %dma_wait3A_764, %dma_wait3A_765, %dma_wait3A_766] : memref<2x20x128x16xf32, #tpu.memory_space<vmem>> -> memref<1x1x128x16xf32, #tpu.memory_space<vmem>>
      %dma_wait3A_768 = tpu.memref_squeeze %dma_wait3A_767 : memref<1x1x128x16xf32, #tpu.memory_space<vmem>> -> memref<128x16xf32, #tpu.memory_space<vmem>>
      %dma_wait3A_769 = arith.constant 0 : i32
      %dma_wait3A_770 = tpu.memref_slice %arg6[%add3A_762, %dma_wait3A_769] : memref<200x128xi32, #tpu.memory_space<vmem>> -> memref<1x128xi32, #tpu.memory_space<vmem>>
      %dma_wait3A_771 = tpu.memref_squeeze %dma_wait3A_770 : memref<1x128xi32, #tpu.memory_space<vmem>> -> memref<128xi32, #tpu.memory_space<vmem>>
      %dma_wait3A_772 = arith.constant 0 : i32
      %dma_wait3A_773 = arith.constant 0 : i32
      %dma_wait3A_774 = tpu.memref_slice %arg3[%dma_wait3A_772, %dma_wait3A_773] : memref<1015808x16xf32, #tpu.memory_space<hbm>> -> memref<1015808x16xf32, #tpu.memory_space<hbm>>
      tpu.wait_indirect_dma semaphore(%arg10 : memref<!tpu.dma_semaphore, #tpu.memory_space<semaphore_mem>>) src(%dma_wait3A_774 : memref<1015808x16xf32, #tpu.memory_space<hbm>>) dst(%dma_wait3A_768 : memref<128x16xf32, #tpu.memory_space<vmem>>)
      %mul3A_775 = arith.constant 20 : i32
      %mul3A_776 = arith.muli %add3A_277, %mul3A_775 : i32
      %add3A_777 = arith.constant 11 : i32
      %add3A_778 = arith.addi %mul3A_776, %add3A_777 : i32
      %dma_wait3A_779 = arith.constant 0 : i32
      %dma_wait3A_780 = arith.constant 11 : i32
      %dma_wait3A_781 = arith.constant 0 : i32
      %dma_wait3A_782 = arith.constant 0 : i32
      %dma_wait3A_783 = tpu.memref_slice %arg7[%dma_wait3A_779, %dma_wait3A_780, %dma_wait3A_781, %dma_wait3A_782] : memref<2x20x128x16xf32, #tpu.memory_space<vmem>> -> memref<1x1x128x16xf32, #tpu.memory_space<vmem>>
      %dma_wait3A_784 = tpu.memref_squeeze %dma_wait3A_783 : memref<1x1x128x16xf32, #tpu.memory_space<vmem>> -> memref<128x16xf32, #tpu.memory_space<vmem>>
      %dma_wait3A_785 = arith.constant 0 : i32
      %dma_wait3A_786 = tpu.memref_slice %arg6[%add3A_778, %dma_wait3A_785] : memref<200x128xi32, #tpu.memory_space<vmem>> -> memref<1x128xi32, #tpu.memory_space<vmem>>
      %dma_wait3A_787 = tpu.memref_squeeze %dma_wait3A_786 : memref<1x128xi32, #tpu.memory_space<vmem>> -> memref<128xi32, #tpu.memory_space<vmem>>
      %dma_wait3A_788 = arith.constant 0 : i32
      %dma_wait3A_789 = arith.constant 0 : i32
      %dma_wait3A_790 = tpu.memref_slice %arg3[%dma_wait3A_788, %dma_wait3A_789] : memref<1015808x16xf32, #tpu.memory_space<hbm>> -> memref<1015808x16xf32, #tpu.memory_space<hbm>>
      tpu.wait_indirect_dma semaphore(%arg10 : memref<!tpu.dma_semaphore, #tpu.memory_space<semaphore_mem>>) src(%dma_wait3A_790 : memref<1015808x16xf32, #tpu.memory_space<hbm>>) dst(%dma_wait3A_784 : memref<128x16xf32, #tpu.memory_space<vmem>>)
      %mul3A_791 = arith.constant 20 : i32
      %mul3A_792 = arith.muli %add3A_277, %mul3A_791 : i32
      %add3A_793 = arith.constant 12 : i32
      %add3A_794 = arith.addi %mul3A_792, %add3A_793 : i32
      %dma_wait3A_795 = arith.constant 0 : i32
      %dma_wait3A_796 = arith.constant 12 : i32
      %dma_wait3A_797 = arith.constant 0 : i32
      %dma_wait3A_798 = arith.constant 0 : i32
      %dma_wait3A_799 = tpu.memref_slice %arg7[%dma_wait3A_795, %dma_wait3A_796, %dma_wait3A_797, %dma_wait3A_798] : memref<2x20x128x16xf32, #tpu.memory_space<vmem>> -> memref<1x1x128x16xf32, #tpu.memory_space<vmem>>
      %dma_wait3A_800 = tpu.memref_squeeze %dma_wait3A_799 : memref<1x1x128x16xf32, #tpu.memory_space<vmem>> -> memref<128x16xf32, #tpu.memory_space<vmem>>
      %dma_wait3A_801 = arith.constant 0 : i32
      %dma_wait3A_802 = tpu.memref_slice %arg6[%add3A_794, %dma_wait3A_801] : memref<200x128xi32, #tpu.memory_space<vmem>> -> memref<1x128xi32, #tpu.memory_space<vmem>>
      %dma_wait3A_803 = tpu.memref_squeeze %dma_wait3A_802 : memref<1x128xi32, #tpu.memory_space<vmem>> -> memref<128xi32, #tpu.memory_space<vmem>>
      %dma_wait3A_804 = arith.constant 0 : i32
      %dma_wait3A_805 = arith.constant 0 : i32
      %dma_wait3A_806 = tpu.memref_slice %arg3[%dma_wait3A_804, %dma_wait3A_805] : memref<1015808x16xf32, #tpu.memory_space<hbm>> -> memref<1015808x16xf32, #tpu.memory_space<hbm>>
      tpu.wait_indirect_dma semaphore(%arg10 : memref<!tpu.dma_semaphore, #tpu.memory_space<semaphore_mem>>) src(%dma_wait3A_806 : memref<1015808x16xf32, #tpu.memory_space<hbm>>) dst(%dma_wait3A_800 : memref<128x16xf32, #tpu.memory_space<vmem>>)
      %mul3A_807 = arith.constant 20 : i32
      %mul3A_808 = arith.muli %add3A_277, %mul3A_807 : i32
      %add3A_809 = arith.constant 13 : i32
      %add3A_810 = arith.addi %mul3A_808, %add3A_809 : i32
      %dma_wait3A_811 = arith.constant 0 : i32
      %dma_wait3A_812 = arith.constant 13 : i32
      %dma_wait3A_813 = arith.constant 0 : i32
      %dma_wait3A_814 = arith.constant 0 : i32
      %dma_wait3A_815 = tpu.memref_slice %arg7[%dma_wait3A_811, %dma_wait3A_812, %dma_wait3A_813, %dma_wait3A_814] : memref<2x20x128x16xf32, #tpu.memory_space<vmem>> -> memref<1x1x128x16xf32, #tpu.memory_space<vmem>>
      %dma_wait3A_816 = tpu.memref_squeeze %dma_wait3A_815 : memref<1x1x128x16xf32, #tpu.memory_space<vmem>> -> memref<128x16xf32, #tpu.memory_space<vmem>>
      %dma_wait3A_817 = arith.constant 0 : i32
      %dma_wait3A_818 = tpu.memref_slice %arg6[%add3A_810, %dma_wait3A_817] : memref<200x128xi32, #tpu.memory_space<vmem>> -> memref<1x128xi32, #tpu.memory_space<vmem>>
      %dma_wait3A_819 = tpu.memref_squeeze %dma_wait3A_818 : memref<1x128xi32, #tpu.memory_space<vmem>> -> memref<128xi32, #tpu.memory_space<vmem>>
      %dma_wait3A_820 = arith.constant 0 : i32
      %dma_wait3A_821 = arith.constant 0 : i32
      %dma_wait3A_822 = tpu.memref_slice %arg3[%dma_wait3A_820, %dma_wait3A_821] : memref<1015808x16xf32, #tpu.memory_space<hbm>> -> memref<1015808x16xf32, #tpu.memory_space<hbm>>
      tpu.wait_indirect_dma semaphore(%arg10 : memref<!tpu.dma_semaphore, #tpu.memory_space<semaphore_mem>>) src(%dma_wait3A_822 : memref<1015808x16xf32, #tpu.memory_space<hbm>>) dst(%dma_wait3A_816 : memref<128x16xf32, #tpu.memory_space<vmem>>)
      %mul3A_823 = arith.constant 20 : i32
      %mul3A_824 = arith.muli %add3A_277, %mul3A_823 : i32
      %add3A_825 = arith.constant 14 : i32
      %add3A_826 = arith.addi %mul3A_824, %add3A_825 : i32
      %dma_wait3A_827 = arith.constant 0 : i32
      %dma_wait3A_828 = arith.constant 14 : i32
      %dma_wait3A_829 = arith.constant 0 : i32
      %dma_wait3A_830 = arith.constant 0 : i32
      %dma_wait3A_831 = tpu.memref_slice %arg7[%dma_wait3A_827, %dma_wait3A_828, %dma_wait3A_829, %dma_wait3A_830] : memref<2x20x128x16xf32, #tpu.memory_space<vmem>> -> memref<1x1x128x16xf32, #tpu.memory_space<vmem>>
      %dma_wait3A_832 = tpu.memref_squeeze %dma_wait3A_831 : memref<1x1x128x16xf32, #tpu.memory_space<vmem>> -> memref<128x16xf32, #tpu.memory_space<vmem>>
      %dma_wait3A_833 = arith.constant 0 : i32
      %dma_wait3A_834 = tpu.memref_slice %arg6[%add3A_826, %dma_wait3A_833] : memref<200x128xi32, #tpu.memory_space<vmem>> -> memref<1x128xi32, #tpu.memory_space<vmem>>
      %dma_wait3A_835 = tpu.memref_squeeze %dma_wait3A_834 : memref<1x128xi32, #tpu.memory_space<vmem>> -> memref<128xi32, #tpu.memory_space<vmem>>
      %dma_wait3A_836 = arith.constant 0 : i32
      %dma_wait3A_837 = arith.constant 0 : i32
      %dma_wait3A_838 = tpu.memref_slice %arg3[%dma_wait3A_836, %dma_wait3A_837] : memref<1015808x16xf32, #tpu.memory_space<hbm>> -> memref<1015808x16xf32, #tpu.memory_space<hbm>>
      tpu.wait_indirect_dma semaphore(%arg10 : memref<!tpu.dma_semaphore, #tpu.memory_space<semaphore_mem>>) src(%dma_wait3A_838 : memref<1015808x16xf32, #tpu.memory_space<hbm>>) dst(%dma_wait3A_832 : memref<128x16xf32, #tpu.memory_space<vmem>>)
      %mul3A_839 = arith.constant 20 : i32
      %mul3A_840 = arith.muli %add3A_277, %mul3A_839 : i32
      %add3A_841 = arith.constant 15 : i32
      %add3A_842 = arith.addi %mul3A_840, %add3A_841 : i32
      %dma_wait3A_843 = arith.constant 0 : i32
      %dma_wait3A_844 = arith.constant 15 : i32
      %dma_wait3A_845 = arith.constant 0 : i32
      %dma_wait3A_846 = arith.constant 0 : i32
      %dma_wait3A_847 = tpu.memref_slice %arg7[%dma_wait3A_843, %dma_wait3A_844, %dma_wait3A_845, %dma_wait3A_846] : memref<2x20x128x16xf32, #tpu.memory_space<vmem>> -> memref<1x1x128x16xf32, #tpu.memory_space<vmem>>
      %dma_wait3A_848 = tpu.memref_squeeze %dma_wait3A_847 : memref<1x1x128x16xf32, #tpu.memory_space<vmem>> -> memref<128x16xf32, #tpu.memory_space<vmem>>
      %dma_wait3A_849 = arith.constant 0 : i32
      %dma_wait3A_850 = tpu.memref_slice %arg6[%add3A_842, %dma_wait3A_849] : memref<200x128xi32, #tpu.memory_space<vmem>> -> memref<1x128xi32, #tpu.memory_space<vmem>>
      %dma_wait3A_851 = tpu.memref_squeeze %dma_wait3A_850 : memref<1x128xi32, #tpu.memory_space<vmem>> -> memref<128xi32, #tpu.memory_space<vmem>>
      %dma_wait3A_852 = arith.constant 0 : i32
      %dma_wait3A_853 = arith.constant 0 : i32
      %dma_wait3A_854 = tpu.memref_slice %arg3[%dma_wait3A_852, %dma_wait3A_853] : memref<1015808x16xf32, #tpu.memory_space<hbm>> -> memref<1015808x16xf32, #tpu.memory_space<hbm>>
      tpu.wait_indirect_dma semaphore(%arg10 : memref<!tpu.dma_semaphore, #tpu.memory_space<semaphore_mem>>) src(%dma_wait3A_854 : memref<1015808x16xf32, #tpu.memory_space<hbm>>) dst(%dma_wait3A_848 : memref<128x16xf32, #tpu.memory_space<vmem>>)
      %mul3A_855 = arith.constant 20 : i32
      %mul3A_856 = arith.muli %add3A_277, %mul3A_855 : i32
      %add3A_857 = arith.constant 16 : i32
      %add3A_858 = arith.addi %mul3A_856, %add3A_857 : i32
      %dma_wait3A_859 = arith.constant 0 : i32
      %dma_wait3A_860 = arith.constant 16 : i32
      %dma_wait3A_861 = arith.constant 0 : i32
      %dma_wait3A_862 = arith.constant 0 : i32
      %dma_wait3A_863 = tpu.memref_slice %arg7[%dma_wait3A_859, %dma_wait3A_860, %dma_wait3A_861, %dma_wait3A_862] : memref<2x20x128x16xf32, #tpu.memory_space<vmem>> -> memref<1x1x128x16xf32, #tpu.memory_space<vmem>>
      %dma_wait3A_864 = tpu.memref_squeeze %dma_wait3A_863 : memref<1x1x128x16xf32, #tpu.memory_space<vmem>> -> memref<128x16xf32, #tpu.memory_space<vmem>>
      %dma_wait3A_865 = arith.constant 0 : i32
      %dma_wait3A_866 = tpu.memref_slice %arg6[%add3A_858, %dma_wait3A_865] : memref<200x128xi32, #tpu.memory_space<vmem>> -> memref<1x128xi32, #tpu.memory_space<vmem>>
      %dma_wait3A_867 = tpu.memref_squeeze %dma_wait3A_866 : memref<1x128xi32, #tpu.memory_space<vmem>> -> memref<128xi32, #tpu.memory_space<vmem>>
      %dma_wait3A_868 = arith.constant 0 : i32
      %dma_wait3A_869 = arith.constant 0 : i32
      %dma_wait3A_870 = tpu.memref_slice %arg3[%dma_wait3A_868, %dma_wait3A_869] : memref<1015808x16xf32, #tpu.memory_space<hbm>> -> memref<1015808x16xf32, #tpu.memory_space<hbm>>
      tpu.wait_indirect_dma semaphore(%arg10 : memref<!tpu.dma_semaphore, #tpu.memory_space<semaphore_mem>>) src(%dma_wait3A_870 : memref<1015808x16xf32, #tpu.memory_space<hbm>>) dst(%dma_wait3A_864 : memref<128x16xf32, #tpu.memory_space<vmem>>)
      %mul3A_871 = arith.constant 20 : i32
      %mul3A_872 = arith.muli %add3A_277, %mul3A_871 : i32
      %add3A_873 = arith.constant 17 : i32
      %add3A_874 = arith.addi %mul3A_872, %add3A_873 : i32
      %dma_wait3A_875 = arith.constant 0 : i32
      %dma_wait3A_876 = arith.constant 17 : i32
      %dma_wait3A_877 = arith.constant 0 : i32
      %dma_wait3A_878 = arith.constant 0 : i32
      %dma_wait3A_879 = tpu.memref_slice %arg7[%dma_wait3A_875, %dma_wait3A_876, %dma_wait3A_877, %dma_wait3A_878] : memref<2x20x128x16xf32, #tpu.memory_space<vmem>> -> memref<1x1x128x16xf32, #tpu.memory_space<vmem>>
      %dma_wait3A_880 = tpu.memref_squeeze %dma_wait3A_879 : memref<1x1x128x16xf32, #tpu.memory_space<vmem>> -> memref<128x16xf32, #tpu.memory_space<vmem>>
      %dma_wait3A_881 = arith.constant 0 : i32
      %dma_wait3A_882 = tpu.memref_slice %arg6[%add3A_874, %dma_wait3A_881] : memref<200x128xi32, #tpu.memory_space<vmem>> -> memref<1x128xi32, #tpu.memory_space<vmem>>
      %dma_wait3A_883 = tpu.memref_squeeze %dma_wait3A_882 : memref<1x128xi32, #tpu.memory_space<vmem>> -> memref<128xi32, #tpu.memory_space<vmem>>
      %dma_wait3A_884 = arith.constant 0 : i32
      %dma_wait3A_885 = arith.constant 0 : i32
      %dma_wait3A_886 = tpu.memref_slice %arg3[%dma_wait3A_884, %dma_wait3A_885] : memref<1015808x16xf32, #tpu.memory_space<hbm>> -> memref<1015808x16xf32, #tpu.memory_space<hbm>>
      tpu.wait_indirect_dma semaphore(%arg10 : memref<!tpu.dma_semaphore, #tpu.memory_space<semaphore_mem>>) src(%dma_wait3A_886 : memref<1015808x16xf32, #tpu.memory_space<hbm>>) dst(%dma_wait3A_880 : memref<128x16xf32, #tpu.memory_space<vmem>>)
      %mul3A_887 = arith.constant 20 : i32
      %mul3A_888 = arith.muli %add3A_277, %mul3A_887 : i32
      %add3A_889 = arith.constant 18 : i32
      %add3A_890 = arith.addi %mul3A_888, %add3A_889 : i32
      %dma_wait3A_891 = arith.constant 0 : i32
      %dma_wait3A_892 = arith.constant 18 : i32
      %dma_wait3A_893 = arith.constant 0 : i32
      %dma_wait3A_894 = arith.constant 0 : i32
      %dma_wait3A_895 = tpu.memref_slice %arg7[%dma_wait3A_891, %dma_wait3A_892, %dma_wait3A_893, %dma_wait3A_894] : memref<2x20x128x16xf32, #tpu.memory_space<vmem>> -> memref<1x1x128x16xf32, #tpu.memory_space<vmem>>
      %dma_wait3A_896 = tpu.memref_squeeze %dma_wait3A_895 : memref<1x1x128x16xf32, #tpu.memory_space<vmem>> -> memref<128x16xf32, #tpu.memory_space<vmem>>
      %dma_wait3A_897 = arith.constant 0 : i32
      %dma_wait3A_898 = tpu.memref_slice %arg6[%add3A_890, %dma_wait3A_897] : memref<200x128xi32, #tpu.memory_space<vmem>> -> memref<1x128xi32, #tpu.memory_space<vmem>>
      %dma_wait3A_899 = tpu.memref_squeeze %dma_wait3A_898 : memref<1x128xi32, #tpu.memory_space<vmem>> -> memref<128xi32, #tpu.memory_space<vmem>>
      %dma_wait3A_900 = arith.constant 0 : i32
      %dma_wait3A_901 = arith.constant 0 : i32
      %dma_wait3A_902 = tpu.memref_slice %arg3[%dma_wait3A_900, %dma_wait3A_901] : memref<1015808x16xf32, #tpu.memory_space<hbm>> -> memref<1015808x16xf32, #tpu.memory_space<hbm>>
      tpu.wait_indirect_dma semaphore(%arg10 : memref<!tpu.dma_semaphore, #tpu.memory_space<semaphore_mem>>) src(%dma_wait3A_902 : memref<1015808x16xf32, #tpu.memory_space<hbm>>) dst(%dma_wait3A_896 : memref<128x16xf32, #tpu.memory_space<vmem>>)
      %mul3A_903 = arith.constant 20 : i32
      %mul3A_904 = arith.muli %add3A_277, %mul3A_903 : i32
      %add3A_905 = arith.constant 19 : i32
      %add3A_906 = arith.addi %mul3A_904, %add3A_905 : i32
      %dma_wait3A_907 = arith.constant 0 : i32
      %dma_wait3A_908 = arith.constant 19 : i32
      %dma_wait3A_909 = arith.constant 0 : i32
      %dma_wait3A_910 = arith.constant 0 : i32
      %dma_wait3A_911 = tpu.memref_slice %arg7[%dma_wait3A_907, %dma_wait3A_908, %dma_wait3A_909, %dma_wait3A_910] : memref<2x20x128x16xf32, #tpu.memory_space<vmem>> -> memref<1x1x128x16xf32, #tpu.memory_space<vmem>>
      %dma_wait3A_912 = tpu.memref_squeeze %dma_wait3A_911 : memref<1x1x128x16xf32, #tpu.memory_space<vmem>> -> memref<128x16xf32, #tpu.memory_space<vmem>>
      %dma_wait3A_913 = arith.constant 0 : i32
      %dma_wait3A_914 = tpu.memref_slice %arg6[%add3A_906, %dma_wait3A_913] : memref<200x128xi32, #tpu.memory_space<vmem>> -> memref<1x128xi32, #tpu.memory_space<vmem>>
      %dma_wait3A_915 = tpu.memref_squeeze %dma_wait3A_914 : memref<1x128xi32, #tpu.memory_space<vmem>> -> memref<128xi32, #tpu.memory_space<vmem>>
      %dma_wait3A_916 = arith.constant 0 : i32
      %dma_wait3A_917 = arith.constant 0 : i32
      %dma_wait3A_918 = tpu.memref_slice %arg3[%dma_wait3A_916, %dma_wait3A_917] : memref<1015808x16xf32, #tpu.memory_space<hbm>> -> memref<1015808x16xf32, #tpu.memory_space<hbm>>
      tpu.wait_indirect_dma semaphore(%arg10 : memref<!tpu.dma_semaphore, #tpu.memory_space<semaphore_mem>>) src(%dma_wait3A_918 : memref<1015808x16xf32, #tpu.memory_space<hbm>>) dst(%dma_wait3A_912 : memref<128x16xf32, #tpu.memory_space<vmem>>)
      %scan3A_919 = arith.constant 0 : i32
      %scan3A_920 = arith.constant 128 : i32
      %scan3A_921 = arith.addi %scan3A_919, %scan3A_920 : i32
      %scan3A_922 = arith.constant 1 : i32
      scf.for %scan3A_1255 = %scan3A_919 to %scan3A_921 step %scan3A_922  : i32 {
        %mul3A_1256 = arith.constant 1 : i32
        %mul3A_1257 = arith.muli %scan3A_1255, %mul3A_1256 : i32
        %add3A_1258 = arith.constant 0 : i32
        %add3A_1259 = arith.addi %add3A_1258, %mul3A_1257 : i32
        %get3A_1260 = arith.index_cast %add3A_1259 : i32 to index
        %get3A_1261 = arith.constant 0 : index
        %get3A_1262 = tpu.vector_load %arg8[%get3A_1260, %get3A_1261] {strides = array<i32>} : memref<128x16xf32, #tpu.memory_space<vmem>>, vector<1x16xf32>,
        %get3A_1263 = vector.shape_cast %get3A_1262 : vector<1x16xf32> to vector<16xf32>
        %get3A_1264 = arith.constant 0 : i32
        %get3A_1265 = arith.constant 0 : i32
        %get3A_1266 = arith.index_cast %get3A_1264 : i32 to index
        %get3A_1267 = arith.index_cast %get3A_1265 : i32 to index
        %get3A_1268 = arith.index_cast %add3A_1259 : i32 to index
        %get3A_1269 = arith.constant 0 : index
        %get3A_1270 = tpu.vector_load %arg7[%get3A_1266, %get3A_1267, %get3A_1268, %get3A_1269] {strides = array<i32>} : memref<2x20x128x16xf32, #tpu.memory_space<vmem>>, vector<1x1x1x16xf32>,
        %get3A_1271 = vector.shape_cast %get3A_1270 : vector<1x1x1x16xf32> to vector<16xf32>
        %add3A_1272 = arith.addf %get3A_1263, %get3A_1271 : vector<16xf32>
        %get3A_1273 = arith.constant 0 : i32
        %get3A_1274 = arith.constant 1 : i32
        %get3A_1275 = arith.index_cast %get3A_1273 : i32 to index
        %get3A_1276 = arith.index_cast %get3A_1274 : i32 to index
        %get3A_1277 = arith.index_cast %add3A_1259 : i32 to index
        %get3A_1278 = arith.constant 0 : index
        %get3A_1279 = tpu.vector_load %arg7[%get3A_1275, %get3A_1276, %get3A_1277, %get3A_1278] {strides = array<i32>} : memref<2x20x128x16xf32, #tpu.memory_space<vmem>>, vector<1x1x1x16xf32>,
        %get3A_1280 = vector.shape_cast %get3A_1279 : vector<1x1x1x16xf32> to vector<16xf32>
        %add3A_1281 = arith.addf %add3A_1272, %get3A_1280 : vector<16xf32>
        %get3A_1282 = arith.constant 0 : i32
        %get3A_1283 = arith.constant 2 : i32
        %get3A_1284 = arith.index_cast %get3A_1282 : i32 to index
        %get3A_1285 = arith.index_cast %get3A_1283 : i32 to index
        %get3A_1286 = arith.index_cast %add3A_1259 : i32 to index
        %get3A_1287 = arith.constant 0 : index
        %get3A_1288 = tpu.vector_load %arg7[%get3A_1284, %get3A_1285, %get3A_1286, %get3A_1287] {strides = array<i32>} : memref<2x20x128x16xf32, #tpu.memory_space<vmem>>, vector<1x1x1x16xf32>,
        %get3A_1289 = vector.shape_cast %get3A_1288 : vector<1x1x1x16xf32> to vector<16xf32>
        %add3A_1290 = arith.addf %add3A_1281, %get3A_1289 : vector<16xf32>
        %get3A_1291 = arith.constant 0 : i32
        %get3A_1292 = arith.constant 3 : i32
        %get3A_1293 = arith.index_cast %get3A_1291 : i32 to index
        %get3A_1294 = arith.index_cast %get3A_1292 : i32 to index
        %get3A_1295 = arith.index_cast %add3A_1259 : i32 to index
        %get3A_1296 = arith.constant 0 : index
        %get3A_1297 = tpu.vector_load %arg7[%get3A_1293, %get3A_1294, %get3A_1295, %get3A_1296] {strides = array<i32>} : memref<2x20x128x16xf32, #tpu.memory_space<vmem>>, vector<1x1x1x16xf32>,
        %get3A_1298 = vector.shape_cast %get3A_1297 : vector<1x1x1x16xf32> to vector<16xf32>
        %add3A_1299 = arith.addf %add3A_1290, %get3A_1298 : vector<16xf32>
        %get3A_1300 = arith.constant 0 : i32
        %get3A_1301 = arith.constant 4 : i32
        %get3A_1302 = arith.index_cast %get3A_1300 : i32 to index
        %get3A_1303 = arith.index_cast %get3A_1301 : i32 to index
        %get3A_1304 = arith.index_cast %add3A_1259 : i32 to index
        %get3A_1305 = arith.constant 0 : index
        %get3A_1306 = tpu.vector_load %arg7[%get3A_1302, %get3A_1303, %get3A_1304, %get3A_1305] {strides = array<i32>} : memref<2x20x128x16xf32, #tpu.memory_space<vmem>>, vector<1x1x1x16xf32>,
        %get3A_1307 = vector.shape_cast %get3A_1306 : vector<1x1x1x16xf32> to vector<16xf32>
        %add3A_1308 = arith.addf %add3A_1299, %get3A_1307 : vector<16xf32>
        %get3A_1309 = arith.constant 0 : i32
        %get3A_1310 = arith.constant 5 : i32
        %get3A_1311 = arith.index_cast %get3A_1309 : i32 to index
        %get3A_1312 = arith.index_cast %get3A_1310 : i32 to index
        %get3A_1313 = arith.index_cast %add3A_1259 : i32 to index
        %get3A_1314 = arith.constant 0 : index
        %get3A_1315 = tpu.vector_load %arg7[%get3A_1311, %get3A_1312, %get3A_1313, %get3A_1314] {strides = array<i32>} : memref<2x20x128x16xf32, #tpu.memory_space<vmem>>, vector<1x1x1x16xf32>,
        %get3A_1316 = vector.shape_cast %get3A_1315 : vector<1x1x1x16xf32> to vector<16xf32>
        %add3A_1317 = arith.addf %add3A_1308, %get3A_1316 : vector<16xf32>
        %get3A_1318 = arith.constant 0 : i32
        %get3A_1319 = arith.constant 6 : i32
        %get3A_1320 = arith.index_cast %get3A_1318 : i32 to index
        %get3A_1321 = arith.index_cast %get3A_1319 : i32 to index
        %get3A_1322 = arith.index_cast %add3A_1259 : i32 to index
        %get3A_1323 = arith.constant 0 : index
        %get3A_1324 = tpu.vector_load %arg7[%get3A_1320, %get3A_1321, %get3A_1322, %get3A_1323] {strides = array<i32>} : memref<2x20x128x16xf32, #tpu.memory_space<vmem>>, vector<1x1x1x16xf32>,
        %get3A_1325 = vector.shape_cast %get3A_1324 : vector<1x1x1x16xf32> to vector<16xf32>
        %add3A_1326 = arith.addf %add3A_1317, %get3A_1325 : vector<16xf32>
        %get3A_1327 = arith.constant 0 : i32
        %get3A_1328 = arith.constant 7 : i32
        %get3A_1329 = arith.index_cast %get3A_1327 : i32 to index
        %get3A_1330 = arith.index_cast %get3A_1328 : i32 to index
        %get3A_1331 = arith.index_cast %add3A_1259 : i32 to index
        %get3A_1332 = arith.constant 0 : index
        %get3A_1333 = tpu.vector_load %arg7[%get3A_1329, %get3A_1330, %get3A_1331, %get3A_1332] {strides = array<i32>} : memref<2x20x128x16xf32, #tpu.memory_space<vmem>>, vector<1x1x1x16xf32>,
        %get3A_1334 = vector.shape_cast %get3A_1333 : vector<1x1x1x16xf32> to vector<16xf32>
        %add3A_1335 = arith.addf %add3A_1326, %get3A_1334 : vector<16xf32>
        %get3A_1336 = arith.constant 0 : i32
        %get3A_1337 = arith.constant 8 : i32
        %get3A_1338 = arith.index_cast %get3A_1336 : i32 to index
        %get3A_1339 = arith.index_cast %get3A_1337 : i32 to index
        %get3A_1340 = arith.index_cast %add3A_1259 : i32 to index
        %get3A_1341 = arith.constant 0 : index
        %get3A_1342 = tpu.vector_load %arg7[%get3A_1338, %get3A_1339, %get3A_1340, %get3A_1341] {strides = array<i32>} : memref<2x20x128x16xf32, #tpu.memory_space<vmem>>, vector<1x1x1x16xf32>,
        %get3A_1343 = vector.shape_cast %get3A_1342 : vector<1x1x1x16xf32> to vector<16xf32>
        %add3A_1344 = arith.addf %add3A_1335, %get3A_1343 : vector<16xf32>
        %get3A_1345 = arith.constant 0 : i32
        %get3A_1346 = arith.constant 9 : i32
        %get3A_1347 = arith.index_cast %get3A_1345 : i32 to index
        %get3A_1348 = arith.index_cast %get3A_1346 : i32 to index
        %get3A_1349 = arith.index_cast %add3A_1259 : i32 to index
        %get3A_1350 = arith.constant 0 : index
        %get3A_1351 = tpu.vector_load %arg7[%get3A_1347, %get3A_1348, %get3A_1349, %get3A_1350] {strides = array<i32>} : memref<2x20x128x16xf32, #tpu.memory_space<vmem>>, vector<1x1x1x16xf32>,
        %get3A_1352 = vector.shape_cast %get3A_1351 : vector<1x1x1x16xf32> to vector<16xf32>
        %add3A_1353 = arith.addf %add3A_1344, %get3A_1352 : vector<16xf32>
        %get3A_1354 = arith.constant 0 : i32
        %get3A_1355 = arith.constant 10 : i32
        %get3A_1356 = arith.index_cast %get3A_1354 : i32 to index
        %get3A_1357 = arith.index_cast %get3A_1355 : i32 to index
        %get3A_1358 = arith.index_cast %add3A_1259 : i32 to index
        %get3A_1359 = arith.constant 0 : index
        %get3A_1360 = tpu.vector_load %arg7[%get3A_1356, %get3A_1357, %get3A_1358, %get3A_1359] {strides = array<i32>} : memref<2x20x128x16xf32, #tpu.memory_space<vmem>>, vector<1x1x1x16xf32>,
        %get3A_1361 = vector.shape_cast %get3A_1360 : vector<1x1x1x16xf32> to vector<16xf32>
        %add3A_1362 = arith.addf %add3A_1353, %get3A_1361 : vector<16xf32>
        %get3A_1363 = arith.constant 0 : i32
        %get3A_1364 = arith.constant 11 : i32
        %get3A_1365 = arith.index_cast %get3A_1363 : i32 to index
        %get3A_1366 = arith.index_cast %get3A_1364 : i32 to index
        %get3A_1367 = arith.index_cast %add3A_1259 : i32 to index
        %get3A_1368 = arith.constant 0 : index
        %get3A_1369 = tpu.vector_load %arg7[%get3A_1365, %get3A_1366, %get3A_1367, %get3A_1368] {strides = array<i32>} : memref<2x20x128x16xf32, #tpu.memory_space<vmem>>, vector<1x1x1x16xf32>,
        %get3A_1370 = vector.shape_cast %get3A_1369 : vector<1x1x1x16xf32> to vector<16xf32>
        %add3A_1371 = arith.addf %add3A_1362, %get3A_1370 : vector<16xf32>
        %get3A_1372 = arith.constant 0 : i32
        %get3A_1373 = arith.constant 12 : i32
        %get3A_1374 = arith.index_cast %get3A_1372 : i32 to index
        %get3A_1375 = arith.index_cast %get3A_1373 : i32 to index
        %get3A_1376 = arith.index_cast %add3A_1259 : i32 to index
        %get3A_1377 = arith.constant 0 : index
        %get3A_1378 = tpu.vector_load %arg7[%get3A_1374, %get3A_1375, %get3A_1376, %get3A_1377] {strides = array<i32>} : memref<2x20x128x16xf32, #tpu.memory_space<vmem>>, vector<1x1x1x16xf32>,
        %get3A_1379 = vector.shape_cast %get3A_1378 : vector<1x1x1x16xf32> to vector<16xf32>
        %add3A_1380 = arith.addf %add3A_1371, %get3A_1379 : vector<16xf32>
        %get3A_1381 = arith.constant 0 : i32
        %get3A_1382 = arith.constant 13 : i32
        %get3A_1383 = arith.index_cast %get3A_1381 : i32 to index
        %get3A_1384 = arith.index_cast %get3A_1382 : i32 to index
        %get3A_1385 = arith.index_cast %add3A_1259 : i32 to index
        %get3A_1386 = arith.constant 0 : index
        %get3A_1387 = tpu.vector_load %arg7[%get3A_1383, %get3A_1384, %get3A_1385, %get3A_1386] {strides = array<i32>} : memref<2x20x128x16xf32, #tpu.memory_space<vmem>>, vector<1x1x1x16xf32>,
        %get3A_1388 = vector.shape_cast %get3A_1387 : vector<1x1x1x16xf32> to vector<16xf32>
        %add3A_1389 = arith.addf %add3A_1380, %get3A_1388 : vector<16xf32>
        %get3A_1390 = arith.constant 0 : i32
        %get3A_1391 = arith.constant 14 : i32
        %get3A_1392 = arith.index_cast %get3A_1390 : i32 to index
        %get3A_1393 = arith.index_cast %get3A_1391 : i32 to index
        %get3A_1394 = arith.index_cast %add3A_1259 : i32 to index
        %get3A_1395 = arith.constant 0 : index
        %get3A_1396 = tpu.vector_load %arg7[%get3A_1392, %get3A_1393, %get3A_1394, %get3A_1395] {strides = array<i32>} : memref<2x20x128x16xf32, #tpu.memory_space<vmem>>, vector<1x1x1x16xf32>,
        %get3A_1397 = vector.shape_cast %get3A_1396 : vector<1x1x1x16xf32> to vector<16xf32>
        %add3A_1398 = arith.addf %add3A_1389, %get3A_1397 : vector<16xf32>
        %get3A_1399 = arith.constant 0 : i32
        %get3A_1400 = arith.constant 15 : i32
        %get3A_1401 = arith.index_cast %get3A_1399 : i32 to index
        %get3A_1402 = arith.index_cast %get3A_1400 : i32 to index
        %get3A_1403 = arith.index_cast %add3A_1259 : i32 to index
        %get3A_1404 = arith.constant 0 : index
        %get3A_1405 = tpu.vector_load %arg7[%get3A_1401, %get3A_1402, %get3A_1403, %get3A_1404] {strides = array<i32>} : memref<2x20x128x16xf32, #tpu.memory_space<vmem>>, vector<1x1x1x16xf32>,
        %get3A_1406 = vector.shape_cast %get3A_1405 : vector<1x1x1x16xf32> to vector<16xf32>
        %add3A_1407 = arith.addf %add3A_1398, %get3A_1406 : vector<16xf32>
        %get3A_1408 = arith.constant 0 : i32
        %get3A_1409 = arith.constant 16 : i32
        %get3A_1410 = arith.index_cast %get3A_1408 : i32 to index
        %get3A_1411 = arith.index_cast %get3A_1409 : i32 to index
        %get3A_1412 = arith.index_cast %add3A_1259 : i32 to index
        %get3A_1413 = arith.constant 0 : index
        %get3A_1414 = tpu.vector_load %arg7[%get3A_1410, %get3A_1411, %get3A_1412, %get3A_1413] {strides = array<i32>} : memref<2x20x128x16xf32, #tpu.memory_space<vmem>>, vector<1x1x1x16xf32>,
        %get3A_1415 = vector.shape_cast %get3A_1414 : vector<1x1x1x16xf32> to vector<16xf32>
        %add3A_1416 = arith.addf %add3A_1407, %get3A_1415 : vector<16xf32>
        %get3A_1417 = arith.constant 0 : i32
        %get3A_1418 = arith.constant 17 : i32
        %get3A_1419 = arith.index_cast %get3A_1417 : i32 to index
        %get3A_1420 = arith.index_cast %get3A_1418 : i32 to index
        %get3A_1421 = arith.index_cast %add3A_1259 : i32 to index
        %get3A_1422 = arith.constant 0 : index
        %get3A_1423 = tpu.vector_load %arg7[%get3A_1419, %get3A_1420, %get3A_1421, %get3A_1422] {strides = array<i32>} : memref<2x20x128x16xf32, #tpu.memory_space<vmem>>, vector<1x1x1x16xf32>,
        %get3A_1424 = vector.shape_cast %get3A_1423 : vector<1x1x1x16xf32> to vector<16xf32>
        %add3A_1425 = arith.addf %add3A_1416, %get3A_1424 : vector<16xf32>
        %get3A_1426 = arith.constant 0 : i32
        %get3A_1427 = arith.constant 18 : i32
        %get3A_1428 = arith.index_cast %get3A_1426 : i32 to index
        %get3A_1429 = arith.index_cast %get3A_1427 : i32 to index
        %get3A_1430 = arith.index_cast %add3A_1259 : i32 to index
        %get3A_1431 = arith.constant 0 : index
        %get3A_1432 = tpu.vector_load %arg7[%get3A_1428, %get3A_1429, %get3A_1430, %get3A_1431] {strides = array<i32>} : memref<2x20x128x16xf32, #tpu.memory_space<vmem>>, vector<1x1x1x16xf32>,
        %get3A_1433 = vector.shape_cast %get3A_1432 : vector<1x1x1x16xf32> to vector<16xf32>
        %add3A_1434 = arith.addf %add3A_1425, %get3A_1433 : vector<16xf32>
        %get3A_1435 = arith.constant 0 : i32
        %get3A_1436 = arith.constant 19 : i32
        %get3A_1437 = arith.index_cast %get3A_1435 : i32 to index
        %get3A_1438 = arith.index_cast %get3A_1436 : i32 to index
        %get3A_1439 = arith.index_cast %add3A_1259 : i32 to index
        %get3A_1440 = arith.constant 0 : index
        %get3A_1441 = tpu.vector_load %arg7[%get3A_1437, %get3A_1438, %get3A_1439, %get3A_1440] {strides = array<i32>} : memref<2x20x128x16xf32, #tpu.memory_space<vmem>>, vector<1x1x1x16xf32>,
        %get3A_1442 = vector.shape_cast %get3A_1441 : vector<1x1x1x16xf32> to vector<16xf32>
        %add3A_1443 = arith.addf %add3A_1434, %get3A_1442 : vector<16xf32>
        %swap3A = arith.index_cast %add3A_1259 : i32 to index
        %swap3A_1444 = arith.constant 0 : index
        %swap3A_1445 = tpu.vector_load %arg8[%swap3A, %swap3A_1444] {strides = array<i32>} : memref<128x16xf32, #tpu.memory_space<vmem>>, vector<1x16xf32>,
        %swap3A_1446 = vector.shape_cast %swap3A_1445 : vector<1x16xf32> to vector<16xf32>
        %swap3A_1447 = vector.shape_cast %add3A_1443 : vector<16xf32> to vector<1x16xf32>
        tpu.vector_store %arg8[%swap3A, %swap3A_1444], %swap3A_1447 {strides = array<i32>} : memref<128x16xf32, #tpu.memory_space<vmem>>, vector<1x16xf32>,
      }
      %scan3A_923 = arith.constant 128 : i32
      %add3A_924 = arith.constant 2 : i32
      %add3A_925 = arith.addi %add3A_277, %add3A_924 : i32
      %lt3A = arith.constant 10 : i32
      %lt3A_926 = arith.cmpi slt, %add3A_925, %lt3A : i32
      %convert_element_type3A = arith.extui %lt3A_926 : i1 to i32
      %cond3A = arith.constant 0 : i32
      %cond3A_927 = arith.cmpi ne, %convert_element_type3A, %cond3A : i32
      scf.if %cond3A_927 {
        %add3A_1255 = arith.constant 2 : i32
        %add3A_1256 = arith.addi %add3A_277, %add3A_1255 : i32
        %mul3A_1257 = arith.constant 20 : i32
        %mul3A_1258 = arith.muli %add3A_1256, %mul3A_1257 : i32
        %add3A_1259 = arith.constant 0 : i32
        %add3A_1260 = arith.addi %mul3A_1258, %add3A_1259 : i32
        %dma_start3A_1261 = arith.constant 0 : i32
        %dma_start3A_1262 = arith.constant 0 : i32
        %dma_start3A_1263 = arith.constant 0 : i32
        %dma_start3A_1264 = arith.constant 0 : i32
        %dma_start3A_1265 = tpu.memref_slice %arg7[%dma_start3A_1261, %dma_start3A_1262, %dma_start3A_1263, %dma_start3A_1264] : memref<2x20x128x16xf32, #tpu.memory_space<vmem>> -> memref<1x1x128x16xf32, #tpu.memory_space<vmem>>
        %dma_start3A_1266 = tpu.memref_squeeze %dma_start3A_1265 : memref<1x1x128x16xf32, #tpu.memory_space<vmem>> -> memref<128x16xf32, #tpu.memory_space<vmem>>
        %dma_start3A_1267 = arith.constant 0 : i32
        %dma_start3A_1268 = tpu.memref_slice %arg6[%add3A_1260, %dma_start3A_1267] : memref<200x128xi32, #tpu.memory_space<vmem>> -> memref<1x128xi32, #tpu.memory_space<vmem>>
        %dma_start3A_1269 = tpu.memref_squeeze %dma_start3A_1268 : memref<1x128xi32, #tpu.memory_space<vmem>> -> memref<128xi32, #tpu.memory_space<vmem>>
        %dma_start3A_1270 = arith.constant 0 : i32
        %dma_start3A_1271 = arith.constant 0 : i32
        %dma_start3A_1272 = tpu.memref_slice %arg3[%dma_start3A_1270, %dma_start3A_1271] : memref<1015808x16xf32, #tpu.memory_space<hbm>> -> memref<1015808x16xf32, #tpu.memory_space<hbm>>
        tpu.enqueue_indirect_dma source(%dma_start3A_1272 : memref<1015808x16xf32, #tpu.memory_space<hbm>>) target(%dma_start3A_1266 : memref<128x16xf32, #tpu.memory_space<vmem>>) offsets(%dma_start3A_1269 : memref<128xi32, #tpu.memory_space<vmem>>) semaphore(%arg10 : memref<!tpu.dma_semaphore, #tpu.memory_space<semaphore_mem>>)
        %mul3A_1273 = arith.constant 20 : i32
        %mul3A_1274 = arith.muli %add3A_1256, %mul3A_1273 : i32
        %add3A_1275 = arith.constant 1 : i32
        %add3A_1276 = arith.addi %mul3A_1274, %add3A_1275 : i32
        %dma_start3A_1277 = arith.constant 0 : i32
        %dma_start3A_1278 = arith.constant 1 : i32
        %dma_start3A_1279 = arith.constant 0 : i32
        %dma_start3A_1280 = arith.constant 0 : i32
        %dma_start3A_1281 = tpu.memref_slice %arg7[%dma_start3A_1277, %dma_start3A_1278, %dma_start3A_1279, %dma_start3A_1280] : memref<2x20x128x16xf32, #tpu.memory_space<vmem>> -> memref<1x1x128x16xf32, #tpu.memory_space<vmem>>
        %dma_start3A_1282 = tpu.memref_squeeze %dma_start3A_1281 : memref<1x1x128x16xf32, #tpu.memory_space<vmem>> -> memref<128x16xf32, #tpu.memory_space<vmem>>
        %dma_start3A_1283 = arith.constant 0 : i32
        %dma_start3A_1284 = tpu.memref_slice %arg6[%add3A_1276, %dma_start3A_1283] : memref<200x128xi32, #tpu.memory_space<vmem>> -> memref<1x128xi32, #tpu.memory_space<vmem>>
        %dma_start3A_1285 = tpu.memref_squeeze %dma_start3A_1284 : memref<1x128xi32, #tpu.memory_space<vmem>> -> memref<128xi32, #tpu.memory_space<vmem>>
        %dma_start3A_1286 = arith.constant 0 : i32
        %dma_start3A_1287 = arith.constant 0 : i32
        %dma_start3A_1288 = tpu.memref_slice %arg3[%dma_start3A_1286, %dma_start3A_1287] : memref<1015808x16xf32, #tpu.memory_space<hbm>> -> memref<1015808x16xf32, #tpu.memory_space<hbm>>
        tpu.enqueue_indirect_dma source(%dma_start3A_1288 : memref<1015808x16xf32, #tpu.memory_space<hbm>>) target(%dma_start3A_1282 : memref<128x16xf32, #tpu.memory_space<vmem>>) offsets(%dma_start3A_1285 : memref<128xi32, #tpu.memory_space<vmem>>) semaphore(%arg10 : memref<!tpu.dma_semaphore, #tpu.memory_space<semaphore_mem>>)
        %mul3A_1289 = arith.constant 20 : i32
        %mul3A_1290 = arith.muli %add3A_1256, %mul3A_1289 : i32
        %add3A_1291 = arith.constant 2 : i32
        %add3A_1292 = arith.addi %mul3A_1290, %add3A_1291 : i32
        %dma_start3A_1293 = arith.constant 0 : i32
        %dma_start3A_1294 = arith.constant 2 : i32
        %dma_start3A_1295 = arith.constant 0 : i32
        %dma_start3A_1296 = arith.constant 0 : i32
        %dma_start3A_1297 = tpu.memref_slice %arg7[%dma_start3A_1293, %dma_start3A_1294, %dma_start3A_1295, %dma_start3A_1296] : memref<2x20x128x16xf32, #tpu.memory_space<vmem>> -> memref<1x1x128x16xf32, #tpu.memory_space<vmem>>
        %dma_start3A_1298 = tpu.memref_squeeze %dma_start3A_1297 : memref<1x1x128x16xf32, #tpu.memory_space<vmem>> -> memref<128x16xf32, #tpu.memory_space<vmem>>
        %dma_start3A_1299 = arith.constant 0 : i32
        %dma_start3A_1300 = tpu.memref_slice %arg6[%add3A_1292, %dma_start3A_1299] : memref<200x128xi32, #tpu.memory_space<vmem>> -> memref<1x128xi32, #tpu.memory_space<vmem>>
        %dma_start3A_1301 = tpu.memref_squeeze %dma_start3A_1300 : memref<1x128xi32, #tpu.memory_space<vmem>> -> memref<128xi32, #tpu.memory_space<vmem>>
        %dma_start3A_1302 = arith.constant 0 : i32
        %dma_start3A_1303 = arith.constant 0 : i32
        %dma_start3A_1304 = tpu.memref_slice %arg3[%dma_start3A_1302, %dma_start3A_1303] : memref<1015808x16xf32, #tpu.memory_space<hbm>> -> memref<1015808x16xf32, #tpu.memory_space<hbm>>
        tpu.enqueue_indirect_dma source(%dma_start3A_1304 : memref<1015808x16xf32, #tpu.memory_space<hbm>>) target(%dma_start3A_1298 : memref<128x16xf32, #tpu.memory_space<vmem>>) offsets(%dma_start3A_1301 : memref<128xi32, #tpu.memory_space<vmem>>) semaphore(%arg10 : memref<!tpu.dma_semaphore, #tpu.memory_space<semaphore_mem>>)
        %mul3A_1305 = arith.constant 20 : i32
        %mul3A_1306 = arith.muli %add3A_1256, %mul3A_1305 : i32
        %add3A_1307 = arith.constant 3 : i32
        %add3A_1308 = arith.addi %mul3A_1306, %add3A_1307 : i32
        %dma_start3A_1309 = arith.constant 0 : i32
        %dma_start3A_1310 = arith.constant 3 : i32
        %dma_start3A_1311 = arith.constant 0 : i32
        %dma_start3A_1312 = arith.constant 0 : i32
        %dma_start3A_1313 = tpu.memref_slice %arg7[%dma_start3A_1309, %dma_start3A_1310, %dma_start3A_1311, %dma_start3A_1312] : memref<2x20x128x16xf32, #tpu.memory_space<vmem>> -> memref<1x1x128x16xf32, #tpu.memory_space<vmem>>
        %dma_start3A_1314 = tpu.memref_squeeze %dma_start3A_1313 : memref<1x1x128x16xf32, #tpu.memory_space<vmem>> -> memref<128x16xf32, #tpu.memory_space<vmem>>
        %dma_start3A_1315 = arith.constant 0 : i32
        %dma_start3A_1316 = tpu.memref_slice %arg6[%add3A_1308, %dma_start3A_1315] : memref<200x128xi32, #tpu.memory_space<vmem>> -> memref<1x128xi32, #tpu.memory_space<vmem>>
        %dma_start3A_1317 = tpu.memref_squeeze %dma_start3A_1316 : memref<1x128xi32, #tpu.memory_space<vmem>> -> memref<128xi32, #tpu.memory_space<vmem>>
        %dma_start3A_1318 = arith.constant 0 : i32
        %dma_start3A_1319 = arith.constant 0 : i32
        %dma_start3A_1320 = tpu.memref_slice %arg3[%dma_start3A_1318, %dma_start3A_1319] : memref<1015808x16xf32, #tpu.memory_space<hbm>> -> memref<1015808x16xf32, #tpu.memory_space<hbm>>
        tpu.enqueue_indirect_dma source(%dma_start3A_1320 : memref<1015808x16xf32, #tpu.memory_space<hbm>>) target(%dma_start3A_1314 : memref<128x16xf32, #tpu.memory_space<vmem>>) offsets(%dma_start3A_1317 : memref<128xi32, #tpu.memory_space<vmem>>) semaphore(%arg10 : memref<!tpu.dma_semaphore, #tpu.memory_space<semaphore_mem>>)
        %mul3A_1321 = arith.constant 20 : i32
        %mul3A_1322 = arith.muli %add3A_1256, %mul3A_1321 : i32
        %add3A_1323 = arith.constant 4 : i32
        %add3A_1324 = arith.addi %mul3A_1322, %add3A_1323 : i32
        %dma_start3A_1325 = arith.constant 0 : i32
        %dma_start3A_1326 = arith.constant 4 : i32
        %dma_start3A_1327 = arith.constant 0 : i32
        %dma_start3A_1328 = arith.constant 0 : i32
        %dma_start3A_1329 = tpu.memref_slice %arg7[%dma_start3A_1325, %dma_start3A_1326, %dma_start3A_1327, %dma_start3A_1328] : memref<2x20x128x16xf32, #tpu.memory_space<vmem>> -> memref<1x1x128x16xf32, #tpu.memory_space<vmem>>
        %dma_start3A_1330 = tpu.memref_squeeze %dma_start3A_1329 : memref<1x1x128x16xf32, #tpu.memory_space<vmem>> -> memref<128x16xf32, #tpu.memory_space<vmem>>
        %dma_start3A_1331 = arith.constant 0 : i32
        %dma_start3A_1332 = tpu.memref_slice %arg6[%add3A_1324, %dma_start3A_1331] : memref<200x128xi32, #tpu.memory_space<vmem>> -> memref<1x128xi32, #tpu.memory_space<vmem>>
        %dma_start3A_1333 = tpu.memref_squeeze %dma_start3A_1332 : memref<1x128xi32, #tpu.memory_space<vmem>> -> memref<128xi32, #tpu.memory_space<vmem>>
        %dma_start3A_1334 = arith.constant 0 : i32
        %dma_start3A_1335 = arith.constant 0 : i32
        %dma_start3A_1336 = tpu.memref_slice %arg3[%dma_start3A_1334, %dma_start3A_1335] : memref<1015808x16xf32, #tpu.memory_space<hbm>> -> memref<1015808x16xf32, #tpu.memory_space<hbm>>
        tpu.enqueue_indirect_dma source(%dma_start3A_1336 : memref<1015808x16xf32, #tpu.memory_space<hbm>>) target(%dma_start3A_1330 : memref<128x16xf32, #tpu.memory_space<vmem>>) offsets(%dma_start3A_1333 : memref<128xi32, #tpu.memory_space<vmem>>) semaphore(%arg10 : memref<!tpu.dma_semaphore, #tpu.memory_space<semaphore_mem>>)
        %mul3A_1337 = arith.constant 20 : i32
        %mul3A_1338 = arith.muli %add3A_1256, %mul3A_1337 : i32
        %add3A_1339 = arith.constant 5 : i32
        %add3A_1340 = arith.addi %mul3A_1338, %add3A_1339 : i32
        %dma_start3A_1341 = arith.constant 0 : i32
        %dma_start3A_1342 = arith.constant 5 : i32
        %dma_start3A_1343 = arith.constant 0 : i32
        %dma_start3A_1344 = arith.constant 0 : i32
        %dma_start3A_1345 = tpu.memref_slice %arg7[%dma_start3A_1341, %dma_start3A_1342, %dma_start3A_1343, %dma_start3A_1344] : memref<2x20x128x16xf32, #tpu.memory_space<vmem>> -> memref<1x1x128x16xf32, #tpu.memory_space<vmem>>
        %dma_start3A_1346 = tpu.memref_squeeze %dma_start3A_1345 : memref<1x1x128x16xf32, #tpu.memory_space<vmem>> -> memref<128x16xf32, #tpu.memory_space<vmem>>
        %dma_start3A_1347 = arith.constant 0 : i32
        %dma_start3A_1348 = tpu.memref_slice %arg6[%add3A_1340, %dma_start3A_1347] : memref<200x128xi32, #tpu.memory_space<vmem>> -> memref<1x128xi32, #tpu.memory_space<vmem>>
        %dma_start3A_1349 = tpu.memref_squeeze %dma_start3A_1348 : memref<1x128xi32, #tpu.memory_space<vmem>> -> memref<128xi32, #tpu.memory_space<vmem>>
        %dma_start3A_1350 = arith.constant 0 : i32
        %dma_start3A_1351 = arith.constant 0 : i32
        %dma_start3A_1352 = tpu.memref_slice %arg3[%dma_start3A_1350, %dma_start3A_1351] : memref<1015808x16xf32, #tpu.memory_space<hbm>> -> memref<1015808x16xf32, #tpu.memory_space<hbm>>
        tpu.enqueue_indirect_dma source(%dma_start3A_1352 : memref<1015808x16xf32, #tpu.memory_space<hbm>>) target(%dma_start3A_1346 : memref<128x16xf32, #tpu.memory_space<vmem>>) offsets(%dma_start3A_1349 : memref<128xi32, #tpu.memory_space<vmem>>) semaphore(%arg10 : memref<!tpu.dma_semaphore, #tpu.memory_space<semaphore_mem>>)
        %mul3A_1353 = arith.constant 20 : i32
        %mul3A_1354 = arith.muli %add3A_1256, %mul3A_1353 : i32
        %add3A_1355 = arith.constant 6 : i32
        %add3A_1356 = arith.addi %mul3A_1354, %add3A_1355 : i32
        %dma_start3A_1357 = arith.constant 0 : i32
        %dma_start3A_1358 = arith.constant 6 : i32
        %dma_start3A_1359 = arith.constant 0 : i32
        %dma_start3A_1360 = arith.constant 0 : i32
        %dma_start3A_1361 = tpu.memref_slice %arg7[%dma_start3A_1357, %dma_start3A_1358, %dma_start3A_1359, %dma_start3A_1360] : memref<2x20x128x16xf32, #tpu.memory_space<vmem>> -> memref<1x1x128x16xf32, #tpu.memory_space<vmem>>
        %dma_start3A_1362 = tpu.memref_squeeze %dma_start3A_1361 : memref<1x1x128x16xf32, #tpu.memory_space<vmem>> -> memref<128x16xf32, #tpu.memory_space<vmem>>
        %dma_start3A_1363 = arith.constant 0 : i32
        %dma_start3A_1364 = tpu.memref_slice %arg6[%add3A_1356, %dma_start3A_1363] : memref<200x128xi32, #tpu.memory_space<vmem>> -> memref<1x128xi32, #tpu.memory_space<vmem>>
        %dma_start3A_1365 = tpu.memref_squeeze %dma_start3A_1364 : memref<1x128xi32, #tpu.memory_space<vmem>> -> memref<128xi32, #tpu.memory_space<vmem>>
        %dma_start3A_1366 = arith.constant 0 : i32
        %dma_start3A_1367 = arith.constant 0 : i32
        %dma_start3A_1368 = tpu.memref_slice %arg3[%dma_start3A_1366, %dma_start3A_1367] : memref<1015808x16xf32, #tpu.memory_space<hbm>> -> memref<1015808x16xf32, #tpu.memory_space<hbm>>
        tpu.enqueue_indirect_dma source(%dma_start3A_1368 : memref<1015808x16xf32, #tpu.memory_space<hbm>>) target(%dma_start3A_1362 : memref<128x16xf32, #tpu.memory_space<vmem>>) offsets(%dma_start3A_1365 : memref<128xi32, #tpu.memory_space<vmem>>) semaphore(%arg10 : memref<!tpu.dma_semaphore, #tpu.memory_space<semaphore_mem>>)
        %mul3A_1369 = arith.constant 20 : i32
        %mul3A_1370 = arith.muli %add3A_1256, %mul3A_1369 : i32
        %add3A_1371 = arith.constant 7 : i32
        %add3A_1372 = arith.addi %mul3A_1370, %add3A_1371 : i32
        %dma_start3A_1373 = arith.constant 0 : i32
        %dma_start3A_1374 = arith.constant 7 : i32
        %dma_start3A_1375 = arith.constant 0 : i32
        %dma_start3A_1376 = arith.constant 0 : i32
        %dma_start3A_1377 = tpu.memref_slice %arg7[%dma_start3A_1373, %dma_start3A_1374, %dma_start3A_1375, %dma_start3A_1376] : memref<2x20x128x16xf32, #tpu.memory_space<vmem>> -> memref<1x1x128x16xf32, #tpu.memory_space<vmem>>
        %dma_start3A_1378 = tpu.memref_squeeze %dma_start3A_1377 : memref<1x1x128x16xf32, #tpu.memory_space<vmem>> -> memref<128x16xf32, #tpu.memory_space<vmem>>
        %dma_start3A_1379 = arith.constant 0 : i32
        %dma_start3A_1380 = tpu.memref_slice %arg6[%add3A_1372, %dma_start3A_1379] : memref<200x128xi32, #tpu.memory_space<vmem>> -> memref<1x128xi32, #tpu.memory_space<vmem>>
        %dma_start3A_1381 = tpu.memref_squeeze %dma_start3A_1380 : memref<1x128xi32, #tpu.memory_space<vmem>> -> memref<128xi32, #tpu.memory_space<vmem>>
        %dma_start3A_1382 = arith.constant 0 : i32
        %dma_start3A_1383 = arith.constant 0 : i32
        %dma_start3A_1384 = tpu.memref_slice %arg3[%dma_start3A_1382, %dma_start3A_1383] : memref<1015808x16xf32, #tpu.memory_space<hbm>> -> memref<1015808x16xf32, #tpu.memory_space<hbm>>
        tpu.enqueue_indirect_dma source(%dma_start3A_1384 : memref<1015808x16xf32, #tpu.memory_space<hbm>>) target(%dma_start3A_1378 : memref<128x16xf32, #tpu.memory_space<vmem>>) offsets(%dma_start3A_1381 : memref<128xi32, #tpu.memory_space<vmem>>) semaphore(%arg10 : memref<!tpu.dma_semaphore, #tpu.memory_space<semaphore_mem>>)
        %mul3A_1385 = arith.constant 20 : i32
        %mul3A_1386 = arith.muli %add3A_1256, %mul3A_1385 : i32
        %add3A_1387 = arith.constant 8 : i32
        %add3A_1388 = arith.addi %mul3A_1386, %add3A_1387 : i32
        %dma_start3A_1389 = arith.constant 0 : i32
        %dma_start3A_1390 = arith.constant 8 : i32
        %dma_start3A_1391 = arith.constant 0 : i32
        %dma_start3A_1392 = arith.constant 0 : i32
        %dma_start3A_1393 = tpu.memref_slice %arg7[%dma_start3A_1389, %dma_start3A_1390, %dma_start3A_1391, %dma_start3A_1392] : memref<2x20x128x16xf32, #tpu.memory_space<vmem>> -> memref<1x1x128x16xf32, #tpu.memory_space<vmem>>
        %dma_start3A_1394 = tpu.memref_squeeze %dma_start3A_1393 : memref<1x1x128x16xf32, #tpu.memory_space<vmem>> -> memref<128x16xf32, #tpu.memory_space<vmem>>
        %dma_start3A_1395 = arith.constant 0 : i32
        %dma_start3A_1396 = tpu.memref_slice %arg6[%add3A_1388, %dma_start3A_1395] : memref<200x128xi32, #tpu.memory_space<vmem>> -> memref<1x128xi32, #tpu.memory_space<vmem>>
        %dma_start3A_1397 = tpu.memref_squeeze %dma_start3A_1396 : memref<1x128xi32, #tpu.memory_space<vmem>> -> memref<128xi32, #tpu.memory_space<vmem>>
        %dma_start3A_1398 = arith.constant 0 : i32
        %dma_start3A_1399 = arith.constant 0 : i32
        %dma_start3A_1400 = tpu.memref_slice %arg3[%dma_start3A_1398, %dma_start3A_1399] : memref<1015808x16xf32, #tpu.memory_space<hbm>> -> memref<1015808x16xf32, #tpu.memory_space<hbm>>
        tpu.enqueue_indirect_dma source(%dma_start3A_1400 : memref<1015808x16xf32, #tpu.memory_space<hbm>>) target(%dma_start3A_1394 : memref<128x16xf32, #tpu.memory_space<vmem>>) offsets(%dma_start3A_1397 : memref<128xi32, #tpu.memory_space<vmem>>) semaphore(%arg10 : memref<!tpu.dma_semaphore, #tpu.memory_space<semaphore_mem>>)
        %mul3A_1401 = arith.constant 20 : i32
        %mul3A_1402 = arith.muli %add3A_1256, %mul3A_1401 : i32
        %add3A_1403 = arith.constant 9 : i32
        %add3A_1404 = arith.addi %mul3A_1402, %add3A_1403 : i32
        %dma_start3A_1405 = arith.constant 0 : i32
        %dma_start3A_1406 = arith.constant 9 : i32
        %dma_start3A_1407 = arith.constant 0 : i32
        %dma_start3A_1408 = arith.constant 0 : i32
        %dma_start3A_1409 = tpu.memref_slice %arg7[%dma_start3A_1405, %dma_start3A_1406, %dma_start3A_1407, %dma_start3A_1408] : memref<2x20x128x16xf32, #tpu.memory_space<vmem>> -> memref<1x1x128x16xf32, #tpu.memory_space<vmem>>
        %dma_start3A_1410 = tpu.memref_squeeze %dma_start3A_1409 : memref<1x1x128x16xf32, #tpu.memory_space<vmem>> -> memref<128x16xf32, #tpu.memory_space<vmem>>
        %dma_start3A_1411 = arith.constant 0 : i32
        %dma_start3A_1412 = tpu.memref_slice %arg6[%add3A_1404, %dma_start3A_1411] : memref<200x128xi32, #tpu.memory_space<vmem>> -> memref<1x128xi32, #tpu.memory_space<vmem>>
        %dma_start3A_1413 = tpu.memref_squeeze %dma_start3A_1412 : memref<1x128xi32, #tpu.memory_space<vmem>> -> memref<128xi32, #tpu.memory_space<vmem>>
        %dma_start3A_1414 = arith.constant 0 : i32
        %dma_start3A_1415 = arith.constant 0 : i32
        %dma_start3A_1416 = tpu.memref_slice %arg3[%dma_start3A_1414, %dma_start3A_1415] : memref<1015808x16xf32, #tpu.memory_space<hbm>> -> memref<1015808x16xf32, #tpu.memory_space<hbm>>
        tpu.enqueue_indirect_dma source(%dma_start3A_1416 : memref<1015808x16xf32, #tpu.memory_space<hbm>>) target(%dma_start3A_1410 : memref<128x16xf32, #tpu.memory_space<vmem>>) offsets(%dma_start3A_1413 : memref<128xi32, #tpu.memory_space<vmem>>) semaphore(%arg10 : memref<!tpu.dma_semaphore, #tpu.memory_space<semaphore_mem>>)
        %mul3A_1417 = arith.constant 20 : i32
        %mul3A_1418 = arith.muli %add3A_1256, %mul3A_1417 : i32
        %add3A_1419 = arith.constant 10 : i32
        %add3A_1420 = arith.addi %mul3A_1418, %add3A_1419 : i32
        %dma_start3A_1421 = arith.constant 0 : i32
        %dma_start3A_1422 = arith.constant 10 : i32
        %dma_start3A_1423 = arith.constant 0 : i32
        %dma_start3A_1424 = arith.constant 0 : i32
        %dma_start3A_1425 = tpu.memref_slice %arg7[%dma_start3A_1421, %dma_start3A_1422, %dma_start3A_1423, %dma_start3A_1424] : memref<2x20x128x16xf32, #tpu.memory_space<vmem>> -> memref<1x1x128x16xf32, #tpu.memory_space<vmem>>
        %dma_start3A_1426 = tpu.memref_squeeze %dma_start3A_1425 : memref<1x1x128x16xf32, #tpu.memory_space<vmem>> -> memref<128x16xf32, #tpu.memory_space<vmem>>
        %dma_start3A_1427 = arith.constant 0 : i32
        %dma_start3A_1428 = tpu.memref_slice %arg6[%add3A_1420, %dma_start3A_1427] : memref<200x128xi32, #tpu.memory_space<vmem>> -> memref<1x128xi32, #tpu.memory_space<vmem>>
        %dma_start3A_1429 = tpu.memref_squeeze %dma_start3A_1428 : memref<1x128xi32, #tpu.memory_space<vmem>> -> memref<128xi32, #tpu.memory_space<vmem>>
        %dma_start3A_1430 = arith.constant 0 : i32
        %dma_start3A_1431 = arith.constant 0 : i32
        %dma_start3A_1432 = tpu.memref_slice %arg3[%dma_start3A_1430, %dma_start3A_1431] : memref<1015808x16xf32, #tpu.memory_space<hbm>> -> memref<1015808x16xf32, #tpu.memory_space<hbm>>
        tpu.enqueue_indirect_dma source(%dma_start3A_1432 : memref<1015808x16xf32, #tpu.memory_space<hbm>>) target(%dma_start3A_1426 : memref<128x16xf32, #tpu.memory_space<vmem>>) offsets(%dma_start3A_1429 : memref<128xi32, #tpu.memory_space<vmem>>) semaphore(%arg10 : memref<!tpu.dma_semaphore, #tpu.memory_space<semaphore_mem>>)
        %mul3A_1433 = arith.constant 20 : i32
        %mul3A_1434 = arith.muli %add3A_1256, %mul3A_1433 : i32
        %add3A_1435 = arith.constant 11 : i32
        %add3A_1436 = arith.addi %mul3A_1434, %add3A_1435 : i32
        %dma_start3A_1437 = arith.constant 0 : i32
        %dma_start3A_1438 = arith.constant 11 : i32
        %dma_start3A_1439 = arith.constant 0 : i32
        %dma_start3A_1440 = arith.constant 0 : i32
        %dma_start3A_1441 = tpu.memref_slice %arg7[%dma_start3A_1437, %dma_start3A_1438, %dma_start3A_1439, %dma_start3A_1440] : memref<2x20x128x16xf32, #tpu.memory_space<vmem>> -> memref<1x1x128x16xf32, #tpu.memory_space<vmem>>
        %dma_start3A_1442 = tpu.memref_squeeze %dma_start3A_1441 : memref<1x1x128x16xf32, #tpu.memory_space<vmem>> -> memref<128x16xf32, #tpu.memory_space<vmem>>
        %dma_start3A_1443 = arith.constant 0 : i32
        %dma_start3A_1444 = tpu.memref_slice %arg6[%add3A_1436, %dma_start3A_1443] : memref<200x128xi32, #tpu.memory_space<vmem>> -> memref<1x128xi32, #tpu.memory_space<vmem>>
        %dma_start3A_1445 = tpu.memref_squeeze %dma_start3A_1444 : memref<1x128xi32, #tpu.memory_space<vmem>> -> memref<128xi32, #tpu.memory_space<vmem>>
        %dma_start3A_1446 = arith.constant 0 : i32
        %dma_start3A_1447 = arith.constant 0 : i32
        %dma_start3A_1448 = tpu.memref_slice %arg3[%dma_start3A_1446, %dma_start3A_1447] : memref<1015808x16xf32, #tpu.memory_space<hbm>> -> memref<1015808x16xf32, #tpu.memory_space<hbm>>
        tpu.enqueue_indirect_dma source(%dma_start3A_1448 : memref<1015808x16xf32, #tpu.memory_space<hbm>>) target(%dma_start3A_1442 : memref<128x16xf32, #tpu.memory_space<vmem>>) offsets(%dma_start3A_1445 : memref<128xi32, #tpu.memory_space<vmem>>) semaphore(%arg10 : memref<!tpu.dma_semaphore, #tpu.memory_space<semaphore_mem>>)
        %mul3A_1449 = arith.constant 20 : i32
        %mul3A_1450 = arith.muli %add3A_1256, %mul3A_1449 : i32
        %add3A_1451 = arith.constant 12 : i32
        %add3A_1452 = arith.addi %mul3A_1450, %add3A_1451 : i32
        %dma_start3A_1453 = arith.constant 0 : i32
        %dma_start3A_1454 = arith.constant 12 : i32
        %dma_start3A_1455 = arith.constant 0 : i32
        %dma_start3A_1456 = arith.constant 0 : i32
        %dma_start3A_1457 = tpu.memref_slice %arg7[%dma_start3A_1453, %dma_start3A_1454, %dma_start3A_1455, %dma_start3A_1456] : memref<2x20x128x16xf32, #tpu.memory_space<vmem>> -> memref<1x1x128x16xf32, #tpu.memory_space<vmem>>
        %dma_start3A_1458 = tpu.memref_squeeze %dma_start3A_1457 : memref<1x1x128x16xf32, #tpu.memory_space<vmem>> -> memref<128x16xf32, #tpu.memory_space<vmem>>
        %dma_start3A_1459 = arith.constant 0 : i32
        %dma_start3A_1460 = tpu.memref_slice %arg6[%add3A_1452, %dma_start3A_1459] : memref<200x128xi32, #tpu.memory_space<vmem>> -> memref<1x128xi32, #tpu.memory_space<vmem>>
        %dma_start3A_1461 = tpu.memref_squeeze %dma_start3A_1460 : memref<1x128xi32, #tpu.memory_space<vmem>> -> memref<128xi32, #tpu.memory_space<vmem>>
        %dma_start3A_1462 = arith.constant 0 : i32
        %dma_start3A_1463 = arith.constant 0 : i32
        %dma_start3A_1464 = tpu.memref_slice %arg3[%dma_start3A_1462, %dma_start3A_1463] : memref<1015808x16xf32, #tpu.memory_space<hbm>> -> memref<1015808x16xf32, #tpu.memory_space<hbm>>
        tpu.enqueue_indirect_dma source(%dma_start3A_1464 : memref<1015808x16xf32, #tpu.memory_space<hbm>>) target(%dma_start3A_1458 : memref<128x16xf32, #tpu.memory_space<vmem>>) offsets(%dma_start3A_1461 : memref<128xi32, #tpu.memory_space<vmem>>) semaphore(%arg10 : memref<!tpu.dma_semaphore, #tpu.memory_space<semaphore_mem>>)
        %mul3A_1465 = arith.constant 20 : i32
        %mul3A_1466 = arith.muli %add3A_1256, %mul3A_1465 : i32
        %add3A_1467 = arith.constant 13 : i32
        %add3A_1468 = arith.addi %mul3A_1466, %add3A_1467 : i32
        %dma_start3A_1469 = arith.constant 0 : i32
        %dma_start3A_1470 = arith.constant 13 : i32
        %dma_start3A_1471 = arith.constant 0 : i32
        %dma_start3A_1472 = arith.constant 0 : i32
        %dma_start3A_1473 = tpu.memref_slice %arg7[%dma_start3A_1469, %dma_start3A_1470, %dma_start3A_1471, %dma_start3A_1472] : memref<2x20x128x16xf32, #tpu.memory_space<vmem>> -> memref<1x1x128x16xf32, #tpu.memory_space<vmem>>
        %dma_start3A_1474 = tpu.memref_squeeze %dma_start3A_1473 : memref<1x1x128x16xf32, #tpu.memory_space<vmem>> -> memref<128x16xf32, #tpu.memory_space<vmem>>
        %dma_start3A_1475 = arith.constant 0 : i32
        %dma_start3A_1476 = tpu.memref_slice %arg6[%add3A_1468, %dma_start3A_1475] : memref<200x128xi32, #tpu.memory_space<vmem>> -> memref<1x128xi32, #tpu.memory_space<vmem>>
        %dma_start3A_1477 = tpu.memref_squeeze %dma_start3A_1476 : memref<1x128xi32, #tpu.memory_space<vmem>> -> memref<128xi32, #tpu.memory_space<vmem>>
        %dma_start3A_1478 = arith.constant 0 : i32
        %dma_start3A_1479 = arith.constant 0 : i32
        %dma_start3A_1480 = tpu.memref_slice %arg3[%dma_start3A_1478, %dma_start3A_1479] : memref<1015808x16xf32, #tpu.memory_space<hbm>> -> memref<1015808x16xf32, #tpu.memory_space<hbm>>
        tpu.enqueue_indirect_dma source(%dma_start3A_1480 : memref<1015808x16xf32, #tpu.memory_space<hbm>>) target(%dma_start3A_1474 : memref<128x16xf32, #tpu.memory_space<vmem>>) offsets(%dma_start3A_1477 : memref<128xi32, #tpu.memory_space<vmem>>) semaphore(%arg10 : memref<!tpu.dma_semaphore, #tpu.memory_space<semaphore_mem>>)
        %mul3A_1481 = arith.constant 20 : i32
        %mul3A_1482 = arith.muli %add3A_1256, %mul3A_1481 : i32
        %add3A_1483 = arith.constant 14 : i32
        %add3A_1484 = arith.addi %mul3A_1482, %add3A_1483 : i32
        %dma_start3A_1485 = arith.constant 0 : i32
        %dma_start3A_1486 = arith.constant 14 : i32
        %dma_start3A_1487 = arith.constant 0 : i32
        %dma_start3A_1488 = arith.constant 0 : i32
        %dma_start3A_1489 = tpu.memref_slice %arg7[%dma_start3A_1485, %dma_start3A_1486, %dma_start3A_1487, %dma_start3A_1488] : memref<2x20x128x16xf32, #tpu.memory_space<vmem>> -> memref<1x1x128x16xf32, #tpu.memory_space<vmem>>
        %dma_start3A_1490 = tpu.memref_squeeze %dma_start3A_1489 : memref<1x1x128x16xf32, #tpu.memory_space<vmem>> -> memref<128x16xf32, #tpu.memory_space<vmem>>
        %dma_start3A_1491 = arith.constant 0 : i32
        %dma_start3A_1492 = tpu.memref_slice %arg6[%add3A_1484, %dma_start3A_1491] : memref<200x128xi32, #tpu.memory_space<vmem>> -> memref<1x128xi32, #tpu.memory_space<vmem>>
        %dma_start3A_1493 = tpu.memref_squeeze %dma_start3A_1492 : memref<1x128xi32, #tpu.memory_space<vmem>> -> memref<128xi32, #tpu.memory_space<vmem>>
        %dma_start3A_1494 = arith.constant 0 : i32
        %dma_start3A_1495 = arith.constant 0 : i32
        %dma_start3A_1496 = tpu.memref_slice %arg3[%dma_start3A_1494, %dma_start3A_1495] : memref<1015808x16xf32, #tpu.memory_space<hbm>> -> memref<1015808x16xf32, #tpu.memory_space<hbm>>
        tpu.enqueue_indirect_dma source(%dma_start3A_1496 : memref<1015808x16xf32, #tpu.memory_space<hbm>>) target(%dma_start3A_1490 : memref<128x16xf32, #tpu.memory_space<vmem>>) offsets(%dma_start3A_1493 : memref<128xi32, #tpu.memory_space<vmem>>) semaphore(%arg10 : memref<!tpu.dma_semaphore, #tpu.memory_space<semaphore_mem>>)
        %mul3A_1497 = arith.constant 20 : i32
        %mul3A_1498 = arith.muli %add3A_1256, %mul3A_1497 : i32
        %add3A_1499 = arith.constant 15 : i32
        %add3A_1500 = arith.addi %mul3A_1498, %add3A_1499 : i32
        %dma_start3A_1501 = arith.constant 0 : i32
        %dma_start3A_1502 = arith.constant 15 : i32
        %dma_start3A_1503 = arith.constant 0 : i32
        %dma_start3A_1504 = arith.constant 0 : i32
        %dma_start3A_1505 = tpu.memref_slice %arg7[%dma_start3A_1501, %dma_start3A_1502, %dma_start3A_1503, %dma_start3A_1504] : memref<2x20x128x16xf32, #tpu.memory_space<vmem>> -> memref<1x1x128x16xf32, #tpu.memory_space<vmem>>
        %dma_start3A_1506 = tpu.memref_squeeze %dma_start3A_1505 : memref<1x1x128x16xf32, #tpu.memory_space<vmem>> -> memref<128x16xf32, #tpu.memory_space<vmem>>
        %dma_start3A_1507 = arith.constant 0 : i32
        %dma_start3A_1508 = tpu.memref_slice %arg6[%add3A_1500, %dma_start3A_1507] : memref<200x128xi32, #tpu.memory_space<vmem>> -> memref<1x128xi32, #tpu.memory_space<vmem>>
        %dma_start3A_1509 = tpu.memref_squeeze %dma_start3A_1508 : memref<1x128xi32, #tpu.memory_space<vmem>> -> memref<128xi32, #tpu.memory_space<vmem>>
        %dma_start3A_1510 = arith.constant 0 : i32
        %dma_start3A_1511 = arith.constant 0 : i32
        %dma_start3A_1512 = tpu.memref_slice %arg3[%dma_start3A_1510, %dma_start3A_1511] : memref<1015808x16xf32, #tpu.memory_space<hbm>> -> memref<1015808x16xf32, #tpu.memory_space<hbm>>
        tpu.enqueue_indirect_dma source(%dma_start3A_1512 : memref<1015808x16xf32, #tpu.memory_space<hbm>>) target(%dma_start3A_1506 : memref<128x16xf32, #tpu.memory_space<vmem>>) offsets(%dma_start3A_1509 : memref<128xi32, #tpu.memory_space<vmem>>) semaphore(%arg10 : memref<!tpu.dma_semaphore, #tpu.memory_space<semaphore_mem>>)
        %mul3A_1513 = arith.constant 20 : i32
        %mul3A_1514 = arith.muli %add3A_1256, %mul3A_1513 : i32
        %add3A_1515 = arith.constant 16 : i32
        %add3A_1516 = arith.addi %mul3A_1514, %add3A_1515 : i32
        %dma_start3A_1517 = arith.constant 0 : i32
        %dma_start3A_1518 = arith.constant 16 : i32
        %dma_start3A_1519 = arith.constant 0 : i32
        %dma_start3A_1520 = arith.constant 0 : i32
        %dma_start3A_1521 = tpu.memref_slice %arg7[%dma_start3A_1517, %dma_start3A_1518, %dma_start3A_1519, %dma_start3A_1520] : memref<2x20x128x16xf32, #tpu.memory_space<vmem>> -> memref<1x1x128x16xf32, #tpu.memory_space<vmem>>
        %dma_start3A_1522 = tpu.memref_squeeze %dma_start3A_1521 : memref<1x1x128x16xf32, #tpu.memory_space<vmem>> -> memref<128x16xf32, #tpu.memory_space<vmem>>
        %dma_start3A_1523 = arith.constant 0 : i32
        %dma_start3A_1524 = tpu.memref_slice %arg6[%add3A_1516, %dma_start3A_1523] : memref<200x128xi32, #tpu.memory_space<vmem>> -> memref<1x128xi32, #tpu.memory_space<vmem>>
        %dma_start3A_1525 = tpu.memref_squeeze %dma_start3A_1524 : memref<1x128xi32, #tpu.memory_space<vmem>> -> memref<128xi32, #tpu.memory_space<vmem>>
        %dma_start3A_1526 = arith.constant 0 : i32
        %dma_start3A_1527 = arith.constant 0 : i32
        %dma_start3A_1528 = tpu.memref_slice %arg3[%dma_start3A_1526, %dma_start3A_1527] : memref<1015808x16xf32, #tpu.memory_space<hbm>> -> memref<1015808x16xf32, #tpu.memory_space<hbm>>
        tpu.enqueue_indirect_dma source(%dma_start3A_1528 : memref<1015808x16xf32, #tpu.memory_space<hbm>>) target(%dma_start3A_1522 : memref<128x16xf32, #tpu.memory_space<vmem>>) offsets(%dma_start3A_1525 : memref<128xi32, #tpu.memory_space<vmem>>) semaphore(%arg10 : memref<!tpu.dma_semaphore, #tpu.memory_space<semaphore_mem>>)
        %mul3A_1529 = arith.constant 20 : i32
        %mul3A_1530 = arith.muli %add3A_1256, %mul3A_1529 : i32
        %add3A_1531 = arith.constant 17 : i32
        %add3A_1532 = arith.addi %mul3A_1530, %add3A_1531 : i32
        %dma_start3A_1533 = arith.constant 0 : i32
        %dma_start3A_1534 = arith.constant 17 : i32
        %dma_start3A_1535 = arith.constant 0 : i32
        %dma_start3A_1536 = arith.constant 0 : i32
        %dma_start3A_1537 = tpu.memref_slice %arg7[%dma_start3A_1533, %dma_start3A_1534, %dma_start3A_1535, %dma_start3A_1536] : memref<2x20x128x16xf32, #tpu.memory_space<vmem>> -> memref<1x1x128x16xf32, #tpu.memory_space<vmem>>
        %dma_start3A_1538 = tpu.memref_squeeze %dma_start3A_1537 : memref<1x1x128x16xf32, #tpu.memory_space<vmem>> -> memref<128x16xf32, #tpu.memory_space<vmem>>
        %dma_start3A_1539 = arith.constant 0 : i32
        %dma_start3A_1540 = tpu.memref_slice %arg6[%add3A_1532, %dma_start3A_1539] : memref<200x128xi32, #tpu.memory_space<vmem>> -> memref<1x128xi32, #tpu.memory_space<vmem>>
        %dma_start3A_1541 = tpu.memref_squeeze %dma_start3A_1540 : memref<1x128xi32, #tpu.memory_space<vmem>> -> memref<128xi32, #tpu.memory_space<vmem>>
        %dma_start3A_1542 = arith.constant 0 : i32
        %dma_start3A_1543 = arith.constant 0 : i32
        %dma_start3A_1544 = tpu.memref_slice %arg3[%dma_start3A_1542, %dma_start3A_1543] : memref<1015808x16xf32, #tpu.memory_space<hbm>> -> memref<1015808x16xf32, #tpu.memory_space<hbm>>
        tpu.enqueue_indirect_dma source(%dma_start3A_1544 : memref<1015808x16xf32, #tpu.memory_space<hbm>>) target(%dma_start3A_1538 : memref<128x16xf32, #tpu.memory_space<vmem>>) offsets(%dma_start3A_1541 : memref<128xi32, #tpu.memory_space<vmem>>) semaphore(%arg10 : memref<!tpu.dma_semaphore, #tpu.memory_space<semaphore_mem>>)
        %mul3A_1545 = arith.constant 20 : i32
        %mul3A_1546 = arith.muli %add3A_1256, %mul3A_1545 : i32
        %add3A_1547 = arith.constant 18 : i32
        %add3A_1548 = arith.addi %mul3A_1546, %add3A_1547 : i32
        %dma_start3A_1549 = arith.constant 0 : i32
        %dma_start3A_1550 = arith.constant 18 : i32
        %dma_start3A_1551 = arith.constant 0 : i32
        %dma_start3A_1552 = arith.constant 0 : i32
        %dma_start3A_1553 = tpu.memref_slice %arg7[%dma_start3A_1549, %dma_start3A_1550, %dma_start3A_1551, %dma_start3A_1552] : memref<2x20x128x16xf32, #tpu.memory_space<vmem>> -> memref<1x1x128x16xf32, #tpu.memory_space<vmem>>
        %dma_start3A_1554 = tpu.memref_squeeze %dma_start3A_1553 : memref<1x1x128x16xf32, #tpu.memory_space<vmem>> -> memref<128x16xf32, #tpu.memory_space<vmem>>
        %dma_start3A_1555 = arith.constant 0 : i32
        %dma_start3A_1556 = tpu.memref_slice %arg6[%add3A_1548, %dma_start3A_1555] : memref<200x128xi32, #tpu.memory_space<vmem>> -> memref<1x128xi32, #tpu.memory_space<vmem>>
        %dma_start3A_1557 = tpu.memref_squeeze %dma_start3A_1556 : memref<1x128xi32, #tpu.memory_space<vmem>> -> memref<128xi32, #tpu.memory_space<vmem>>
        %dma_start3A_1558 = arith.constant 0 : i32
        %dma_start3A_1559 = arith.constant 0 : i32
        %dma_start3A_1560 = tpu.memref_slice %arg3[%dma_start3A_1558, %dma_start3A_1559] : memref<1015808x16xf32, #tpu.memory_space<hbm>> -> memref<1015808x16xf32, #tpu.memory_space<hbm>>
        tpu.enqueue_indirect_dma source(%dma_start3A_1560 : memref<1015808x16xf32, #tpu.memory_space<hbm>>) target(%dma_start3A_1554 : memref<128x16xf32, #tpu.memory_space<vmem>>) offsets(%dma_start3A_1557 : memref<128xi32, #tpu.memory_space<vmem>>) semaphore(%arg10 : memref<!tpu.dma_semaphore, #tpu.memory_space<semaphore_mem>>)
        %mul3A_1561 = arith.constant 20 : i32
        %mul3A_1562 = arith.muli %add3A_1256, %mul3A_1561 : i32
        %add3A_1563 = arith.constant 19 : i32
        %add3A_1564 = arith.addi %mul3A_1562, %add3A_1563 : i32
        %dma_start3A_1565 = arith.constant 0 : i32
        %dma_start3A_1566 = arith.constant 19 : i32
        %dma_start3A_1567 = arith.constant 0 : i32
        %dma_start3A_1568 = arith.constant 0 : i32
        %dma_start3A_1569 = tpu.memref_slice %arg7[%dma_start3A_1565, %dma_start3A_1566, %dma_start3A_1567, %dma_start3A_1568] : memref<2x20x128x16xf32, #tpu.memory_space<vmem>> -> memref<1x1x128x16xf32, #tpu.memory_space<vmem>>
        %dma_start3A_1570 = tpu.memref_squeeze %dma_start3A_1569 : memref<1x1x128x16xf32, #tpu.memory_space<vmem>> -> memref<128x16xf32, #tpu.memory_space<vmem>>
        %dma_start3A_1571 = arith.constant 0 : i32
        %dma_start3A_1572 = tpu.memref_slice %arg6[%add3A_1564, %dma_start3A_1571] : memref<200x128xi32, #tpu.memory_space<vmem>> -> memref<1x128xi32, #tpu.memory_space<vmem>>
        %dma_start3A_1573 = tpu.memref_squeeze %dma_start3A_1572 : memref<1x128xi32, #tpu.memory_space<vmem>> -> memref<128xi32, #tpu.memory_space<vmem>>
        %dma_start3A_1574 = arith.constant 0 : i32
        %dma_start3A_1575 = arith.constant 0 : i32
        %dma_start3A_1576 = tpu.memref_slice %arg3[%dma_start3A_1574, %dma_start3A_1575] : memref<1015808x16xf32, #tpu.memory_space<hbm>> -> memref<1015808x16xf32, #tpu.memory_space<hbm>>
        tpu.enqueue_indirect_dma source(%dma_start3A_1576 : memref<1015808x16xf32, #tpu.memory_space<hbm>>) target(%dma_start3A_1570 : memref<128x16xf32, #tpu.memory_space<vmem>>) offsets(%dma_start3A_1573 : memref<128xi32, #tpu.memory_space<vmem>>) semaphore(%arg10 : memref<!tpu.dma_semaphore, #tpu.memory_space<semaphore_mem>>)
      } else {
      }
      %add3A_928 = arith.constant 1 : i32
      %add3A_929 = arith.addi %add3A_277, %add3A_928 : i32
      %mul3A_930 = arith.constant 20 : i32
      %mul3A_931 = arith.muli %add3A_929, %mul3A_930 : i32
      %add3A_932 = arith.constant 0 : i32
      %add3A_933 = arith.addi %mul3A_931, %add3A_932 : i32
      %dma_wait3A_934 = arith.constant 1 : i32
      %dma_wait3A_935 = arith.constant 0 : i32
      %dma_wait3A_936 = arith.constant 0 : i32
      %dma_wait3A_937 = arith.constant 0 : i32
      %dma_wait3A_938 = tpu.memref_slice %arg7[%dma_wait3A_934, %dma_wait3A_935, %dma_wait3A_936, %dma_wait3A_937] : memref<2x20x128x16xf32, #tpu.memory_space<vmem>> -> memref<1x1x128x16xf32, #tpu.memory_space<vmem>>
      %dma_wait3A_939 = tpu.memref_squeeze %dma_wait3A_938 : memref<1x1x128x16xf32, #tpu.memory_space<vmem>> -> memref<128x16xf32, #tpu.memory_space<vmem>>
      %dma_wait3A_940 = arith.constant 0 : i32
      %dma_wait3A_941 = tpu.memref_slice %arg6[%add3A_933, %dma_wait3A_940] : memref<200x128xi32, #tpu.memory_space<vmem>> -> memref<1x128xi32, #tpu.memory_space<vmem>>
      %dma_wait3A_942 = tpu.memref_squeeze %dma_wait3A_941 : memref<1x128xi32, #tpu.memory_space<vmem>> -> memref<128xi32, #tpu.memory_space<vmem>>
      %dma_wait3A_943 = arith.constant 0 : i32
      %dma_wait3A_944 = arith.constant 0 : i32
      %dma_wait3A_945 = tpu.memref_slice %arg3[%dma_wait3A_943, %dma_wait3A_944] : memref<1015808x16xf32, #tpu.memory_space<hbm>> -> memref<1015808x16xf32, #tpu.memory_space<hbm>>
      tpu.wait_indirect_dma semaphore(%arg11 : memref<!tpu.dma_semaphore, #tpu.memory_space<semaphore_mem>>) src(%dma_wait3A_945 : memref<1015808x16xf32, #tpu.memory_space<hbm>>) dst(%dma_wait3A_939 : memref<128x16xf32, #tpu.memory_space<vmem>>)
      %mul3A_946 = arith.constant 20 : i32
      %mul3A_947 = arith.muli %add3A_929, %mul3A_946 : i32
      %add3A_948 = arith.constant 1 : i32
      %add3A_949 = arith.addi %mul3A_947, %add3A_948 : i32
      %dma_wait3A_950 = arith.constant 1 : i32
      %dma_wait3A_951 = arith.constant 1 : i32
      %dma_wait3A_952 = arith.constant 0 : i32
      %dma_wait3A_953 = arith.constant 0 : i32
      %dma_wait3A_954 = tpu.memref_slice %arg7[%dma_wait3A_950, %dma_wait3A_951, %dma_wait3A_952, %dma_wait3A_953] : memref<2x20x128x16xf32, #tpu.memory_space<vmem>> -> memref<1x1x128x16xf32, #tpu.memory_space<vmem>>
      %dma_wait3A_955 = tpu.memref_squeeze %dma_wait3A_954 : memref<1x1x128x16xf32, #tpu.memory_space<vmem>> -> memref<128x16xf32, #tpu.memory_space<vmem>>
      %dma_wait3A_956 = arith.constant 0 : i32
      %dma_wait3A_957 = tpu.memref_slice %arg6[%add3A_949, %dma_wait3A_956] : memref<200x128xi32, #tpu.memory_space<vmem>> -> memref<1x128xi32, #tpu.memory_space<vmem>>
      %dma_wait3A_958 = tpu.memref_squeeze %dma_wait3A_957 : memref<1x128xi32, #tpu.memory_space<vmem>> -> memref<128xi32, #tpu.memory_space<vmem>>
      %dma_wait3A_959 = arith.constant 0 : i32
      %dma_wait3A_960 = arith.constant 0 : i32
      %dma_wait3A_961 = tpu.memref_slice %arg3[%dma_wait3A_959, %dma_wait3A_960] : memref<1015808x16xf32, #tpu.memory_space<hbm>> -> memref<1015808x16xf32, #tpu.memory_space<hbm>>
      tpu.wait_indirect_dma semaphore(%arg11 : memref<!tpu.dma_semaphore, #tpu.memory_space<semaphore_mem>>) src(%dma_wait3A_961 : memref<1015808x16xf32, #tpu.memory_space<hbm>>) dst(%dma_wait3A_955 : memref<128x16xf32, #tpu.memory_space<vmem>>)
      %mul3A_962 = arith.constant 20 : i32
      %mul3A_963 = arith.muli %add3A_929, %mul3A_962 : i32
      %add3A_964 = arith.constant 2 : i32
      %add3A_965 = arith.addi %mul3A_963, %add3A_964 : i32
      %dma_wait3A_966 = arith.constant 1 : i32
      %dma_wait3A_967 = arith.constant 2 : i32
      %dma_wait3A_968 = arith.constant 0 : i32
      %dma_wait3A_969 = arith.constant 0 : i32
      %dma_wait3A_970 = tpu.memref_slice %arg7[%dma_wait3A_966, %dma_wait3A_967, %dma_wait3A_968, %dma_wait3A_969] : memref<2x20x128x16xf32, #tpu.memory_space<vmem>> -> memref<1x1x128x16xf32, #tpu.memory_space<vmem>>
      %dma_wait3A_971 = tpu.memref_squeeze %dma_wait3A_970 : memref<1x1x128x16xf32, #tpu.memory_space<vmem>> -> memref<128x16xf32, #tpu.memory_space<vmem>>
      %dma_wait3A_972 = arith.constant 0 : i32
      %dma_wait3A_973 = tpu.memref_slice %arg6[%add3A_965, %dma_wait3A_972] : memref<200x128xi32, #tpu.memory_space<vmem>> -> memref<1x128xi32, #tpu.memory_space<vmem>>
      %dma_wait3A_974 = tpu.memref_squeeze %dma_wait3A_973 : memref<1x128xi32, #tpu.memory_space<vmem>> -> memref<128xi32, #tpu.memory_space<vmem>>
      %dma_wait3A_975 = arith.constant 0 : i32
      %dma_wait3A_976 = arith.constant 0 : i32
      %dma_wait3A_977 = tpu.memref_slice %arg3[%dma_wait3A_975, %dma_wait3A_976] : memref<1015808x16xf32, #tpu.memory_space<hbm>> -> memref<1015808x16xf32, #tpu.memory_space<hbm>>
      tpu.wait_indirect_dma semaphore(%arg11 : memref<!tpu.dma_semaphore, #tpu.memory_space<semaphore_mem>>) src(%dma_wait3A_977 : memref<1015808x16xf32, #tpu.memory_space<hbm>>) dst(%dma_wait3A_971 : memref<128x16xf32, #tpu.memory_space<vmem>>)
      %mul3A_978 = arith.constant 20 : i32
      %mul3A_979 = arith.muli %add3A_929, %mul3A_978 : i32
      %add3A_980 = arith.constant 3 : i32
      %add3A_981 = arith.addi %mul3A_979, %add3A_980 : i32
      %dma_wait3A_982 = arith.constant 1 : i32
      %dma_wait3A_983 = arith.constant 3 : i32
      %dma_wait3A_984 = arith.constant 0 : i32
      %dma_wait3A_985 = arith.constant 0 : i32
      %dma_wait3A_986 = tpu.memref_slice %arg7[%dma_wait3A_982, %dma_wait3A_983, %dma_wait3A_984, %dma_wait3A_985] : memref<2x20x128x16xf32, #tpu.memory_space<vmem>> -> memref<1x1x128x16xf32, #tpu.memory_space<vmem>>
      %dma_wait3A_987 = tpu.memref_squeeze %dma_wait3A_986 : memref<1x1x128x16xf32, #tpu.memory_space<vmem>> -> memref<128x16xf32, #tpu.memory_space<vmem>>
      %dma_wait3A_988 = arith.constant 0 : i32
      %dma_wait3A_989 = tpu.memref_slice %arg6[%add3A_981, %dma_wait3A_988] : memref<200x128xi32, #tpu.memory_space<vmem>> -> memref<1x128xi32, #tpu.memory_space<vmem>>
      %dma_wait3A_990 = tpu.memref_squeeze %dma_wait3A_989 : memref<1x128xi32, #tpu.memory_space<vmem>> -> memref<128xi32, #tpu.memory_space<vmem>>
      %dma_wait3A_991 = arith.constant 0 : i32
      %dma_wait3A_992 = arith.constant 0 : i32
      %dma_wait3A_993 = tpu.memref_slice %arg3[%dma_wait3A_991, %dma_wait3A_992] : memref<1015808x16xf32, #tpu.memory_space<hbm>> -> memref<1015808x16xf32, #tpu.memory_space<hbm>>
      tpu.wait_indirect_dma semaphore(%arg11 : memref<!tpu.dma_semaphore, #tpu.memory_space<semaphore_mem>>) src(%dma_wait3A_993 : memref<1015808x16xf32, #tpu.memory_space<hbm>>) dst(%dma_wait3A_987 : memref<128x16xf32, #tpu.memory_space<vmem>>)
      %mul3A_994 = arith.constant 20 : i32
      %mul3A_995 = arith.muli %add3A_929, %mul3A_994 : i32
      %add3A_996 = arith.constant 4 : i32
      %add3A_997 = arith.addi %mul3A_995, %add3A_996 : i32
      %dma_wait3A_998 = arith.constant 1 : i32
      %dma_wait3A_999 = arith.constant 4 : i32
      %dma_wait3A_1000 = arith.constant 0 : i32
      %dma_wait3A_1001 = arith.constant 0 : i32
      %dma_wait3A_1002 = tpu.memref_slice %arg7[%dma_wait3A_998, %dma_wait3A_999, %dma_wait3A_1000, %dma_wait3A_1001] : memref<2x20x128x16xf32, #tpu.memory_space<vmem>> -> memref<1x1x128x16xf32, #tpu.memory_space<vmem>>
      %dma_wait3A_1003 = tpu.memref_squeeze %dma_wait3A_1002 : memref<1x1x128x16xf32, #tpu.memory_space<vmem>> -> memref<128x16xf32, #tpu.memory_space<vmem>>
      %dma_wait3A_1004 = arith.constant 0 : i32
      %dma_wait3A_1005 = tpu.memref_slice %arg6[%add3A_997, %dma_wait3A_1004] : memref<200x128xi32, #tpu.memory_space<vmem>> -> memref<1x128xi32, #tpu.memory_space<vmem>>
      %dma_wait3A_1006 = tpu.memref_squeeze %dma_wait3A_1005 : memref<1x128xi32, #tpu.memory_space<vmem>> -> memref<128xi32, #tpu.memory_space<vmem>>
      %dma_wait3A_1007 = arith.constant 0 : i32
      %dma_wait3A_1008 = arith.constant 0 : i32
      %dma_wait3A_1009 = tpu.memref_slice %arg3[%dma_wait3A_1007, %dma_wait3A_1008] : memref<1015808x16xf32, #tpu.memory_space<hbm>> -> memref<1015808x16xf32, #tpu.memory_space<hbm>>
      tpu.wait_indirect_dma semaphore(%arg11 : memref<!tpu.dma_semaphore, #tpu.memory_space<semaphore_mem>>) src(%dma_wait3A_1009 : memref<1015808x16xf32, #tpu.memory_space<hbm>>) dst(%dma_wait3A_1003 : memref<128x16xf32, #tpu.memory_space<vmem>>)
      %mul3A_1010 = arith.constant 20 : i32
      %mul3A_1011 = arith.muli %add3A_929, %mul3A_1010 : i32
      %add3A_1012 = arith.constant 5 : i32
      %add3A_1013 = arith.addi %mul3A_1011, %add3A_1012 : i32
      %dma_wait3A_1014 = arith.constant 1 : i32
      %dma_wait3A_1015 = arith.constant 5 : i32
      %dma_wait3A_1016 = arith.constant 0 : i32
      %dma_wait3A_1017 = arith.constant 0 : i32
      %dma_wait3A_1018 = tpu.memref_slice %arg7[%dma_wait3A_1014, %dma_wait3A_1015, %dma_wait3A_1016, %dma_wait3A_1017] : memref<2x20x128x16xf32, #tpu.memory_space<vmem>> -> memref<1x1x128x16xf32, #tpu.memory_space<vmem>>
      %dma_wait3A_1019 = tpu.memref_squeeze %dma_wait3A_1018 : memref<1x1x128x16xf32, #tpu.memory_space<vmem>> -> memref<128x16xf32, #tpu.memory_space<vmem>>
      %dma_wait3A_1020 = arith.constant 0 : i32
      %dma_wait3A_1021 = tpu.memref_slice %arg6[%add3A_1013, %dma_wait3A_1020] : memref<200x128xi32, #tpu.memory_space<vmem>> -> memref<1x128xi32, #tpu.memory_space<vmem>>
      %dma_wait3A_1022 = tpu.memref_squeeze %dma_wait3A_1021 : memref<1x128xi32, #tpu.memory_space<vmem>> -> memref<128xi32, #tpu.memory_space<vmem>>
      %dma_wait3A_1023 = arith.constant 0 : i32
      %dma_wait3A_1024 = arith.constant 0 : i32
      %dma_wait3A_1025 = tpu.memref_slice %arg3[%dma_wait3A_1023, %dma_wait3A_1024] : memref<1015808x16xf32, #tpu.memory_space<hbm>> -> memref<1015808x16xf32, #tpu.memory_space<hbm>>
      tpu.wait_indirect_dma semaphore(%arg11 : memref<!tpu.dma_semaphore, #tpu.memory_space<semaphore_mem>>) src(%dma_wait3A_1025 : memref<1015808x16xf32, #tpu.memory_space<hbm>>) dst(%dma_wait3A_1019 : memref<128x16xf32, #tpu.memory_space<vmem>>)
      %mul3A_1026 = arith.constant 20 : i32
      %mul3A_1027 = arith.muli %add3A_929, %mul3A_1026 : i32
      %add3A_1028 = arith.constant 6 : i32
      %add3A_1029 = arith.addi %mul3A_1027, %add3A_1028 : i32
      %dma_wait3A_1030 = arith.constant 1 : i32
      %dma_wait3A_1031 = arith.constant 6 : i32
      %dma_wait3A_1032 = arith.constant 0 : i32
      %dma_wait3A_1033 = arith.constant 0 : i32
      %dma_wait3A_1034 = tpu.memref_slice %arg7[%dma_wait3A_1030, %dma_wait3A_1031, %dma_wait3A_1032, %dma_wait3A_1033] : memref<2x20x128x16xf32, #tpu.memory_space<vmem>> -> memref<1x1x128x16xf32, #tpu.memory_space<vmem>>
      %dma_wait3A_1035 = tpu.memref_squeeze %dma_wait3A_1034 : memref<1x1x128x16xf32, #tpu.memory_space<vmem>> -> memref<128x16xf32, #tpu.memory_space<vmem>>
      %dma_wait3A_1036 = arith.constant 0 : i32
      %dma_wait3A_1037 = tpu.memref_slice %arg6[%add3A_1029, %dma_wait3A_1036] : memref<200x128xi32, #tpu.memory_space<vmem>> -> memref<1x128xi32, #tpu.memory_space<vmem>>
      %dma_wait3A_1038 = tpu.memref_squeeze %dma_wait3A_1037 : memref<1x128xi32, #tpu.memory_space<vmem>> -> memref<128xi32, #tpu.memory_space<vmem>>
      %dma_wait3A_1039 = arith.constant 0 : i32
      %dma_wait3A_1040 = arith.constant 0 : i32
      %dma_wait3A_1041 = tpu.memref_slice %arg3[%dma_wait3A_1039, %dma_wait3A_1040] : memref<1015808x16xf32, #tpu.memory_space<hbm>> -> memref<1015808x16xf32, #tpu.memory_space<hbm>>
      tpu.wait_indirect_dma semaphore(%arg11 : memref<!tpu.dma_semaphore, #tpu.memory_space<semaphore_mem>>) src(%dma_wait3A_1041 : memref<1015808x16xf32, #tpu.memory_space<hbm>>) dst(%dma_wait3A_1035 : memref<128x16xf32, #tpu.memory_space<vmem>>)
      %mul3A_1042 = arith.constant 20 : i32
      %mul3A_1043 = arith.muli %add3A_929, %mul3A_1042 : i32
      %add3A_1044 = arith.constant 7 : i32
      %add3A_1045 = arith.addi %mul3A_1043, %add3A_1044 : i32
      %dma_wait3A_1046 = arith.constant 1 : i32
      %dma_wait3A_1047 = arith.constant 7 : i32
      %dma_wait3A_1048 = arith.constant 0 : i32
      %dma_wait3A_1049 = arith.constant 0 : i32
      %dma_wait3A_1050 = tpu.memref_slice %arg7[%dma_wait3A_1046, %dma_wait3A_1047, %dma_wait3A_1048, %dma_wait3A_1049] : memref<2x20x128x16xf32, #tpu.memory_space<vmem>> -> memref<1x1x128x16xf32, #tpu.memory_space<vmem>>
      %dma_wait3A_1051 = tpu.memref_squeeze %dma_wait3A_1050 : memref<1x1x128x16xf32, #tpu.memory_space<vmem>> -> memref<128x16xf32, #tpu.memory_space<vmem>>
      %dma_wait3A_1052 = arith.constant 0 : i32
      %dma_wait3A_1053 = tpu.memref_slice %arg6[%add3A_1045, %dma_wait3A_1052] : memref<200x128xi32, #tpu.memory_space<vmem>> -> memref<1x128xi32, #tpu.memory_space<vmem>>
      %dma_wait3A_1054 = tpu.memref_squeeze %dma_wait3A_1053 : memref<1x128xi32, #tpu.memory_space<vmem>> -> memref<128xi32, #tpu.memory_space<vmem>>
      %dma_wait3A_1055 = arith.constant 0 : i32
      %dma_wait3A_1056 = arith.constant 0 : i32
      %dma_wait3A_1057 = tpu.memref_slice %arg3[%dma_wait3A_1055, %dma_wait3A_1056] : memref<1015808x16xf32, #tpu.memory_space<hbm>> -> memref<1015808x16xf32, #tpu.memory_space<hbm>>
      tpu.wait_indirect_dma semaphore(%arg11 : memref<!tpu.dma_semaphore, #tpu.memory_space<semaphore_mem>>) src(%dma_wait3A_1057 : memref<1015808x16xf32, #tpu.memory_space<hbm>>) dst(%dma_wait3A_1051 : memref<128x16xf32, #tpu.memory_space<vmem>>)
      %mul3A_1058 = arith.constant 20 : i32
      %mul3A_1059 = arith.muli %add3A_929, %mul3A_1058 : i32
      %add3A_1060 = arith.constant 8 : i32
      %add3A_1061 = arith.addi %mul3A_1059, %add3A_1060 : i32
      %dma_wait3A_1062 = arith.constant 1 : i32
      %dma_wait3A_1063 = arith.constant 8 : i32
      %dma_wait3A_1064 = arith.constant 0 : i32
      %dma_wait3A_1065 = arith.constant 0 : i32
      %dma_wait3A_1066 = tpu.memref_slice %arg7[%dma_wait3A_1062, %dma_wait3A_1063, %dma_wait3A_1064, %dma_wait3A_1065] : memref<2x20x128x16xf32, #tpu.memory_space<vmem>> -> memref<1x1x128x16xf32, #tpu.memory_space<vmem>>
      %dma_wait3A_1067 = tpu.memref_squeeze %dma_wait3A_1066 : memref<1x1x128x16xf32, #tpu.memory_space<vmem>> -> memref<128x16xf32, #tpu.memory_space<vmem>>
      %dma_wait3A_1068 = arith.constant 0 : i32
      %dma_wait3A_1069 = tpu.memref_slice %arg6[%add3A_1061, %dma_wait3A_1068] : memref<200x128xi32, #tpu.memory_space<vmem>> -> memref<1x128xi32, #tpu.memory_space<vmem>>
      %dma_wait3A_1070 = tpu.memref_squeeze %dma_wait3A_1069 : memref<1x128xi32, #tpu.memory_space<vmem>> -> memref<128xi32, #tpu.memory_space<vmem>>
      %dma_wait3A_1071 = arith.constant 0 : i32
      %dma_wait3A_1072 = arith.constant 0 : i32
      %dma_wait3A_1073 = tpu.memref_slice %arg3[%dma_wait3A_1071, %dma_wait3A_1072] : memref<1015808x16xf32, #tpu.memory_space<hbm>> -> memref<1015808x16xf32, #tpu.memory_space<hbm>>
      tpu.wait_indirect_dma semaphore(%arg11 : memref<!tpu.dma_semaphore, #tpu.memory_space<semaphore_mem>>) src(%dma_wait3A_1073 : memref<1015808x16xf32, #tpu.memory_space<hbm>>) dst(%dma_wait3A_1067 : memref<128x16xf32, #tpu.memory_space<vmem>>)
      %mul3A_1074 = arith.constant 20 : i32
      %mul3A_1075 = arith.muli %add3A_929, %mul3A_1074 : i32
      %add3A_1076 = arith.constant 9 : i32
      %add3A_1077 = arith.addi %mul3A_1075, %add3A_1076 : i32
      %dma_wait3A_1078 = arith.constant 1 : i32
      %dma_wait3A_1079 = arith.constant 9 : i32
      %dma_wait3A_1080 = arith.constant 0 : i32
      %dma_wait3A_1081 = arith.constant 0 : i32
      %dma_wait3A_1082 = tpu.memref_slice %arg7[%dma_wait3A_1078, %dma_wait3A_1079, %dma_wait3A_1080, %dma_wait3A_1081] : memref<2x20x128x16xf32, #tpu.memory_space<vmem>> -> memref<1x1x128x16xf32, #tpu.memory_space<vmem>>
      %dma_wait3A_1083 = tpu.memref_squeeze %dma_wait3A_1082 : memref<1x1x128x16xf32, #tpu.memory_space<vmem>> -> memref<128x16xf32, #tpu.memory_space<vmem>>
      %dma_wait3A_1084 = arith.constant 0 : i32
      %dma_wait3A_1085 = tpu.memref_slice %arg6[%add3A_1077, %dma_wait3A_1084] : memref<200x128xi32, #tpu.memory_space<vmem>> -> memref<1x128xi32, #tpu.memory_space<vmem>>
      %dma_wait3A_1086 = tpu.memref_squeeze %dma_wait3A_1085 : memref<1x128xi32, #tpu.memory_space<vmem>> -> memref<128xi32, #tpu.memory_space<vmem>>
      %dma_wait3A_1087 = arith.constant 0 : i32
      %dma_wait3A_1088 = arith.constant 0 : i32
      %dma_wait3A_1089 = tpu.memref_slice %arg3[%dma_wait3A_1087, %dma_wait3A_1088] : memref<1015808x16xf32, #tpu.memory_space<hbm>> -> memref<1015808x16xf32, #tpu.memory_space<hbm>>
      tpu.wait_indirect_dma semaphore(%arg11 : memref<!tpu.dma_semaphore, #tpu.memory_space<semaphore_mem>>) src(%dma_wait3A_1089 : memref<1015808x16xf32, #tpu.memory_space<hbm>>) dst(%dma_wait3A_1083 : memref<128x16xf32, #tpu.memory_space<vmem>>)
      %mul3A_1090 = arith.constant 20 : i32
      %mul3A_1091 = arith.muli %add3A_929, %mul3A_1090 : i32
      %add3A_1092 = arith.constant 10 : i32
      %add3A_1093 = arith.addi %mul3A_1091, %add3A_1092 : i32
      %dma_wait3A_1094 = arith.constant 1 : i32
      %dma_wait3A_1095 = arith.constant 10 : i32
      %dma_wait3A_1096 = arith.constant 0 : i32
      %dma_wait3A_1097 = arith.constant 0 : i32
      %dma_wait3A_1098 = tpu.memref_slice %arg7[%dma_wait3A_1094, %dma_wait3A_1095, %dma_wait3A_1096, %dma_wait3A_1097] : memref<2x20x128x16xf32, #tpu.memory_space<vmem>> -> memref<1x1x128x16xf32, #tpu.memory_space<vmem>>
      %dma_wait3A_1099 = tpu.memref_squeeze %dma_wait3A_1098 : memref<1x1x128x16xf32, #tpu.memory_space<vmem>> -> memref<128x16xf32, #tpu.memory_space<vmem>>
      %dma_wait3A_1100 = arith.constant 0 : i32
      %dma_wait3A_1101 = tpu.memref_slice %arg6[%add3A_1093, %dma_wait3A_1100] : memref<200x128xi32, #tpu.memory_space<vmem>> -> memref<1x128xi32, #tpu.memory_space<vmem>>
      %dma_wait3A_1102 = tpu.memref_squeeze %dma_wait3A_1101 : memref<1x128xi32, #tpu.memory_space<vmem>> -> memref<128xi32, #tpu.memory_space<vmem>>
      %dma_wait3A_1103 = arith.constant 0 : i32
      %dma_wait3A_1104 = arith.constant 0 : i32
      %dma_wait3A_1105 = tpu.memref_slice %arg3[%dma_wait3A_1103, %dma_wait3A_1104] : memref<1015808x16xf32, #tpu.memory_space<hbm>> -> memref<1015808x16xf32, #tpu.memory_space<hbm>>
      tpu.wait_indirect_dma semaphore(%arg11 : memref<!tpu.dma_semaphore, #tpu.memory_space<semaphore_mem>>) src(%dma_wait3A_1105 : memref<1015808x16xf32, #tpu.memory_space<hbm>>) dst(%dma_wait3A_1099 : memref<128x16xf32, #tpu.memory_space<vmem>>)
      %mul3A_1106 = arith.constant 20 : i32
      %mul3A_1107 = arith.muli %add3A_929, %mul3A_1106 : i32
      %add3A_1108 = arith.constant 11 : i32
      %add3A_1109 = arith.addi %mul3A_1107, %add3A_1108 : i32
      %dma_wait3A_1110 = arith.constant 1 : i32
      %dma_wait3A_1111 = arith.constant 11 : i32
      %dma_wait3A_1112 = arith.constant 0 : i32
      %dma_wait3A_1113 = arith.constant 0 : i32
      %dma_wait3A_1114 = tpu.memref_slice %arg7[%dma_wait3A_1110, %dma_wait3A_1111, %dma_wait3A_1112, %dma_wait3A_1113] : memref<2x20x128x16xf32, #tpu.memory_space<vmem>> -> memref<1x1x128x16xf32, #tpu.memory_space<vmem>>
      %dma_wait3A_1115 = tpu.memref_squeeze %dma_wait3A_1114 : memref<1x1x128x16xf32, #tpu.memory_space<vmem>> -> memref<128x16xf32, #tpu.memory_space<vmem>>
      %dma_wait3A_1116 = arith.constant 0 : i32
      %dma_wait3A_1117 = tpu.memref_slice %arg6[%add3A_1109, %dma_wait3A_1116] : memref<200x128xi32, #tpu.memory_space<vmem>> -> memref<1x128xi32, #tpu.memory_space<vmem>>
      %dma_wait3A_1118 = tpu.memref_squeeze %dma_wait3A_1117 : memref<1x128xi32, #tpu.memory_space<vmem>> -> memref<128xi32, #tpu.memory_space<vmem>>
      %dma_wait3A_1119 = arith.constant 0 : i32
      %dma_wait3A_1120 = arith.constant 0 : i32
      %dma_wait3A_1121 = tpu.memref_slice %arg3[%dma_wait3A_1119, %dma_wait3A_1120] : memref<1015808x16xf32, #tpu.memory_space<hbm>> -> memref<1015808x16xf32, #tpu.memory_space<hbm>>
      tpu.wait_indirect_dma semaphore(%arg11 : memref<!tpu.dma_semaphore, #tpu.memory_space<semaphore_mem>>) src(%dma_wait3A_1121 : memref<1015808x16xf32, #tpu.memory_space<hbm>>) dst(%dma_wait3A_1115 : memref<128x16xf32, #tpu.memory_space<vmem>>)
      %mul3A_1122 = arith.constant 20 : i32
      %mul3A_1123 = arith.muli %add3A_929, %mul3A_1122 : i32
      %add3A_1124 = arith.constant 12 : i32
      %add3A_1125 = arith.addi %mul3A_1123, %add3A_1124 : i32
      %dma_wait3A_1126 = arith.constant 1 : i32
      %dma_wait3A_1127 = arith.constant 12 : i32
      %dma_wait3A_1128 = arith.constant 0 : i32
      %dma_wait3A_1129 = arith.constant 0 : i32
      %dma_wait3A_1130 = tpu.memref_slice %arg7[%dma_wait3A_1126, %dma_wait3A_1127, %dma_wait3A_1128, %dma_wait3A_1129] : memref<2x20x128x16xf32, #tpu.memory_space<vmem>> -> memref<1x1x128x16xf32, #tpu.memory_space<vmem>>
      %dma_wait3A_1131 = tpu.memref_squeeze %dma_wait3A_1130 : memref<1x1x128x16xf32, #tpu.memory_space<vmem>> -> memref<128x16xf32, #tpu.memory_space<vmem>>
      %dma_wait3A_1132 = arith.constant 0 : i32
      %dma_wait3A_1133 = tpu.memref_slice %arg6[%add3A_1125, %dma_wait3A_1132] : memref<200x128xi32, #tpu.memory_space<vmem>> -> memref<1x128xi32, #tpu.memory_space<vmem>>
      %dma_wait3A_1134 = tpu.memref_squeeze %dma_wait3A_1133 : memref<1x128xi32, #tpu.memory_space<vmem>> -> memref<128xi32, #tpu.memory_space<vmem>>
      %dma_wait3A_1135 = arith.constant 0 : i32
      %dma_wait3A_1136 = arith.constant 0 : i32
      %dma_wait3A_1137 = tpu.memref_slice %arg3[%dma_wait3A_1135, %dma_wait3A_1136] : memref<1015808x16xf32, #tpu.memory_space<hbm>> -> memref<1015808x16xf32, #tpu.memory_space<hbm>>
      tpu.wait_indirect_dma semaphore(%arg11 : memref<!tpu.dma_semaphore, #tpu.memory_space<semaphore_mem>>) src(%dma_wait3A_1137 : memref<1015808x16xf32, #tpu.memory_space<hbm>>) dst(%dma_wait3A_1131 : memref<128x16xf32, #tpu.memory_space<vmem>>)
      %mul3A_1138 = arith.constant 20 : i32
      %mul3A_1139 = arith.muli %add3A_929, %mul3A_1138 : i32
      %add3A_1140 = arith.constant 13 : i32
      %add3A_1141 = arith.addi %mul3A_1139, %add3A_1140 : i32
      %dma_wait3A_1142 = arith.constant 1 : i32
      %dma_wait3A_1143 = arith.constant 13 : i32
      %dma_wait3A_1144 = arith.constant 0 : i32
      %dma_wait3A_1145 = arith.constant 0 : i32
      %dma_wait3A_1146 = tpu.memref_slice %arg7[%dma_wait3A_1142, %dma_wait3A_1143, %dma_wait3A_1144, %dma_wait3A_1145] : memref<2x20x128x16xf32, #tpu.memory_space<vmem>> -> memref<1x1x128x16xf32, #tpu.memory_space<vmem>>
      %dma_wait3A_1147 = tpu.memref_squeeze %dma_wait3A_1146 : memref<1x1x128x16xf32, #tpu.memory_space<vmem>> -> memref<128x16xf32, #tpu.memory_space<vmem>>
      %dma_wait3A_1148 = arith.constant 0 : i32
      %dma_wait3A_1149 = tpu.memref_slice %arg6[%add3A_1141, %dma_wait3A_1148] : memref<200x128xi32, #tpu.memory_space<vmem>> -> memref<1x128xi32, #tpu.memory_space<vmem>>
      %dma_wait3A_1150 = tpu.memref_squeeze %dma_wait3A_1149 : memref<1x128xi32, #tpu.memory_space<vmem>> -> memref<128xi32, #tpu.memory_space<vmem>>
      %dma_wait3A_1151 = arith.constant 0 : i32
      %dma_wait3A_1152 = arith.constant 0 : i32
      %dma_wait3A_1153 = tpu.memref_slice %arg3[%dma_wait3A_1151, %dma_wait3A_1152] : memref<1015808x16xf32, #tpu.memory_space<hbm>> -> memref<1015808x16xf32, #tpu.memory_space<hbm>>
      tpu.wait_indirect_dma semaphore(%arg11 : memref<!tpu.dma_semaphore, #tpu.memory_space<semaphore_mem>>) src(%dma_wait3A_1153 : memref<1015808x16xf32, #tpu.memory_space<hbm>>) dst(%dma_wait3A_1147 : memref<128x16xf32, #tpu.memory_space<vmem>>)
      %mul3A_1154 = arith.constant 20 : i32
      %mul3A_1155 = arith.muli %add3A_929, %mul3A_1154 : i32
      %add3A_1156 = arith.constant 14 : i32
      %add3A_1157 = arith.addi %mul3A_1155, %add3A_1156 : i32
      %dma_wait3A_1158 = arith.constant 1 : i32
      %dma_wait3A_1159 = arith.constant 14 : i32
      %dma_wait3A_1160 = arith.constant 0 : i32
      %dma_wait3A_1161 = arith.constant 0 : i32
      %dma_wait3A_1162 = tpu.memref_slice %arg7[%dma_wait3A_1158, %dma_wait3A_1159, %dma_wait3A_1160, %dma_wait3A_1161] : memref<2x20x128x16xf32, #tpu.memory_space<vmem>> -> memref<1x1x128x16xf32, #tpu.memory_space<vmem>>
      %dma_wait3A_1163 = tpu.memref_squeeze %dma_wait3A_1162 : memref<1x1x128x16xf32, #tpu.memory_space<vmem>> -> memref<128x16xf32, #tpu.memory_space<vmem>>
      %dma_wait3A_1164 = arith.constant 0 : i32
      %dma_wait3A_1165 = tpu.memref_slice %arg6[%add3A_1157, %dma_wait3A_1164] : memref<200x128xi32, #tpu.memory_space<vmem>> -> memref<1x128xi32, #tpu.memory_space<vmem>>
      %dma_wait3A_1166 = tpu.memref_squeeze %dma_wait3A_1165 : memref<1x128xi32, #tpu.memory_space<vmem>> -> memref<128xi32, #tpu.memory_space<vmem>>
      %dma_wait3A_1167 = arith.constant 0 : i32
      %dma_wait3A_1168 = arith.constant 0 : i32
      %dma_wait3A_1169 = tpu.memref_slice %arg3[%dma_wait3A_1167, %dma_wait3A_1168] : memref<1015808x16xf32, #tpu.memory_space<hbm>> -> memref<1015808x16xf32, #tpu.memory_space<hbm>>
      tpu.wait_indirect_dma semaphore(%arg11 : memref<!tpu.dma_semaphore, #tpu.memory_space<semaphore_mem>>) src(%dma_wait3A_1169 : memref<1015808x16xf32, #tpu.memory_space<hbm>>) dst(%dma_wait3A_1163 : memref<128x16xf32, #tpu.memory_space<vmem>>)
      %mul3A_1170 = arith.constant 20 : i32
      %mul3A_1171 = arith.muli %add3A_929, %mul3A_1170 : i32
      %add3A_1172 = arith.constant 15 : i32
      %add3A_1173 = arith.addi %mul3A_1171, %add3A_1172 : i32
      %dma_wait3A_1174 = arith.constant 1 : i32
      %dma_wait3A_1175 = arith.constant 15 : i32
      %dma_wait3A_1176 = arith.constant 0 : i32
      %dma_wait3A_1177 = arith.constant 0 : i32
      %dma_wait3A_1178 = tpu.memref_slice %arg7[%dma_wait3A_1174, %dma_wait3A_1175, %dma_wait3A_1176, %dma_wait3A_1177] : memref<2x20x128x16xf32, #tpu.memory_space<vmem>> -> memref<1x1x128x16xf32, #tpu.memory_space<vmem>>
      %dma_wait3A_1179 = tpu.memref_squeeze %dma_wait3A_1178 : memref<1x1x128x16xf32, #tpu.memory_space<vmem>> -> memref<128x16xf32, #tpu.memory_space<vmem>>
      %dma_wait3A_1180 = arith.constant 0 : i32
      %dma_wait3A_1181 = tpu.memref_slice %arg6[%add3A_1173, %dma_wait3A_1180] : memref<200x128xi32, #tpu.memory_space<vmem>> -> memref<1x128xi32, #tpu.memory_space<vmem>>
      %dma_wait3A_1182 = tpu.memref_squeeze %dma_wait3A_1181 : memref<1x128xi32, #tpu.memory_space<vmem>> -> memref<128xi32, #tpu.memory_space<vmem>>
      %dma_wait3A_1183 = arith.constant 0 : i32
      %dma_wait3A_1184 = arith.constant 0 : i32
      %dma_wait3A_1185 = tpu.memref_slice %arg3[%dma_wait3A_1183, %dma_wait3A_1184] : memref<1015808x16xf32, #tpu.memory_space<hbm>> -> memref<1015808x16xf32, #tpu.memory_space<hbm>>
      tpu.wait_indirect_dma semaphore(%arg11 : memref<!tpu.dma_semaphore, #tpu.memory_space<semaphore_mem>>) src(%dma_wait3A_1185 : memref<1015808x16xf32, #tpu.memory_space<hbm>>) dst(%dma_wait3A_1179 : memref<128x16xf32, #tpu.memory_space<vmem>>)
      %mul3A_1186 = arith.constant 20 : i32
      %mul3A_1187 = arith.muli %add3A_929, %mul3A_1186 : i32
      %add3A_1188 = arith.constant 16 : i32
      %add3A_1189 = arith.addi %mul3A_1187, %add3A_1188 : i32
      %dma_wait3A_1190 = arith.constant 1 : i32
      %dma_wait3A_1191 = arith.constant 16 : i32
      %dma_wait3A_1192 = arith.constant 0 : i32
      %dma_wait3A_1193 = arith.constant 0 : i32
      %dma_wait3A_1194 = tpu.memref_slice %arg7[%dma_wait3A_1190, %dma_wait3A_1191, %dma_wait3A_1192, %dma_wait3A_1193] : memref<2x20x128x16xf32, #tpu.memory_space<vmem>> -> memref<1x1x128x16xf32, #tpu.memory_space<vmem>>
      %dma_wait3A_1195 = tpu.memref_squeeze %dma_wait3A_1194 : memref<1x1x128x16xf32, #tpu.memory_space<vmem>> -> memref<128x16xf32, #tpu.memory_space<vmem>>
      %dma_wait3A_1196 = arith.constant 0 : i32
      %dma_wait3A_1197 = tpu.memref_slice %arg6[%add3A_1189, %dma_wait3A_1196] : memref<200x128xi32, #tpu.memory_space<vmem>> -> memref<1x128xi32, #tpu.memory_space<vmem>>
      %dma_wait3A_1198 = tpu.memref_squeeze %dma_wait3A_1197 : memref<1x128xi32, #tpu.memory_space<vmem>> -> memref<128xi32, #tpu.memory_space<vmem>>
      %dma_wait3A_1199 = arith.constant 0 : i32
      %dma_wait3A_1200 = arith.constant 0 : i32
      %dma_wait3A_1201 = tpu.memref_slice %arg3[%dma_wait3A_1199, %dma_wait3A_1200] : memref<1015808x16xf32, #tpu.memory_space<hbm>> -> memref<1015808x16xf32, #tpu.memory_space<hbm>>
      tpu.wait_indirect_dma semaphore(%arg11 : memref<!tpu.dma_semaphore, #tpu.memory_space<semaphore_mem>>) src(%dma_wait3A_1201 : memref<1015808x16xf32, #tpu.memory_space<hbm>>) dst(%dma_wait3A_1195 : memref<128x16xf32, #tpu.memory_space<vmem>>)
      %mul3A_1202 = arith.constant 20 : i32
      %mul3A_1203 = arith.muli %add3A_929, %mul3A_1202 : i32
      %add3A_1204 = arith.constant 17 : i32
      %add3A_1205 = arith.addi %mul3A_1203, %add3A_1204 : i32
      %dma_wait3A_1206 = arith.constant 1 : i32
      %dma_wait3A_1207 = arith.constant 17 : i32
      %dma_wait3A_1208 = arith.constant 0 : i32
      %dma_wait3A_1209 = arith.constant 0 : i32
      %dma_wait3A_1210 = tpu.memref_slice %arg7[%dma_wait3A_1206, %dma_wait3A_1207, %dma_wait3A_1208, %dma_wait3A_1209] : memref<2x20x128x16xf32, #tpu.memory_space<vmem>> -> memref<1x1x128x16xf32, #tpu.memory_space<vmem>>
      %dma_wait3A_1211 = tpu.memref_squeeze %dma_wait3A_1210 : memref<1x1x128x16xf32, #tpu.memory_space<vmem>> -> memref<128x16xf32, #tpu.memory_space<vmem>>
      %dma_wait3A_1212 = arith.constant 0 : i32
      %dma_wait3A_1213 = tpu.memref_slice %arg6[%add3A_1205, %dma_wait3A_1212] : memref<200x128xi32, #tpu.memory_space<vmem>> -> memref<1x128xi32, #tpu.memory_space<vmem>>
      %dma_wait3A_1214 = tpu.memref_squeeze %dma_wait3A_1213 : memref<1x128xi32, #tpu.memory_space<vmem>> -> memref<128xi32, #tpu.memory_space<vmem>>
      %dma_wait3A_1215 = arith.constant 0 : i32
      %dma_wait3A_1216 = arith.constant 0 : i32
      %dma_wait3A_1217 = tpu.memref_slice %arg3[%dma_wait3A_1215, %dma_wait3A_1216] : memref<1015808x16xf32, #tpu.memory_space<hbm>> -> memref<1015808x16xf32, #tpu.memory_space<hbm>>
      tpu.wait_indirect_dma semaphore(%arg11 : memref<!tpu.dma_semaphore, #tpu.memory_space<semaphore_mem>>) src(%dma_wait3A_1217 : memref<1015808x16xf32, #tpu.memory_space<hbm>>) dst(%dma_wait3A_1211 : memref<128x16xf32, #tpu.memory_space<vmem>>)
      %mul3A_1218 = arith.constant 20 : i32
      %mul3A_1219 = arith.muli %add3A_929, %mul3A_1218 : i32
      %add3A_1220 = arith.constant 18 : i32
      %add3A_1221 = arith.addi %mul3A_1219, %add3A_1220 : i32
      %dma_wait3A_1222 = arith.constant 1 : i32
      %dma_wait3A_1223 = arith.constant 18 : i32
      %dma_wait3A_1224 = arith.constant 0 : i32
      %dma_wait3A_1225 = arith.constant 0 : i32
      %dma_wait3A_1226 = tpu.memref_slice %arg7[%dma_wait3A_1222, %dma_wait3A_1223, %dma_wait3A_1224, %dma_wait3A_1225] : memref<2x20x128x16xf32, #tpu.memory_space<vmem>> -> memref<1x1x128x16xf32, #tpu.memory_space<vmem>>
      %dma_wait3A_1227 = tpu.memref_squeeze %dma_wait3A_1226 : memref<1x1x128x16xf32, #tpu.memory_space<vmem>> -> memref<128x16xf32, #tpu.memory_space<vmem>>
      %dma_wait3A_1228 = arith.constant 0 : i32
      %dma_wait3A_1229 = tpu.memref_slice %arg6[%add3A_1221, %dma_wait3A_1228] : memref<200x128xi32, #tpu.memory_space<vmem>> -> memref<1x128xi32, #tpu.memory_space<vmem>>
      %dma_wait3A_1230 = tpu.memref_squeeze %dma_wait3A_1229 : memref<1x128xi32, #tpu.memory_space<vmem>> -> memref<128xi32, #tpu.memory_space<vmem>>
      %dma_wait3A_1231 = arith.constant 0 : i32
      %dma_wait3A_1232 = arith.constant 0 : i32
      %dma_wait3A_1233 = tpu.memref_slice %arg3[%dma_wait3A_1231, %dma_wait3A_1232] : memref<1015808x16xf32, #tpu.memory_space<hbm>> -> memref<1015808x16xf32, #tpu.memory_space<hbm>>
      tpu.wait_indirect_dma semaphore(%arg11 : memref<!tpu.dma_semaphore, #tpu.memory_space<semaphore_mem>>) src(%dma_wait3A_1233 : memref<1015808x16xf32, #tpu.memory_space<hbm>>) dst(%dma_wait3A_1227 : memref<128x16xf32, #tpu.memory_space<vmem>>)
      %mul3A_1234 = arith.constant 20 : i32
      %mul3A_1235 = arith.muli %add3A_929, %mul3A_1234 : i32
      %add3A_1236 = arith.constant 19 : i32
      %add3A_1237 = arith.addi %mul3A_1235, %add3A_1236 : i32
      %dma_wait3A_1238 = arith.constant 1 : i32
      %dma_wait3A_1239 = arith.constant 19 : i32
      %dma_wait3A_1240 = arith.constant 0 : i32
      %dma_wait3A_1241 = arith.constant 0 : i32
      %dma_wait3A_1242 = tpu.memref_slice %arg7[%dma_wait3A_1238, %dma_wait3A_1239, %dma_wait3A_1240, %dma_wait3A_1241] : memref<2x20x128x16xf32, #tpu.memory_space<vmem>> -> memref<1x1x128x16xf32, #tpu.memory_space<vmem>>
      %dma_wait3A_1243 = tpu.memref_squeeze %dma_wait3A_1242 : memref<1x1x128x16xf32, #tpu.memory_space<vmem>> -> memref<128x16xf32, #tpu.memory_space<vmem>>
      %dma_wait3A_1244 = arith.constant 0 : i32
      %dma_wait3A_1245 = tpu.memref_slice %arg6[%add3A_1237, %dma_wait3A_1244] : memref<200x128xi32, #tpu.memory_space<vmem>> -> memref<1x128xi32, #tpu.memory_space<vmem>>
      %dma_wait3A_1246 = tpu.memref_squeeze %dma_wait3A_1245 : memref<1x128xi32, #tpu.memory_space<vmem>> -> memref<128xi32, #tpu.memory_space<vmem>>
      %dma_wait3A_1247 = arith.constant 0 : i32
      %dma_wait3A_1248 = arith.constant 0 : i32
      %dma_wait3A_1249 = tpu.memref_slice %arg3[%dma_wait3A_1247, %dma_wait3A_1248] : memref<1015808x16xf32, #tpu.memory_space<hbm>> -> memref<1015808x16xf32, #tpu.memory_space<hbm>>
      tpu.wait_indirect_dma semaphore(%arg11 : memref<!tpu.dma_semaphore, #tpu.memory_space<semaphore_mem>>) src(%dma_wait3A_1249 : memref<1015808x16xf32, #tpu.memory_space<hbm>>) dst(%dma_wait3A_1243 : memref<128x16xf32, #tpu.memory_space<vmem>>)
      %scan3A_1250 = arith.constant 0 : i32
      %scan3A_1251 = arith.constant 128 : i32
      %scan3A_1252 = arith.addi %scan3A_1250, %scan3A_1251 : i32
      %scan3A_1253 = arith.constant 1 : i32
      scf.for %scan3A_1255 = %scan3A_1250 to %scan3A_1252 step %scan3A_1253  : i32 {
        %mul3A_1256 = arith.constant 1 : i32
        %mul3A_1257 = arith.muli %scan3A_1255, %mul3A_1256 : i32
        %add3A_1258 = arith.constant 0 : i32
        %add3A_1259 = arith.addi %add3A_1258, %mul3A_1257 : i32
        %get3A_1260 = arith.index_cast %add3A_1259 : i32 to index
        %get3A_1261 = arith.constant 0 : index
        %get3A_1262 = tpu.vector_load %arg8[%get3A_1260, %get3A_1261] {strides = array<i32>} : memref<128x16xf32, #tpu.memory_space<vmem>>, vector<1x16xf32>,
        %get3A_1263 = vector.shape_cast %get3A_1262 : vector<1x16xf32> to vector<16xf32>
        %get3A_1264 = arith.constant 1 : i32
        %get3A_1265 = arith.constant 0 : i32
        %get3A_1266 = arith.index_cast %get3A_1264 : i32 to index
        %get3A_1267 = arith.index_cast %get3A_1265 : i32 to index
        %get3A_1268 = arith.index_cast %add3A_1259 : i32 to index
        %get3A_1269 = arith.constant 0 : index
        %get3A_1270 = tpu.vector_load %arg7[%get3A_1266, %get3A_1267, %get3A_1268, %get3A_1269] {strides = array<i32>} : memref<2x20x128x16xf32, #tpu.memory_space<vmem>>, vector<1x1x1x16xf32>,
        %get3A_1271 = vector.shape_cast %get3A_1270 : vector<1x1x1x16xf32> to vector<16xf32>
        %add3A_1272 = arith.addf %get3A_1263, %get3A_1271 : vector<16xf32>
        %get3A_1273 = arith.constant 1 : i32
        %get3A_1274 = arith.constant 1 : i32
        %get3A_1275 = arith.index_cast %get3A_1273 : i32 to index
        %get3A_1276 = arith.index_cast %get3A_1274 : i32 to index
        %get3A_1277 = arith.index_cast %add3A_1259 : i32 to index
        %get3A_1278 = arith.constant 0 : index
        %get3A_1279 = tpu.vector_load %arg7[%get3A_1275, %get3A_1276, %get3A_1277, %get3A_1278] {strides = array<i32>} : memref<2x20x128x16xf32, #tpu.memory_space<vmem>>, vector<1x1x1x16xf32>,
        %get3A_1280 = vector.shape_cast %get3A_1279 : vector<1x1x1x16xf32> to vector<16xf32>
        %add3A_1281 = arith.addf %add3A_1272, %get3A_1280 : vector<16xf32>
        %get3A_1282 = arith.constant 1 : i32
        %get3A_1283 = arith.constant 2 : i32
        %get3A_1284 = arith.index_cast %get3A_1282 : i32 to index
        %get3A_1285 = arith.index_cast %get3A_1283 : i32 to index
        %get3A_1286 = arith.index_cast %add3A_1259 : i32 to index
        %get3A_1287 = arith.constant 0 : index
        %get3A_1288 = tpu.vector_load %arg7[%get3A_1284, %get3A_1285, %get3A_1286, %get3A_1287] {strides = array<i32>} : memref<2x20x128x16xf32, #tpu.memory_space<vmem>>, vector<1x1x1x16xf32>,
        %get3A_1289 = vector.shape_cast %get3A_1288 : vector<1x1x1x16xf32> to vector<16xf32>
        %add3A_1290 = arith.addf %add3A_1281, %get3A_1289 : vector<16xf32>
        %get3A_1291 = arith.constant 1 : i32
        %get3A_1292 = arith.constant 3 : i32
        %get3A_1293 = arith.index_cast %get3A_1291 : i32 to index
        %get3A_1294 = arith.index_cast %get3A_1292 : i32 to index
        %get3A_1295 = arith.index_cast %add3A_1259 : i32 to index
        %get3A_1296 = arith.constant 0 : index
        %get3A_1297 = tpu.vector_load %arg7[%get3A_1293, %get3A_1294, %get3A_1295, %get3A_1296] {strides = array<i32>} : memref<2x20x128x16xf32, #tpu.memory_space<vmem>>, vector<1x1x1x16xf32>,
        %get3A_1298 = vector.shape_cast %get3A_1297 : vector<1x1x1x16xf32> to vector<16xf32>
        %add3A_1299 = arith.addf %add3A_1290, %get3A_1298 : vector<16xf32>
        %get3A_1300 = arith.constant 1 : i32
        %get3A_1301 = arith.constant 4 : i32
        %get3A_1302 = arith.index_cast %get3A_1300 : i32 to index
        %get3A_1303 = arith.index_cast %get3A_1301 : i32 to index
        %get3A_1304 = arith.index_cast %add3A_1259 : i32 to index
        %get3A_1305 = arith.constant 0 : index
        %get3A_1306 = tpu.vector_load %arg7[%get3A_1302, %get3A_1303, %get3A_1304, %get3A_1305] {strides = array<i32>} : memref<2x20x128x16xf32, #tpu.memory_space<vmem>>, vector<1x1x1x16xf32>,
        %get3A_1307 = vector.shape_cast %get3A_1306 : vector<1x1x1x16xf32> to vector<16xf32>
        %add3A_1308 = arith.addf %add3A_1299, %get3A_1307 : vector<16xf32>
        %get3A_1309 = arith.constant 1 : i32
        %get3A_1310 = arith.constant 5 : i32
        %get3A_1311 = arith.index_cast %get3A_1309 : i32 to index
        %get3A_1312 = arith.index_cast %get3A_1310 : i32 to index
        %get3A_1313 = arith.index_cast %add3A_1259 : i32 to index
        %get3A_1314 = arith.constant 0 : index
        %get3A_1315 = tpu.vector_load %arg7[%get3A_1311, %get3A_1312, %get3A_1313, %get3A_1314] {strides = array<i32>} : memref<2x20x128x16xf32, #tpu.memory_space<vmem>>, vector<1x1x1x16xf32>,
        %get3A_1316 = vector.shape_cast %get3A_1315 : vector<1x1x1x16xf32> to vector<16xf32>
        %add3A_1317 = arith.addf %add3A_1308, %get3A_1316 : vector<16xf32>
        %get3A_1318 = arith.constant 1 : i32
        %get3A_1319 = arith.constant 6 : i32
        %get3A_1320 = arith.index_cast %get3A_1318 : i32 to index
        %get3A_1321 = arith.index_cast %get3A_1319 : i32 to index
        %get3A_1322 = arith.index_cast %add3A_1259 : i32 to index
        %get3A_1323 = arith.constant 0 : index
        %get3A_1324 = tpu.vector_load %arg7[%get3A_1320, %get3A_1321, %get3A_1322, %get3A_1323] {strides = array<i32>} : memref<2x20x128x16xf32, #tpu.memory_space<vmem>>, vector<1x1x1x16xf32>,
        %get3A_1325 = vector.shape_cast %get3A_1324 : vector<1x1x1x16xf32> to vector<16xf32>
        %add3A_1326 = arith.addf %add3A_1317, %get3A_1325 : vector<16xf32>
        %get3A_1327 = arith.constant 1 : i32
        %get3A_1328 = arith.constant 7 : i32
        %get3A_1329 = arith.index_cast %get3A_1327 : i32 to index
        %get3A_1330 = arith.index_cast %get3A_1328 : i32 to index
        %get3A_1331 = arith.index_cast %add3A_1259 : i32 to index
        %get3A_1332 = arith.constant 0 : index
        %get3A_1333 = tpu.vector_load %arg7[%get3A_1329, %get3A_1330, %get3A_1331, %get3A_1332] {strides = array<i32>} : memref<2x20x128x16xf32, #tpu.memory_space<vmem>>, vector<1x1x1x16xf32>,
        %get3A_1334 = vector.shape_cast %get3A_1333 : vector<1x1x1x16xf32> to vector<16xf32>
        %add3A_1335 = arith.addf %add3A_1326, %get3A_1334 : vector<16xf32>
        %get3A_1336 = arith.constant 1 : i32
        %get3A_1337 = arith.constant 8 : i32
        %get3A_1338 = arith.index_cast %get3A_1336 : i32 to index
        %get3A_1339 = arith.index_cast %get3A_1337 : i32 to index
        %get3A_1340 = arith.index_cast %add3A_1259 : i32 to index
        %get3A_1341 = arith.constant 0 : index
        %get3A_1342 = tpu.vector_load %arg7[%get3A_1338, %get3A_1339, %get3A_1340, %get3A_1341] {strides = array<i32>} : memref<2x20x128x16xf32, #tpu.memory_space<vmem>>, vector<1x1x1x16xf32>,
        %get3A_1343 = vector.shape_cast %get3A_1342 : vector<1x1x1x16xf32> to vector<16xf32>
        %add3A_1344 = arith.addf %add3A_1335, %get3A_1343 : vector<16xf32>
        %get3A_1345 = arith.constant 1 : i32
        %get3A_1346 = arith.constant 9 : i32
        %get3A_1347 = arith.index_cast %get3A_1345 : i32 to index
        %get3A_1348 = arith.index_cast %get3A_1346 : i32 to index
        %get3A_1349 = arith.index_cast %add3A_1259 : i32 to index
        %get3A_1350 = arith.constant 0 : index
        %get3A_1351 = tpu.vector_load %arg7[%get3A_1347, %get3A_1348, %get3A_1349, %get3A_1350] {strides = array<i32>} : memref<2x20x128x16xf32, #tpu.memory_space<vmem>>, vector<1x1x1x16xf32>,
        %get3A_1352 = vector.shape_cast %get3A_1351 : vector<1x1x1x16xf32> to vector<16xf32>
        %add3A_1353 = arith.addf %add3A_1344, %get3A_1352 : vector<16xf32>
        %get3A_1354 = arith.constant 1 : i32
        %get3A_1355 = arith.constant 10 : i32
        %get3A_1356 = arith.index_cast %get3A_1354 : i32 to index
        %get3A_1357 = arith.index_cast %get3A_1355 : i32 to index
        %get3A_1358 = arith.index_cast %add3A_1259 : i32 to index
        %get3A_1359 = arith.constant 0 : index
        %get3A_1360 = tpu.vector_load %arg7[%get3A_1356, %get3A_1357, %get3A_1358, %get3A_1359] {strides = array<i32>} : memref<2x20x128x16xf32, #tpu.memory_space<vmem>>, vector<1x1x1x16xf32>,
        %get3A_1361 = vector.shape_cast %get3A_1360 : vector<1x1x1x16xf32> to vector<16xf32>
        %add3A_1362 = arith.addf %add3A_1353, %get3A_1361 : vector<16xf32>
        %get3A_1363 = arith.constant 1 : i32
        %get3A_1364 = arith.constant 11 : i32
        %get3A_1365 = arith.index_cast %get3A_1363 : i32 to index
        %get3A_1366 = arith.index_cast %get3A_1364 : i32 to index
        %get3A_1367 = arith.index_cast %add3A_1259 : i32 to index
        %get3A_1368 = arith.constant 0 : index
        %get3A_1369 = tpu.vector_load %arg7[%get3A_1365, %get3A_1366, %get3A_1367, %get3A_1368] {strides = array<i32>} : memref<2x20x128x16xf32, #tpu.memory_space<vmem>>, vector<1x1x1x16xf32>,
        %get3A_1370 = vector.shape_cast %get3A_1369 : vector<1x1x1x16xf32> to vector<16xf32>
        %add3A_1371 = arith.addf %add3A_1362, %get3A_1370 : vector<16xf32>
        %get3A_1372 = arith.constant 1 : i32
        %get3A_1373 = arith.constant 12 : i32
        %get3A_1374 = arith.index_cast %get3A_1372 : i32 to index
        %get3A_1375 = arith.index_cast %get3A_1373 : i32 to index
        %get3A_1376 = arith.index_cast %add3A_1259 : i32 to index
        %get3A_1377 = arith.constant 0 : index
        %get3A_1378 = tpu.vector_load %arg7[%get3A_1374, %get3A_1375, %get3A_1376, %get3A_1377] {strides = array<i32>} : memref<2x20x128x16xf32, #tpu.memory_space<vmem>>, vector<1x1x1x16xf32>,
        %get3A_1379 = vector.shape_cast %get3A_1378 : vector<1x1x1x16xf32> to vector<16xf32>
        %add3A_1380 = arith.addf %add3A_1371, %get3A_1379 : vector<16xf32>
        %get3A_1381 = arith.constant 1 : i32
        %get3A_1382 = arith.constant 13 : i32
        %get3A_1383 = arith.index_cast %get3A_1381 : i32 to index
        %get3A_1384 = arith.index_cast %get3A_1382 : i32 to index
        %get3A_1385 = arith.index_cast %add3A_1259 : i32 to index
        %get3A_1386 = arith.constant 0 : index
        %get3A_1387 = tpu.vector_load %arg7[%get3A_1383, %get3A_1384, %get3A_1385, %get3A_1386] {strides = array<i32>} : memref<2x20x128x16xf32, #tpu.memory_space<vmem>>, vector<1x1x1x16xf32>,
        %get3A_1388 = vector.shape_cast %get3A_1387 : vector<1x1x1x16xf32> to vector<16xf32>
        %add3A_1389 = arith.addf %add3A_1380, %get3A_1388 : vector<16xf32>
        %get3A_1390 = arith.constant 1 : i32
        %get3A_1391 = arith.constant 14 : i32
        %get3A_1392 = arith.index_cast %get3A_1390 : i32 to index
        %get3A_1393 = arith.index_cast %get3A_1391 : i32 to index
        %get3A_1394 = arith.index_cast %add3A_1259 : i32 to index
        %get3A_1395 = arith.constant 0 : index
        %get3A_1396 = tpu.vector_load %arg7[%get3A_1392, %get3A_1393, %get3A_1394, %get3A_1395] {strides = array<i32>} : memref<2x20x128x16xf32, #tpu.memory_space<vmem>>, vector<1x1x1x16xf32>,
        %get3A_1397 = vector.shape_cast %get3A_1396 : vector<1x1x1x16xf32> to vector<16xf32>
        %add3A_1398 = arith.addf %add3A_1389, %get3A_1397 : vector<16xf32>
        %get3A_1399 = arith.constant 1 : i32
        %get3A_1400 = arith.constant 15 : i32
        %get3A_1401 = arith.index_cast %get3A_1399 : i32 to index
        %get3A_1402 = arith.index_cast %get3A_1400 : i32 to index
        %get3A_1403 = arith.index_cast %add3A_1259 : i32 to index
        %get3A_1404 = arith.constant 0 : index
        %get3A_1405 = tpu.vector_load %arg7[%get3A_1401, %get3A_1402, %get3A_1403, %get3A_1404] {strides = array<i32>} : memref<2x20x128x16xf32, #tpu.memory_space<vmem>>, vector<1x1x1x16xf32>,
        %get3A_1406 = vector.shape_cast %get3A_1405 : vector<1x1x1x16xf32> to vector<16xf32>
        %add3A_1407 = arith.addf %add3A_1398, %get3A_1406 : vector<16xf32>
        %get3A_1408 = arith.constant 1 : i32
        %get3A_1409 = arith.constant 16 : i32
        %get3A_1410 = arith.index_cast %get3A_1408 : i32 to index
        %get3A_1411 = arith.index_cast %get3A_1409 : i32 to index
        %get3A_1412 = arith.index_cast %add3A_1259 : i32 to index
        %get3A_1413 = arith.constant 0 : index
        %get3A_1414 = tpu.vector_load %arg7[%get3A_1410, %get3A_1411, %get3A_1412, %get3A_1413] {strides = array<i32>} : memref<2x20x128x16xf32, #tpu.memory_space<vmem>>, vector<1x1x1x16xf32>,
        %get3A_1415 = vector.shape_cast %get3A_1414 : vector<1x1x1x16xf32> to vector<16xf32>
        %add3A_1416 = arith.addf %add3A_1407, %get3A_1415 : vector<16xf32>
        %get3A_1417 = arith.constant 1 : i32
        %get3A_1418 = arith.constant 17 : i32
        %get3A_1419 = arith.index_cast %get3A_1417 : i32 to index
        %get3A_1420 = arith.index_cast %get3A_1418 : i32 to index
        %get3A_1421 = arith.index_cast %add3A_1259 : i32 to index
        %get3A_1422 = arith.constant 0 : index
        %get3A_1423 = tpu.vector_load %arg7[%get3A_1419, %get3A_1420, %get3A_1421, %get3A_1422] {strides = array<i32>} : memref<2x20x128x16xf32, #tpu.memory_space<vmem>>, vector<1x1x1x16xf32>,
        %get3A_1424 = vector.shape_cast %get3A_1423 : vector<1x1x1x16xf32> to vector<16xf32>
        %add3A_1425 = arith.addf %add3A_1416, %get3A_1424 : vector<16xf32>
        %get3A_1426 = arith.constant 1 : i32
        %get3A_1427 = arith.constant 18 : i32
        %get3A_1428 = arith.index_cast %get3A_1426 : i32 to index
        %get3A_1429 = arith.index_cast %get3A_1427 : i32 to index
        %get3A_1430 = arith.index_cast %add3A_1259 : i32 to index
        %get3A_1431 = arith.constant 0 : index
        %get3A_1432 = tpu.vector_load %arg7[%get3A_1428, %get3A_1429, %get3A_1430, %get3A_1431] {strides = array<i32>} : memref<2x20x128x16xf32, #tpu.memory_space<vmem>>, vector<1x1x1x16xf32>,
        %get3A_1433 = vector.shape_cast %get3A_1432 : vector<1x1x1x16xf32> to vector<16xf32>
        %add3A_1434 = arith.addf %add3A_1425, %get3A_1433 : vector<16xf32>
        %get3A_1435 = arith.constant 1 : i32
        %get3A_1436 = arith.constant 19 : i32
        %get3A_1437 = arith.index_cast %get3A_1435 : i32 to index
        %get3A_1438 = arith.index_cast %get3A_1436 : i32 to index
        %get3A_1439 = arith.index_cast %add3A_1259 : i32 to index
        %get3A_1440 = arith.constant 0 : index
        %get3A_1441 = tpu.vector_load %arg7[%get3A_1437, %get3A_1438, %get3A_1439, %get3A_1440] {strides = array<i32>} : memref<2x20x128x16xf32, #tpu.memory_space<vmem>>, vector<1x1x1x16xf32>,
        %get3A_1442 = vector.shape_cast %get3A_1441 : vector<1x1x1x16xf32> to vector<16xf32>
        %add3A_1443 = arith.addf %add3A_1434, %get3A_1442 : vector<16xf32>
        %swap3A = arith.index_cast %add3A_1259 : i32 to index
        %swap3A_1444 = arith.constant 0 : index
        %swap3A_1445 = tpu.vector_load %arg8[%swap3A, %swap3A_1444] {strides = array<i32>} : memref<128x16xf32, #tpu.memory_space<vmem>>, vector<1x16xf32>,
        %swap3A_1446 = vector.shape_cast %swap3A_1445 : vector<1x16xf32> to vector<16xf32>
        %swap3A_1447 = vector.shape_cast %add3A_1443 : vector<16xf32> to vector<1x16xf32>
        tpu.vector_store %arg8[%swap3A, %swap3A_1444], %swap3A_1447 {strides = array<i32>} : memref<128x16xf32, #tpu.memory_space<vmem>>, vector<1x16xf32>,
      }
      %scan3A_1254 = arith.constant 128 : i32
    }
    %scan3A_272 = arith.constant 5 : i32
    "tpu.region"() ({
      %run_scoped3A = tpu.sem_alloc : memref<!tpu.dma_semaphore, #tpu.memory_space<semaphore_mem>>
      %dma_start3A_273 = arith.constant 0 : i32
      %dma_start3A_274 = tpu.memref_slice %arg5[%mul3A_2, %dma_start3A_273] : memref<4096x16xf32, #tpu.memory_space<hbm>> -> memref<128x16xf32, #tpu.memory_space<hbm>>
      %dma_start3A_275 = arith.constant 0 : i32
      %dma_start3A_276 = tpu.memref_slice %arg5[%mul3A_2, %dma_start3A_275] : memref<4096x16xf32, #tpu.memory_space<hbm>> -> memref<128x16xf32, #tpu.memory_space<hbm>>
      tpu.enqueue_dma source(%arg8 : memref<128x16xf32, #tpu.memory_space<vmem>>) target(%dma_start3A_276 : memref<128x16xf32, #tpu.memory_space<hbm>>) target_semaphore(%run_scoped3A : memref<!tpu.dma_semaphore, #tpu.memory_space<semaphore_mem>>)
      %dma_wait3A = arith.constant 0 : i32
      %dma_wait3A_277 = tpu.memref_slice %arg5[%mul3A_2, %dma_wait3A] : memref<4096x16xf32, #tpu.memory_space<hbm>> -> memref<128x16xf32, #tpu.memory_space<hbm>>
      %dma_wait3A_278 = arith.constant 0 : i32
      %dma_wait3A_279 = tpu.memref_slice %arg5[%mul3A_2, %dma_wait3A_278] : memref<4096x16xf32, #tpu.memory_space<hbm>> -> memref<128x16xf32, #tpu.memory_space<hbm>>
      tpu.wait_dma2 semaphore(%run_scoped3A : memref<!tpu.dma_semaphore, #tpu.memory_space<semaphore_mem>>) src(%arg8 : memref<128x16xf32, #tpu.memory_space<vmem>>) dst(%dma_wait3A_279 : memref<128x16xf32, #tpu.memory_space<hbm>>)
      tpu.yield
    }) : () -> ()
    return
  }
}

module attributes {stable_mosaic.version = 14 : i64} {
  func.func @_project_body(%arg0: i32, %arg1: memref<64x32768xf32, #tpu.memory_space<vmem>>, %arg2: memref<16x64xf32, #tpu.memory_space<vmem>>, %arg3: memref<4096x128xf32, #tpu.memory_space<vmem>>) attributes {dimension_semantics = [#tpu.dimension_semantics<parallel>], iteration_bounds = array<i64: 31>, scalar_prefetch = 0 : i64, scratch_operands = 0 : i64, tpu.core_type = #tpu.core_type<tc>, window_params = [{transform_indices = @transform_0, window_bounds = array<i64: 64, 32768>}, {pipeline_mode = #tpu.pipeline_mode<synchronous>, transform_indices = @transform_1, window_bounds = array<i64: 16, 64>}, {transform_indices = @transform_2, window_bounds = array<i64: 4096, 128>}]} {
    %get3A = arith.constant 0 : index
    %get3A_0 = arith.constant 0 : index
    %get3A_1 = vector.load %arg1[%get3A, %get3A_0] : memref<64x32768xf32, #tpu.memory_space<vmem>>, vector<64x32768xf32>
    %convert_element_type3A = arith.truncf %get3A_1 : vector<64x32768xf32> to vector<64x32768xbf16>
    %get3A_2 = arith.constant 0 : index
    %get3A_3 = arith.constant 0 : index
    %get3A_4 = vector.load %arg2[%get3A_2, %get3A_3] : memref<16x64xf32, #tpu.memory_space<vmem>>, vector<16x64xf32>
    %mul3A = arith.constant 5.000000e-03 : f32
    %mul3A_5 = vector.broadcast %mul3A : f32 to vector<16x64xf32>
    %mul3A_6 = arith.mulf %get3A_4, %mul3A_5 : vector<16x64xf32>
    %convert_element_type3A_7 = arith.truncf %mul3A_6 : vector<16x64xf32> to vector<16x64xbf16>
    %dot_general3A = arith.constant dense<0.000000e+00> : vector<32768x16xf32>
    %dot_general3A_8 = tpu.matmul %convert_element_type3A, %convert_element_type3A_7, %dot_general3A {dimension_numbers = #tpu.dot_dimension_numbers<[0], [1], [1], [0], [0, 1, 1, 0], [], []>, transpose_lhs_hint = true} : vector<64x32768xbf16>, vector<16x64xbf16>, vector<32768x16xf32> -> vector<32768x16xf32>
    %slice3A = vector.extract_strided_slice %dot_general3A_8 {offsets = [0, 0], sizes = [4096, 16], strides = [1, 1]} : vector<32768x16xf32> to vector<4096x16xf32>
    %swap3A = arith.constant 0 : index
    %swap3A_9 = arith.constant 0 : index
    %swap3A_10 = vector.load %arg3[%swap3A, %swap3A_9] : memref<4096x128xf32, #tpu.memory_space<vmem>>, vector<4096x16xf32>
    tpu.vector_store %arg3[%swap3A, %swap3A_9], %slice3A {strides = array<i32>} : memref<4096x128xf32, #tpu.memory_space<vmem>>, vector<4096x16xf32>,
    %slice3A_11 = vector.extract_strided_slice %dot_general3A_8 {offsets = [4096, 0], sizes = [4096, 16], strides = [1, 1]} : vector<32768x16xf32> to vector<4096x16xf32>
    %swap3A_12 = arith.constant 0 : index
    %swap3A_13 = arith.constant 16 : index
    %swap3A_14 = vector.load %arg3[%swap3A_12, %swap3A_13] : memref<4096x128xf32, #tpu.memory_space<vmem>>, vector<4096x16xf32>
    tpu.vector_store %arg3[%swap3A_12, %swap3A_13], %slice3A_11 {strides = array<i32>} : memref<4096x128xf32, #tpu.memory_space<vmem>>, vector<4096x16xf32>,
    %slice3A_15 = vector.extract_strided_slice %dot_general3A_8 {offsets = [8192, 0], sizes = [4096, 16], strides = [1, 1]} : vector<32768x16xf32> to vector<4096x16xf32>
    %swap3A_16 = arith.constant 0 : index
    %swap3A_17 = arith.constant 32 : index
    %swap3A_18 = vector.load %arg3[%swap3A_16, %swap3A_17] : memref<4096x128xf32, #tpu.memory_space<vmem>>, vector<4096x16xf32>
    tpu.vector_store %arg3[%swap3A_16, %swap3A_17], %slice3A_15 {strides = array<i32>} : memref<4096x128xf32, #tpu.memory_space<vmem>>, vector<4096x16xf32>,
    %slice3A_19 = vector.extract_strided_slice %dot_general3A_8 {offsets = [12288, 0], sizes = [4096, 16], strides = [1, 1]} : vector<32768x16xf32> to vector<4096x16xf32>
    %swap3A_20 = arith.constant 0 : index
    %swap3A_21 = arith.constant 48 : index
    %swap3A_22 = vector.load %arg3[%swap3A_20, %swap3A_21] : memref<4096x128xf32, #tpu.memory_space<vmem>>, vector<4096x16xf32>
    tpu.vector_store %arg3[%swap3A_20, %swap3A_21], %slice3A_19 {strides = array<i32>} : memref<4096x128xf32, #tpu.memory_space<vmem>>, vector<4096x16xf32>,
    %slice3A_23 = vector.extract_strided_slice %dot_general3A_8 {offsets = [16384, 0], sizes = [4096, 16], strides = [1, 1]} : vector<32768x16xf32> to vector<4096x16xf32>
    %swap3A_24 = arith.constant 0 : index
    %swap3A_25 = arith.constant 64 : index
    %swap3A_26 = vector.load %arg3[%swap3A_24, %swap3A_25] : memref<4096x128xf32, #tpu.memory_space<vmem>>, vector<4096x16xf32>
    tpu.vector_store %arg3[%swap3A_24, %swap3A_25], %slice3A_23 {strides = array<i32>} : memref<4096x128xf32, #tpu.memory_space<vmem>>, vector<4096x16xf32>,
    %slice3A_27 = vector.extract_strided_slice %dot_general3A_8 {offsets = [20480, 0], sizes = [4096, 16], strides = [1, 1]} : vector<32768x16xf32> to vector<4096x16xf32>
    %swap3A_28 = arith.constant 0 : index
    %swap3A_29 = arith.constant 80 : index
    %swap3A_30 = vector.load %arg3[%swap3A_28, %swap3A_29] : memref<4096x128xf32, #tpu.memory_space<vmem>>, vector<4096x16xf32>
    tpu.vector_store %arg3[%swap3A_28, %swap3A_29], %slice3A_27 {strides = array<i32>} : memref<4096x128xf32, #tpu.memory_space<vmem>>, vector<4096x16xf32>,
    %slice3A_31 = vector.extract_strided_slice %dot_general3A_8 {offsets = [24576, 0], sizes = [4096, 16], strides = [1, 1]} : vector<32768x16xf32> to vector<4096x16xf32>
    %swap3A_32 = arith.constant 0 : index
    %swap3A_33 = arith.constant 96 : index
    %swap3A_34 = vector.load %arg3[%swap3A_32, %swap3A_33] : memref<4096x128xf32, #tpu.memory_space<vmem>>, vector<4096x16xf32>
    tpu.vector_store %arg3[%swap3A_32, %swap3A_33], %slice3A_31 {strides = array<i32>} : memref<4096x128xf32, #tpu.memory_space<vmem>>, vector<4096x16xf32>,
    %slice3A_35 = vector.extract_strided_slice %dot_general3A_8 {offsets = [28672, 0], sizes = [4096, 16], strides = [1, 1]} : vector<32768x16xf32> to vector<4096x16xf32>
    %swap3A_36 = arith.constant 0 : index
    %swap3A_37 = arith.constant 112 : index
    %swap3A_38 = vector.load %arg3[%swap3A_36, %swap3A_37] : memref<4096x128xf32, #tpu.memory_space<vmem>>, vector<4096x16xf32>
    tpu.vector_store %arg3[%swap3A_36, %swap3A_37], %slice3A_35 {strides = array<i32>} : memref<4096x128xf32, #tpu.memory_space<vmem>>, vector<4096x16xf32>,
    return
  }
  func.func @transform_0(%arg0: i32) -> (i32, i32) {
    %c0_i32 = arith.constant 0 : i32
    %c0_i32_0 = arith.constant 0 : i32
    return %c0_i32, %arg0 : i32, i32
  }
  func.func @transform_1(%arg0: i32) -> (i32, i32) {
    %c0_i32 = arith.constant 0 : i32
    %c0_i32_0 = arith.constant 0 : i32
    %c0_i32_1 = arith.constant 0 : i32
    return %c0_i32, %c0_i32_0 : i32, i32
  }
  func.func @transform_2(%arg0: i32) -> (i32, i32) {
    %c0_i32 = arith.constant 0 : i32
    %c0_i32_0 = arith.constant 0 : i32
    return %arg0, %c0_i32 : i32, i32
  }
}

module attributes {stable_mosaic.version = 14 : i64} {
  func.func @_permute_body(%arg0: i32, %arg1: memref<200x4096xi32, #tpu.memory_space<vmem>>, %arg2: memref<200x4096xi32, #tpu.memory_space<vmem>>) attributes {dimension_semantics = [#tpu.dimension_semantics<arbitrary>], iteration_bounds = array<i64: 1>, scalar_prefetch = 0 : i64, scratch_operands = 0 : i64, tpu.core_type = #tpu.core_type<tc>, window_params = [{pipeline_mode = #tpu.pipeline_mode<synchronous>, transform_indices = @transform_0, window_bounds = array<i64: 200, 4096>}, {pipeline_mode = #tpu.pipeline_mode<synchronous>, transform_indices = @transform_1, window_bounds = array<i64: 200, 4096>}]} {
    %get3A = arith.constant 0 : index
    %get3A_0 = arith.constant 0 : index
    %get3A_1 = vector.load %arg1[%get3A, %get3A_0] : memref<200x4096xi32, #tpu.memory_space<vmem>>, vector<200x4096xi32>
    %and3A = arith.constant -32768 : i32
    %and3A_2 = vector.broadcast %and3A : i32 to vector<200x4096xi32>
    %and3A_3 = arith.andi %get3A_1, %and3A_2 : vector<200x4096xi32>
    %and3A_4 = arith.constant 4095 : i32
    %and3A_5 = vector.broadcast %and3A_4 : i32 to vector<200x4096xi32>
    %and3A_6 = arith.andi %get3A_1, %and3A_5 : vector<200x4096xi32>
    %shift_left3A = arith.constant 3 : i32
    %shift_left3A_7 = vector.broadcast %shift_left3A : i32 to vector<200x4096xi32>
    %shift_left3A_8 = arith.shli %and3A_6, %shift_left3A_7 : vector<200x4096xi32>
    %or3A = arith.ori %and3A_3, %shift_left3A_8 : vector<200x4096xi32>
    %and3A_9 = arith.constant 32767 : i32
    %and3A_10 = vector.broadcast %and3A_9 : i32 to vector<200x4096xi32>
    %and3A_11 = arith.andi %get3A_1, %and3A_10 : vector<200x4096xi32>
    %shift_right_arithmetic3A = arith.constant 12 : i32
    %shift_right_arithmetic3A_12 = vector.broadcast %shift_right_arithmetic3A : i32 to vector<200x4096xi32>
    %shift_right_arithmetic3A_13 = arith.shrsi %and3A_11, %shift_right_arithmetic3A_12 : vector<200x4096xi32>
    %or3A_14 = arith.ori %or3A, %shift_right_arithmetic3A_13 : vector<200x4096xi32>
    %swap3A = arith.constant 0 : index
    %swap3A_15 = arith.constant 0 : index
    %swap3A_16 = vector.load %arg2[%swap3A, %swap3A_15] : memref<200x4096xi32, #tpu.memory_space<vmem>>, vector<200x4096xi32>
    tpu.vector_store %arg2[%swap3A, %swap3A_15], %or3A_14 {strides = array<i32>} : memref<200x4096xi32, #tpu.memory_space<vmem>>, vector<200x4096xi32>,
    return
  }
  func.func @transform_0(%arg0: i32) -> (i32, i32) {
    %c0_i32 = arith.constant 0 : i32
    %c0_i32_0 = arith.constant 0 : i32
    %c0_i32_1 = arith.constant 0 : i32
    return %c0_i32, %c0_i32_0 : i32, i32
  }
  func.func @transform_1(%arg0: i32) -> (i32, i32) {
    %c0_i32 = arith.constant 0 : i32
    %c0_i32_0 = arith.constant 0 : i32
    %c0_i32_1 = arith.constant 0 : i32
    return %c0_i32, %c0_i32_0 : i32, i32
  }
}

</mosaic_0001>

<sc_bundles>
// kernel: kernel.5.cloned.1.call-start
scs
__scs_entry_jumppad:
0x0: {  	(pc) =	sbr.rel $0x88, $3  }
0x1: {  	(tag) =	ssettag $0x0;
	lr =	simm.s32 $0x1  }
0x2: {  	[smem:$0x3F9D] =	sst lr;
	_ =	strace $0xD0000000  }
0x3: {  	_ = 	snop  }
0x4: {  	_ = 	snop  }
0x5: {  	_ = 	snop  }
0x6: {  	_ = 	snop  }
0x7: {  	_ = 	snop  }
__scs_overlays_trampoline_lowered:
0x8: {  	[smem:$0x3FAC] =	sst s0  }
0x9: {  	[smem:$0x3FAD] =	sst s1  }
0xa: {  	[smem:$0x3FAE] =	sst s2  }
0xb: {  	[smem:$0x3FAF] =	sst s3  }
0xc: {  	[smem:$0x3FB0] =	sst s4  }
0xd: {  	[smem:$0x3FB1] =	sst s5  }
0xe: {  	[smem:$0x3FB2] =	sst s6  }
0xf: {  	[smem:$0x3FB3] =	sst s7  }
0x10: {  	[smem:$0x3FB4] =	sst s8  }
0x11: {  	[smem:$0x3FB5] =	sst s9;
	s0 =	simm.s32 @!p0 $0x0  }
0x12: {  	s1 =	sld [smem:$0x3F9B];
	s0 =	simm.s32 @p0 $0x1  }
0x13: {  	[smem:$0x3FB6] =	sst s0;
	s0 =	simm.s32 @!p1 $0x0  }
0x14: {  	s2 =	sld [smem:$0x3F9A];
	s0 =	simm.s32 @p1 $0x1  }
0x15: {  	[smem:$0x3FB7] =	sst s0;
	s0 =	simm.s32 @!p2 $0x0  }
0x16: {  	s3 =	sld [smem:$0x3FDB];
	s0 =	simm.s32 @p2 $0x1  }
0x17: {  	s4 =	simm.s32 $0x1BF5;
	[smem:$0x3FB9] =	sst s0  }
0x18: {  	s0 =	sld [smem:$0x3F9C];
	_ =	swait.ge [sflag:s4], $0x0  }
0x19: {  	s7 =	sld [smem:$0x3F9D]  }
0x1a: {  	s8 =	sadd.s32 $0xFFFFE003, lr  }
0x1b: {  	s9 =	sadd.s32 $0xFFFFFEF7, lr;
	s5 =	simm.s32 $0xFFFFFFFF;
	p2 =	slt.u32 s8, $0xFFFFF086  }
0x1c: {  	p1 =	slt.u32 s9, $0xF7A;
	s5 =	simm.s32 @!p2 $0x0  }
0x1d: {  	s5 =	simm.s32 @p1 $0x1;
	p0 =	seq.s32 s7, s2  }
0x1e: {  	s7 =	smul.u32 @!p0 $0xF7A, s2;
	p2 =	seq.s32 @!p0 s5, $0x0  }
0x1f: {  	s9 =	smul.u32 $0xF7A, s1;
	s8 =	simm.s32 @!p0 $0x1BF5;
	p2 =	por !p2, p0  }
0x20: {  	[sflag:s8] =	ssyncset.s32 @!p0 $0xFFFFF086;
	s6 =	sadd.s32 @!p0 s3, s7;
	s7 =	simm.s32 @!p0 $0x108  }
0x21: {  	s3 =	sadd.s32 s3, s9;
	s6 =	sadd.s32 @!p0 $0x88, s6;
	s7 =	simm.s32 @p2 $0x1082  }
0x22: {  	[simem:s7], [sflag:s8] =	dma.local @!p0 [hbm:s6], $0xF7A  }
0x23: {  	s9 =	sor.u32 $0xD0000000, s2;
	s6 =	simm.s32 $0x108;
	_ =	swait.ge @!p0 [sflag:s8], $0x0  }
0x24: {  	s3 =	sadd.s32 $0x88, s3;
	s6 =	simm.s32 @!p1 $0x1082;
	[sflag:s4] =	ssyncset.s32 $0xFFFFF086  }
0x25: {  	[simem:s6], [sflag:s4] =	dma.local [hbm:s3], $0xF7A  }
0x26: {  	[smem:$0x3F9D] =	sst s1;
	(tag) =	ssettag s2;
	_ =	strace s9  }
0x27: {  	s1 =	sld [smem:$0x3FAD]  }
0x28: {  	s2 =	sld [smem:$0x3FAE]  }
0x29: {  	s4 =	sld [smem:$0x3FB0]  }
0x2a: {  	p0 =	seq.s32 s5, $0x0;
	s5 =	sld [smem:$0x3FB1]  }
0x2b: {  	s6 =	sld [smem:$0x3FB2]  }
0x2c: {  	s7 =	sld [smem:$0x3FB3]  }
0x2d: {  	s3 =	simm.s32 $0x108;
	s8 =	sld [smem:$0x3FB4]  }
0x2e: {  	s3 =	simm.s32 @!p0 $0x1082;
	s9 =	sld [smem:$0x3FB5]  }
0x2f: {  	lr =	sadd.s32 s0, s3;
	s0 =	sld [smem:$0x3FAC]  }
0x30: {  	s3 =	sld [smem:$0x3FAF]  }
0x31: {  	[smem:$0x3FB8] =	sst s10  }
0x32: {  	s10 =	sld [smem:$0x3FB6];
	_ =	sdelay $0x3  }
0x33: {  	p0 =	seq.s32 s10, $0x1;
	s10 =	sld [smem:$0x3FB8];
	_ =	sdelay $0x3  }
0x34: {  	[smem:$0x3FB8] =	sst s10  }
0x35: {  	s10 =	sld [smem:$0x3FB7];
	_ =	sdelay $0x3  }
0x36: {  	p1 =	seq.s32 s10, $0x1;
	s10 =	sld [smem:$0x3FB8];
	_ =	sdelay $0x3  }
0x37: {  	[smem:$0x3FB8] =	sst s10  }
0x38: {  	s10 =	sld [smem:$0x3FB9]  }
0x39: {  	_ = 	snop;
	(pc) =	sbr.ind lr, $3  }
0x3a: {  	_ = 	snop  }
0x3b: {  	_ = 	snop  }
0x3c: {  	p2 =	seq.s32 s10, $0x1;
	s10 =	sld [smem:$0x3FB8]  }
0x3d: {  	_ =	shalt  }
0x3e: {  	_ =	shalt  }
0x3f: {  	_ =	shalt  }
0x40: {  	_ =	shalt  }
0x41: {  	_ =	shalt  }
0x42: {  	_ =	shalt  }
0x43: {  	_ =	shalt  }
0x44: {  	_ =	shalt  }
0x45: {  	_ =	shalt  }
0x46: {  	_ =	shalt  }
0x47: {  	_ =	shalt  }
0x48: {  	_ =	shalt  }
0x49: {  	_ =	shalt  }
0x4a: {  	_ =	shalt  }
0x4b: {  	_ =	shalt  }
0x4c: {  	_ =	shalt  }
0x4d: {  	_ =	shalt  }
0x4e: {  	_ =	shalt  }
0x4f: {  	_ =	shalt  }
0x50: {  	_ =	shalt  }
0x51: {  	_ =	shalt  }
0x52: {  	_ =	shalt  }
0x53: {  	_ =	shalt  }
0x54: {  	_ =	shalt  }
0x55: {  	_ =	shalt  }
0x56: {  	_ =	shalt  }
0x57: {  	_ =	shalt  }
0x58: {  	_ =	shalt  }
0x59: {  	_ =	shalt  }
0x5a: {  	_ =	shalt  }
0x5b: {  	_ =	shalt  }
0x5c: {  	_ =	shalt  }
0x5d: {  	_ =	shalt  }
0x5e: {  	_ =	shalt  }
0x5f: {  	_ =	shalt  }
0x60: {  	_ =	shalt  }
0x61: {  	_ =	shalt  }
0x62: {  	_ =	shalt  }
0x63: {  	_ =	shalt  }
0x64: {  	_ =	shalt  }
0x65: {  	_ =	shalt  }
0x66: {  	_ =	shalt  }
0x67: {  	_ =	shalt  }
0x68: {  	_ =	shalt  }
0x69: {  	_ =	shalt  }
0x6a: {  	_ =	shalt  }
0x6b: {  	_ =	shalt  }
0x6c: {  	_ =	shalt  }
0x6d: {  	_ =	shalt  }
0x6e: {  	_ =	shalt  }
0x6f: {  	_ =	shalt  }
0x70: {  	_ =	shalt  }
0x71: {  	_ =	shalt  }
0x72: {  	_ =	shalt  }
0x73: {  	_ =	shalt  }
0x74: {  	_ =	shalt  }
0x75: {  	_ =	shalt  }
0x76: {  	_ =	shalt  }
0x77: {  	_ =	shalt  }
0x78: {  	_ =	shalt  }
0x79: {  	_ =	shalt  }
0x7a: {  	_ =	shalt  }
0x7b: {  	_ =	shalt  }
0x7c: {  	_ =	shalt  }
0x7d: {  	_ =	shalt  }
0x7e: {  	_ =	shalt  }
0x7f: {  	_ =	shalt  }
0x80: {  	_ =	shalt  }
0x81: {  	_ =	shalt  }
0x82: {  	_ =	shalt  }
0x83: {  	_ =	shalt  }
0x84: {  	_ =	shalt  }
0x85: {  	_ =	shalt  }
0x86: {  	_ =	shalt  }
0x87: {  	_ =	shalt  }
.Lfunc_end0:
.L_simem_size_0:
called_computation_lowered:
.L_overlay_start_0:
0x88: {  	s2 =	sld [smem:$0x3FD9]  }
0x89: {  	s3 =	sld [smem:$0x3FFE];
	_ =	sdelay $0x1  }
0x8a: {  	s1 =	srdreg.scid  }
0x8b: {  	s0 =	sand.u32 $0x1, s1  }
0x8c: {  	s17 =	sshll.u32 s0, $0xA;
	s2 =	sadd.s32 s3, s2  }
0x8d: {  	s2 =	sadd.s32 s2, s17  }
0x8e: {  	[smem:$0x3FC4] =	sst s2  }
0x8f: {  	_ = 	snop  }
0x90: {  	s2 =	sld [smem:$0x3FD0];
	(tm) =	ssettm $0x1  }
0x91: {  	s18 =	sld [smem:$0x3FFB];
	_ =	sdelay $0x3  }
0x92: {  	_ =	strace s18  }
0x93: {  	s3 =	sld [smem:$0x3FFC];
	_ =	sdelay $0x3  }
0x94: {  	_ =	strace s3  }
0x95: {  	s3 =	sld [smem:$0x3FFD];
	_ =	sdelay $0x3  }
0x96: {  	_ =	strace s3  }
0x97: {  	_ =	strace $0x8FFFFFFF  }
0x98: {  	s19 =	sld [smem:$0x3FDB];
	_ =	sdelay $0x1  }
0x99: {  	s4 =	simm.s32 $_scs_section_size  }
0x9a: {  	s5 =	simm.s32 $_size__tile_overlayer_lowered;
	s6 =	simm.s32 $_tile_overlayer_lowered  }
0x9b: {  	s22 =	simm.s32 $0x1BFF;
	s21 =	sshll.u32 s6, $0x1;
	s3 =	sadd.s32 s4, s19  }
0x9c: {  	s7 =	simm.s32 $0x0;
	s20 =	sshll.u32 s5, $0x1;
	s5 =	sadd.s32 s21, s3  }
0x9d: {  	[timem:s7], [sflag:s22] =	dma.local [hbm:s5], s20  }
0x9e: {  	_ =	swait.ge [sflag:s22], s20  }
0x9f: {  	s4 =	ssub.s32 $0x0, s20;
	[sflag:s22] =	ssyncset.done $0x0  }
0xa0: {  	[sflag:s22] =	ssyncadd.s32 s4;
	_ =	sdelay $0x1  }
0xa1: {  	s23 =	simm.s32 $0x1B8B  }
0xa2: {  	_ =	swait.ge [sflag:s23], $0x1  }
0xa3: {  	[sflag:s23] =	ssyncset.done $0x0  }
0xa4: {  	s25 =	simm.s32 $0x1B8E;
	s24 =	sld [smem:$0x3FFE];
	[sflag:s23] =	ssyncadd.s32 $0xFFFFFFFF  }
0xa5: {  	s26 =	simm.s32 $execute0_lowered;
	[smem:$0x3FD2] =	sst s25  }
0xa6: {  	s5 =	sshll.u32 s26, $0x1;
	_ =	strace $0x80000046;
	[dreg:$0x1] =	wrdreg $0xFFFFFFFF  }
0xa7: {  	s28 =	simm.s32 $_size_execute0_lowered;
	s3 =	sadd.s32 s3, s5;
	[dreg:$0x0] =	wrdreg $0x0  }
0xa8: {  	s5 =	sshll.u32 s28, $0x1;
	[dreg:$0x2] =	wrdreg s3  }
0xa9: {  	[dreg:$0x3] =	wrdreg s5  }
0xaa: {  	[dreg:$0x4] =	wrdreg $0xC0  }
0xab: {  	_ =	task [dreg:s7], $0x5FFFF  }
0xac: {  	[dreg:$0x1] =	wrdreg $0xFFFFFFFF  }
0xad: {  	[dreg:$0x0] =	wrdreg $0x60  }
0xae: {  	[dreg:$0x2] =	wrdreg s24  }
0xaf: {  	[dreg:$0x3] =	wrdreg s2  }
0xb0: {  	[dreg:$0x4] =	wrdreg $0x9  }
0xb1: {  	_ =	task.clear_ibuf [dreg:s7], $0x5FFFF;
	_ =	strace $0x90000046  }
0xb2: {  	s29 =	simm.s32 $0x9;
	_ =	strace $0x80000048  }
0xb3: {  	_ =	swait.ge [sflag:s29], $0x1  }
0xb4: {  	[sflag:s29] =	ssyncadd.s32 $0xFFFFFFFF  }
0xb5: {  	_ =	strace $0x90000048  }
0xb6: {  	_ =	sfence  }
0xb7: {  	s30 =	sld [smem:$0x0];
	_ =	sdelay $0x2  }
0xb8: {  	s31 =	sshll.u32 s1, $0xD;
	s1 =	sshrl.u32 s1, $0x2  }
0xb9: {  	s3 =	sand.u32 $0x4000, s31;
	s1 =	sadd.s32 s1, s30  }
0xba: {  	s0 =	sor.u32 s3, s0;
	s1 =	sshll.u32 s1, $0x11  }
0xbb: {  	s0 =	sor.u32 s1, s0  }
0xbc: {  	s0 =	sadd.s32 $0x8F2B, s0  }
0xbd: {  	[sflag:s0] =	ssyncadd.remote.s32 $0x1  }
0xbe: {  	_ =	sfence.sel $0xFFFF  }
0xbf: {  	[dreg:$0x0] =	wrdreg $0xFFFFFFFF;
	(pc) =	sbr.abs _section_cstart, $3  }
0xc0: {  	[dreg:$0x1] =	wrdreg $0xFFFFFFFF  }
0xc1: {  	_ =	task.clear_ibuf [dreg:s7], $0x2FFFF;
	_ =	strace $0x9FFFFFFF  }
0xc2: {  	(tm) =	ssettm $0x7FFFFFFF  }
0xc3: {  	_ =	shalt  }
tec
execute0_lowered:
.L_overlay_start_1:
0x0: {  	(tag) =	ssettag $0x1  }
0x1: {  	s0 =	rddreg [dreg:$0x0]  }
0x2: {  	s1 =	srdreg.scid;
	s2 =	stileid.u32;
	s7 =	simm.s32 $0x0  }
0x3: {  	s8 =	simm.s32 $0x80;
	s10 =	simm.s32 $0x3;
	s28 =	simm.s32 $0x10C00  }
0x4: {  	s29 =	simm.s32 $0x11400;
	s30 =	simm.s32 $0x11C00;
	s31 =	simm.s32 $0x12400  }
0x5: {  	s9 =	simm.s32 $0x14400;
	s11 =	simm.s32 $0x14C00;
	s12 =	simm.s32 $0x15400  }
0x6: {  	s13 =	simm.s32 $0x15C00;
	s14 =	simm.s32 $0x16400;
	s15 =	simm.s32 $0x16C00  }
0x7: {  	s16 =	simm.s32 $0x17400;
	s17 =	simm.s32 $0x17C00;
	s18 =	simm.s32 $0x18400  }
0x8: {  	s19 =	simm.s32 $0x18C00;
	s20 =	simm.s32 $0x19400;
	s21 =	simm.s32 $0x19C00  }
0x9: {  	s22 =	simm.s32 $0x1;
	s23 =	simm.s32 $0x2;
	s1 =	sand.u32 $0x1, s1  }
0xa: {  	s2 =	sshll.u32 s2, $0x8;
	[smem:$0x7FF] =	sst s7;
	s4 =	sshll.u32 s1, $0x7  }
0xb: {  	_ =	strace $0x80000047;
	s1 =	ssub.s32 $0x2, s1;
	s2 =	sor.u32 s4, s2  }
0xc: {  	s6 =	sshrl.u32 s1, $0x1;
	s4 =	sshrl.u32 s2, $0x3;
	s2 =	sshll.u32 s2, $0x1  }
0xd: {  	s1 =	ssub.s32 s1, s6;
	s5 =	sadd.s32 s4, s0;
	s4 =	sadd.s32 $0x19600, s0  }
0xe: {  	s0 =	sadd.s32 s2, s0;
	s26 =	smax.u32 s1, $0x1;
	s1 =	simm.s32 $0x13400  }
0xf: {  	s2 =	simm.s32 $0x13C00;
	s25 =	sadd.s32 $0x600, s5;
	[dreg:$0x5] =	wrdreg s26  }
0x10: {  	s0 =	sadd.s32 $0x209600, s0;
	s26 =	simm.s32 $0x10400;
	[dreg:$0x3] =	wrdreg s25  }
0x11: {  	[dreg:$0x4] =	wrdreg s0;
	s0 =	simm.s32 $0x12C00;
	s25 =	simm.s32 $0x0  }
.LBB2_1:
0x12: {  	s3 =	rddreg [dreg:$0x3];
	s5 =	simm.s32 $0x1000  }
0x13: {  	[tilespmem:s7], [sflag:$0x3] =	stream.strided.gather [hbm4b:s3+s8], $0x6400, s5, s8, $0x38;
	[tilespmem:$0x1AC10] =	vst v63  }
0x14: {  	_ =	swait.ge [sflag:s10], $0x6400  }
0x15: {  	[sflag:s10] =	ssyncset.done $0x0  }
0x16: {  	[sflag:s10] =	ssyncadd.s32 $0xFFFF9C00  }
0x17: {  	s24 =	simm.s32 $0x1AC00;
	s6 =	rddreg [dreg:$0x1]  }
0x18: {  	[tilespmem:s24], [sflag:$0x3] =	stream.linear.gather [hbm4b:s6+s7], $0x10, $0x38;
	[tilespmem:$0x1AC10] =	vst v63  }
0x19: {  	_ =	swait.ge [sflag:s10], $0x10  }
0x1a: {  	[sflag:s10] =	ssyncset.done $0x0  }
0x1b: {  	[sflag:s10] =	ssyncadd.s32 $0xFFFFFFF0  }
0x1c: {  	v0 =	vld [tilespmem:$0x1AC00];
	_ =	sdelay $0x3  }
0x1d: {  	s5 =	simm.s32 $0x40;
	s6 =	simm.s32 $0x0  }
.LBB2_2:
0x1e: {  	p0 =	sne.s32 s5, $0x1FC0;
	[tilespmem:s6+$0x1A400] =	vst v0;
	s6 =	smov.u32 s5;
	s5 =	sadd.s32 $0x40, s5  }
.Ltmp0:
0x1f: {  	(pc) =	sbr.rel @p0 .LBB2_2-.Ltmp0, $2  }
0x20: {  	_ =	sdelay $0x2  }
0x21: {  	s6 =	sshra.s32 s6, $0x2  }
0x22: {  	[tilespmem:s6+$0x1A400] =	vst v0;
	s24 =	simm.s32 $0x0;
	s3 =	simm.s32 $0x6400  }
0x23: {  	[tilespmem:s3], [sflag:$0x1] =	stream.indirect.gather [hbm4b:s4+s8], $0x10, s24, s8, $0xb8;
	[tilespmem:$0x1AC10] =	vst v63  }
0x24: {  	s6 =	simm.s32 $0x6C00  }
0x25: {  	[tilespmem:s6], [sflag:$0x1] =	stream.indirect.gather [hbm4b:s4+s8], $0x10, s8, s8, $0xb8;
	[tilespmem:$0x1AC10] =	vst v63  }
0x26: {  	s7 =	simm.s32 $0x100;
	s5 =	simm.s32 $0x7400  }
0x27: {  	[tilespmem:s5], [sflag:$0x1] =	stream.indirect.gather [hbm4b:s4+s8], $0x10, s7, s8, $0xb8;
	[tilespmem:$0x1AC10] =	vst v63  }
0x28: {  	s6 =	simm.s32 $0x180;
	s7 =	simm.s32 $0x7C00  }
0x29: {  	[tilespmem:s7], [sflag:$0x1] =	stream.indirect.gather [hbm4b:s4+s8], $0x10, s6, s8, $0xb8;
	[tilespmem:$0x1AC10] =	vst v63  }
0x2a: {  	s6 =	simm.s32 $0x200;
	s7 =	simm.s32 $0x8400  }
0x2b: {  	[tilespmem:s7], [sflag:$0x1] =	stream.indirect.gather [hbm4b:s4+s8], $0x10, s6, s8, $0xb8;
	[tilespmem:$0x1AC10] =	vst v63  }
0x2c: {  	s6 =	simm.s32 $0x280;
	s7 =	simm.s32 $0x8C00  }
0x2d: {  	[tilespmem:s7], [sflag:$0x1] =	stream.indirect.gather [hbm4b:s4+s8], $0x10, s6, s8, $0xb8;
	[tilespmem:$0x1AC10] =	vst v63  }
0x2e: {  	s6 =	simm.s32 $0x300;
	s7 =	simm.s32 $0x9400  }
0x2f: {  	[tilespmem:s7], [sflag:$0x1] =	stream.indirect.gather [hbm4b:s4+s8], $0x10, s6, s8, $0xb8;
	[tilespmem:$0x1AC10] =	vst v63  }
0x30: {  	s6 =	simm.s32 $0x380;
	s7 =	simm.s32 $0x9C00  }
0x31: {  	[tilespmem:s7], [sflag:$0x1] =	stream.indirect.gather [hbm4b:s4+s8], $0x10, s6, s8, $0xb8;
	[tilespmem:$0x1AC10] =	vst v63  }
0x32: {  	s6 =	simm.s32 $0x400;
	s7 =	simm.s32 $0xA400  }
0x33: {  	[tilespmem:s7], [sflag:$0x1] =	stream.indirect.gather [hbm4b:s4+s8], $0x10, s6, s8, $0xb8;
	[tilespmem:$0x1AC10] =	vst v63  }
0x34: {  	s6 =	simm.s32 $0x480;
	s7 =	simm.s32 $0xAC00  }
0x35: {  	[tilespmem:s7], [sflag:$0x1] =	stream.indirect.gather [hbm4b:s4+s8], $0x10, s6, s8, $0xb8;
	[tilespmem:$0x1AC10] =	vst v63  }
0x36: {  	s6 =	simm.s32 $0x500;
	s7 =	simm.s32 $0xB400  }
0x37: {  	[tilespmem:s7], [sflag:$0x1] =	stream.indirect.gather [hbm4b:s4+s8], $0x10, s6, s8, $0xb8;
	[tilespmem:$0x1AC10] =	vst v63  }
0x38: {  	s6 =	simm.s32 $0x580;
	s7 =	simm.s32 $0xBC00  }
0x39: {  	[tilespmem:s7], [sflag:$0x1] =	stream.indirect.gather [hbm4b:s4+s8], $0x10, s6, s8, $0xb8;
	[tilespmem:$0x1AC10] =	vst v63  }
0x3a: {  	s6 =	simm.s32 $0x600;
	s7 =	simm.s32 $0xC400  }
0x3b: {  	[tilespmem:s7], [sflag:$0x1] =	stream.indirect.gather [hbm4b:s4+s8], $0x10, s6, s8, $0xb8;
	[tilespmem:$0x1AC10] =	vst v63  }
0x3c: {  	s6 =	simm.s32 $0x680;
	s7 =	simm.s32 $0xCC00  }
0x3d: {  	[tilespmem:s7], [sflag:$0x1] =	stream.indirect.gather [hbm4b:s4+s8], $0x10, s6, s8, $0xb8;
	[tilespmem:$0x1AC10] =	vst v63  }
0x3e: {  	s6 =	simm.s32 $0x700;
	s7 =	simm.s32 $0xD400  }
0x3f: {  	[tilespmem:s7], [sflag:$0x1] =	stream.indirect.gather [hbm4b:s4+s8], $0x10, s6, s8, $0xb8;
	[tilespmem:$0x1AC10] =	vst v63  }
0x40: {  	s6 =	simm.s32 $0x780;
	s7 =	simm.s32 $0xDC00  }
0x41: {  	[tilespmem:s7], [sflag:$0x1] =	stream.indirect.gather [hbm4b:s4+s8], $0x10, s6, s8, $0xb8;
	[tilespmem:$0x1AC10] =	vst v63  }
0x42: {  	s6 =	simm.s32 $0x800;
	s7 =	simm.s32 $0xE400  }
0x43: {  	[tilespmem:s7], [sflag:$0x1] =	stream.indirect.gather [hbm4b:s4+s8], $0x10, s6, s8, $0xb8;
	[tilespmem:$0x1AC10] =	vst v63  }
0x44: {  	s6 =	simm.s32 $0x880;
	s7 =	simm.s32 $0xEC00  }
0x45: {  	[tilespmem:s7], [sflag:$0x1] =	stream.indirect.gather [hbm4b:s4+s8], $0x10, s6, s8, $0xb8;
	[tilespmem:$0x1AC10] =	vst v63  }
0x46: {  	s6 =	simm.s32 $0x900;
	s7 =	simm.s32 $0xF400  }
0x47: {  	[tilespmem:s7], [sflag:$0x1] =	stream.indirect.gather [hbm4b:s4+s8], $0x10, s6, s8, $0xb8;
	[tilespmem:$0x1AC10] =	vst v63  }
0x48: {  	s6 =	simm.s32 $0x980;
	s7 =	simm.s32 $0xFC00  }
0x49: {  	[tilespmem:s7], [sflag:$0x1] =	stream.indirect.gather [hbm4b:s4+s8], $0x10, s6, s8, $0xb8;
	[tilespmem:$0x1AC10] =	vst v63  }
.LBB2_4:
0x4a: {  	s5 =	smul.u32 $0x5000, s24;
	_ =	sdelay $0x1  }
0x4b: {  	s5 =	sshra.s32 s5, $0x2  }
0x4c: {  	s6 =	sadd.s32 $0xA00, s5  }
0x4d: {  	[tilespmem:s26], [sflag:$0x2] =	stream.indirect.gather [hbm4b:s4+s8], $0x10, s6, s8, $0xb8;
	[tilespmem:$0x1AC10] =	vst v63  }
0x4e: {  	s7 =	sadd.s32 $0xA80, s5  }
0x4f: {  	[tilespmem:s28], [sflag:$0x2] =	stream.indirect.gather [hbm4b:s4+s8], $0x10, s7, s8, $0xb8;
	[tilespmem:$0x1AC10] =	vst v63  }
0x50: {  	s3 =	sadd.s32 $0xB00, s5  }
0x51: {  	[tilespmem:s29], [sflag:$0x2] =	stream.indirect.gather [hbm4b:s4+s8], $0x10, s3, s8, $0xb8;
	[tilespmem:$0x1AC10] =	vst v63  }
0x52: {  	s7 =	sadd.s32 $0xB80, s5  }
0x53: {  	[tilespmem:s30], [sflag:$0x2] =	stream.indirect.gather [hbm4b:s4+s8], $0x10, s7, s8, $0xb8;
	[tilespmem:$0x1AC10] =	vst v63  }
0x54: {  	s3 =	sadd.s32 $0xC00, s5  }
0x55: {  	[tilespmem:s31], [sflag:$0x2] =	stream.indirect.gather [hbm4b:s4+s8], $0x10, s3, s8, $0xb8;
	[tilespmem:$0x1AC10] =	vst v63  }
0x56: {  	s7 =	sadd.s32 $0xC80, s5  }
0x57: {  	[tilespmem:s0], [sflag:$0x2] =	stream.indirect.gather [hbm4b:s4+s8], $0x10, s7, s8, $0xb8;
	[tilespmem:$0x1AC10] =	vst v63  }
0x58: {  	s3 =	sadd.s32 $0xD00, s5  }
0x59: {  	[tilespmem:s1], [sflag:$0x2] =	stream.indirect.gather [hbm4b:s4+s8], $0x10, s3, s8, $0xb8;
	[tilespmem:$0x1AC10] =	vst v63  }
0x5a: {  	s7 =	sadd.s32 $0xD80, s5  }
0x5b: {  	[tilespmem:s2], [sflag:$0x2] =	stream.indirect.gather [hbm4b:s4+s8], $0x10, s7, s8, $0xb8;
	[tilespmem:$0x1AC10] =	vst v63  }
0x5c: {  	s3 =	sadd.s32 $0xE00, s5  }
0x5d: {  	[tilespmem:s9], [sflag:$0x2] =	stream.indirect.gather [hbm4b:s4+s8], $0x10, s3, s8, $0xb8;
	[tilespmem:$0x1AC10] =	vst v63  }
0x5e: {  	s7 =	sadd.s32 $0xE80, s5  }
0x5f: {  	[tilespmem:s11], [sflag:$0x2] =	stream.indirect.gather [hbm4b:s4+s8], $0x10, s7, s8, $0xb8;
	[tilespmem:$0x1AC10] =	vst v63  }
0x60: {  	s3 =	sadd.s32 $0xF00, s5  }
0x61: {  	[tilespmem:s12], [sflag:$0x2] =	stream.indirect.gather [hbm4b:s4+s8], $0x10, s3, s8, $0xb8;
	[tilespmem:$0x1AC10] =	vst v63  }
0x62: {  	s7 =	sadd.s32 $0xF80, s5  }
0x63: {  	[tilespmem:s13], [sflag:$0x2] =	stream.indirect.gather [hbm4b:s4+s8], $0x10, s7, s8, $0xb8;
	[tilespmem:$0x1AC10] =	vst v63  }
0x64: {  	s3 =	sadd.s32 $0x1000, s5  }
0x65: {  	[tilespmem:s14], [sflag:$0x2] =	stream.indirect.gather [hbm4b:s4+s8], $0x10, s3, s8, $0xb8;
	[tilespmem:$0x1AC10] =	vst v63  }
0x66: {  	s7 =	sadd.s32 $0x1080, s5  }
0x67: {  	[tilespmem:s15], [sflag:$0x2] =	stream.indirect.gather [hbm4b:s4+s8], $0x10, s7, s8, $0xb8;
	[tilespmem:$0x1AC10] =	vst v63  }
0x68: {  	s3 =	sadd.s32 $0x1100, s5  }
0x69: {  	[tilespmem:s16], [sflag:$0x2] =	stream.indirect.gather [hbm4b:s4+s8], $0x10, s3, s8, $0xb8;
	[tilespmem:$0x1AC10] =	vst v63  }
0x6a: {  	s7 =	sadd.s32 $0x1180, s5  }
0x6b: {  	[tilespmem:s17], [sflag:$0x2] =	stream.indirect.gather [hbm4b:s4+s8], $0x10, s7, s8, $0xb8;
	[tilespmem:$0x1AC10] =	vst v63  }
0x6c: {  	s3 =	sadd.s32 $0x1200, s5  }
0x6d: {  	[tilespmem:s18], [sflag:$0x2] =	stream.indirect.gather [hbm4b:s4+s8], $0x10, s3, s8, $0xb8;
	[tilespmem:$0x1AC10] =	vst v63  }
0x6e: {  	s7 =	sadd.s32 $0x1280, s5  }
0x6f: {  	[tilespmem:s19], [sflag:$0x2] =	stream.indirect.gather [hbm4b:s4+s8], $0x10, s7, s8, $0xb8;
	[tilespmem:$0x1AC10] =	vst v63  }
0x70: {  	s3 =	sadd.s32 $0x1300, s5  }
0x71: {  	[tilespmem:s20], [sflag:$0x2] =	stream.indirect.gather [hbm4b:s4+s8], $0x10, s3, s8, $0xb8;
	[tilespmem:$0x1AC10] =	vst v63  }
0x72: {  	s7 =	sadd.s32 $0x1380, s5  }
0x73: {  	[tilespmem:s21], [sflag:$0x2] =	stream.indirect.gather [hbm4b:s4+s8], $0x10, s7, s8, $0xb8;
	[tilespmem:$0x1AC10] =	vst v63  }
0x74: {  	_ =	swait.ge [sflag:s22], $0x800  }
0x75: {  	[sflag:s22] =	ssyncset.done $0x0  }
0x76: {  	[sflag:s22] =	ssyncadd.s32 $0xFFFFF800  }
0x77: {  	_ =	swait.ge [sflag:s22], $0x800  }
0x78: {  	[sflag:s22] =	ssyncset.done $0x0  }
0x79: {  	[sflag:s22] =	ssyncadd.s32 $0xFFFFF800  }
0x7a: {  	_ =	swait.ge [sflag:s22], $0x800  }
0x7b: {  	[sflag:s22] =	ssyncset.done $0x0  }
0x7c: {  	[sflag:s22] =	ssyncadd.s32 $0xFFFFF800  }
0x7d: {  	_ =	swait.ge [sflag:s22], $0x800  }
0x7e: {  	[sflag:s22] =	ssyncset.done $0x0  }
0x7f: {  	[sflag:s22] =	ssyncadd.s32 $0xFFFFF800  }
0x80: {  	_ =	swait.ge [sflag:s22], $0x800  }
0x81: {  	[sflag:s22] =	ssyncset.done $0x0  }
0x82: {  	[sflag:s22] =	ssyncadd.s32 $0xFFFFF800  }
0x83: {  	_ =	swait.ge [sflag:s22], $0x800  }
0x84: {  	[sflag:s22] =	ssyncset.done $0x0  }
0x85: {  	[sflag:s22] =	ssyncadd.s32 $0xFFFFF800  }
0x86: {  	_ =	swait.ge [sflag:s22], $0x800  }
0x87: {  	[sflag:s22] =	ssyncset.done $0x0  }
0x88: {  	[sflag:s22] =	ssyncadd.s32 $0xFFFFF800  }
0x89: {  	_ =	swait.ge [sflag:s22], $0x800  }
0x8a: {  	[sflag:s22] =	ssyncset.done $0x0  }
0x8b: {  	[sflag:s22] =	ssyncadd.s32 $0xFFFFF800  }
0x8c: {  	_ =	swait.ge [sflag:s22], $0x800  }
0x8d: {  	[sflag:s22] =	ssyncset.done $0x0  }
0x8e: {  	[sflag:s22] =	ssyncadd.s32 $0xFFFFF800  }
0x8f: {  	_ =	swait.ge [sflag:s22], $0x800  }
0x90: {  	[sflag:s22] =	ssyncset.done $0x0  }
0x91: {  	[sflag:s22] =	ssyncadd.s32 $0xFFFFF800  }
0x92: {  	_ =	swait.ge [sflag:s22], $0x800  }
0x93: {  	[sflag:s22] =	ssyncset.done $0x0  }
0x94: {  	[sflag:s22] =	ssyncadd.s32 $0xFFFFF800  }
0x95: {  	_ =	swait.ge [sflag:s22], $0x800  }
0x96: {  	[sflag:s22] =	ssyncset.done $0x0  }
0x97: {  	[sflag:s22] =	ssyncadd.s32 $0xFFFFF800  }
0x98: {  	_ =	swait.ge [sflag:s22], $0x800  }
0x99: {  	[sflag:s22] =	ssyncset.done $0x0  }
0x9a: {  	[sflag:s22] =	ssyncadd.s32 $0xFFFFF800  }
0x9b: {  	_ =	swait.ge [sflag:s22], $0x800  }
0x9c: {  	[sflag:s22] =	ssyncset.done $0x0  }
0x9d: {  	[sflag:s22] =	ssyncadd.s32 $0xFFFFF800  }
0x9e: {  	_ =	swait.ge [sflag:s22], $0x800  }
0x9f: {  	[sflag:s22] =	ssyncset.done $0x0  }
0xa0: {  	[sflag:s22] =	ssyncadd.s32 $0xFFFFF800  }
0xa1: {  	_ =	swait.ge [sflag:s22], $0x800  }
0xa2: {  	[sflag:s22] =	ssyncset.done $0x0  }
0xa3: {  	[sflag:s22] =	ssyncadd.s32 $0xFFFFF800  }
0xa4: {  	_ =	swait.ge [sflag:s22], $0x800  }
0xa5: {  	[sflag:s22] =	ssyncset.done $0x0  }
0xa6: {  	[sflag:s22] =	ssyncadd.s32 $0xFFFFF800  }
0xa7: {  	_ =	swait.ge [sflag:s22], $0x800  }
0xa8: {  	[sflag:s22] =	ssyncset.done $0x0  }
0xa9: {  	[sflag:s22] =	ssyncadd.s32 $0xFFFFF800  }
0xaa: {  	_ =	swait.ge [sflag:s22], $0x800  }
0xab: {  	[sflag:s22] =	ssyncset.done $0x0  }
0xac: {  	[sflag:s22] =	ssyncadd.s32 $0xFFFFF800  }
0xad: {  	_ =	swait.ge [sflag:s22], $0x800  }
0xae: {  	[sflag:s22] =	ssyncset.done $0x0  }
0xaf: {  	s6 =	simm.s32 $0x0;
	[sflag:s22] =	ssyncadd.s32 $0xFFFFF800  }
0xb0: {  	s7 =	simm.s32 $0x40;
	v0 =	vld [tilespmem:s6+$0x6400]  }
.LBB2_5:
0xb1: {  	p0 =	sne.s32 s7, $0x1FC0;
	v1 =	vld [tilespmem:s6+$0x1A400];
	_ =	sdelay $0x1  }
0xb2: {  	v2 =	vld [tilespmem:s6+$0x6C00];
	_ =	sdelay $0x1  }
0xb3: {  	v3 =	vld [tilespmem:s6+$0x7400]  }
0xb4: {  	v0 =	vadd.f32 v0, v1  }
0xb5: {  	v1 =	vld [tilespmem:s6+$0x7C00]  }
0xb6: {  	v0 =	vadd.f32 v2, v0  }
0xb7: {  	v2 =	vld [tilespmem:s6+$0x8400]  }
0xb8: {  	v0 =	vadd.f32 v3, v0  }
0xb9: {  	v3 =	vld [tilespmem:s6+$0x8C00]  }
0xba: {  	v0 =	vadd.f32 v1, v0  }
0xbb: {  	v1 =	vld [tilespmem:s6+$0x9400]  }
0xbc: {  	v0 =	vadd.f32 v2, v0  }
0xbd: {  	v2 =	vld [tilespmem:s6+$0x9C00]  }
0xbe: {  	v0 =	vadd.f32 v3, v0  }
0xbf: {  	v3 =	vld [tilespmem:s6+$0xA400]  }
0xc0: {  	v0 =	vadd.f32 v1, v0  }
0xc1: {  	v1 =	vld [tilespmem:s6+$0xAC00]  }
0xc2: {  	v0 =	vadd.f32 v2, v0  }
0xc3: {  	v2 =	vld [tilespmem:s6+$0xB400]  }
0xc4: {  	v0 =	vadd.f32 v3, v0  }
0xc5: {  	v3 =	vld [tilespmem:s6+$0xBC00]  }
0xc6: {  	v0 =	vadd.f32 v1, v0  }
0xc7: {  	v1 =	vld [tilespmem:s6+$0xC400]  }
0xc8: {  	v0 =	vadd.f32 v2, v0  }
0xc9: {  	v2 =	vld [tilespmem:s6+$0xCC00]  }
0xca: {  	v0 =	vadd.f32 v3, v0  }
0xcb: {  	v3 =	vld [tilespmem:s6+$0xD400]  }
0xcc: {  	v0 =	vadd.f32 v1, v0  }
0xcd: {  	v1 =	vld [tilespmem:s6+$0xDC00]  }
0xce: {  	v0 =	vadd.f32 v2, v0  }
0xcf: {  	v2 =	vld [tilespmem:s6+$0xE400]  }
0xd0: {  	v0 =	vadd.f32 v3, v0  }
0xd1: {  	v3 =	vld [tilespmem:s6+$0xEC00]  }
0xd2: {  	v0 =	vadd.f32 v1, v0  }
0xd3: {  	v1 =	vld [tilespmem:s6+$0xF400]  }
0xd4: {  	v0 =	vadd.f32 v2, v0  }
0xd5: {  	v2 =	vld [tilespmem:s6+$0xFC00]  }
0xd6: {  	v0 =	vadd.f32 v3, v0;
	_ =	sdelay $0x1  }
.Ltmp1:
0xd7: {  	v0 =	vadd.f32 v1, v0;
	(pc) =	sbr.rel @p0 .LBB2_5-.Ltmp1, $4  }
0xd8: {  	_ = 	snop  }
0xd9: {  	v1 =	vadd.f32 v2, v0  }
0xda: {  	s3 =	sshra.s32 s7, $0x2  }
0xdb: {  	s7 =	sadd.s32 $0x40, s7;
	v0 =	vld [tilespmem:s3+$0x6400];
	[tilespmem:s6+$0x1A400] =	vst v1;
	s6 =	smov.u32 s3  }
0xdc: {  	v1 =	vld [tilespmem:s6+$0x1A400];
	_ =	sdelay $0x1  }
0xdd: {  	v2 =	vld [tilespmem:s6+$0x6C00];
	_ =	sdelay $0x1  }
0xde: {  	v3 =	vld [tilespmem:s6+$0x7400]  }
0xdf: {  	v0 =	vadd.f32 v0, v1  }
0xe0: {  	v1 =	vld [tilespmem:s6+$0x7C00]  }
0xe1: {  	v0 =	vadd.f32 v2, v0  }
0xe2: {  	v2 =	vld [tilespmem:s6+$0x8400]  }
0xe3: {  	v0 =	vadd.f32 v3, v0  }
0xe4: {  	v3 =	vld [tilespmem:s6+$0x8C00]  }
0xe5: {  	v0 =	vadd.f32 v1, v0  }
0xe6: {  	v1 =	vld [tilespmem:s6+$0x9400]  }
0xe7: {  	v0 =	vadd.f32 v2, v0  }
0xe8: {  	v2 =	vld [tilespmem:s6+$0x9C00]  }
0xe9: {  	v0 =	vadd.f32 v3, v0  }
0xea: {  	v3 =	vld [tilespmem:s6+$0xA400]  }
0xeb: {  	v0 =	vadd.f32 v1, v0  }
0xec: {  	v1 =	vld [tilespmem:s6+$0xAC00]  }
0xed: {  	v0 =	vadd.f32 v2, v0  }
0xee: {  	v2 =	vld [tilespmem:s6+$0xB400]  }
0xef: {  	v0 =	vadd.f32 v3, v0  }
0xf0: {  	v3 =	vld [tilespmem:s6+$0xBC00]  }
0xf1: {  	v0 =	vadd.f32 v1, v0  }
0xf2: {  	v1 =	vld [tilespmem:s6+$0xC400]  }
0xf3: {  	v0 =	vadd.f32 v2, v0  }
0xf4: {  	v2 =	vld [tilespmem:s6+$0xCC00]  }
0xf5: {  	v0 =	vadd.f32 v3, v0  }
0xf6: {  	v3 =	vld [tilespmem:s6+$0xD400]  }
0xf7: {  	v0 =	vadd.f32 v1, v0  }
0xf8: {  	v1 =	vld [tilespmem:s6+$0xDC00]  }
0xf9: {  	v0 =	vadd.f32 v2, v0  }
0xfa: {  	v2 =	vld [tilespmem:s6+$0xE400]  }
0xfb: {  	v0 =	vadd.f32 v3, v0  }
0xfc: {  	v3 =	vld [tilespmem:s6+$0xEC00]  }
0xfd: {  	v0 =	vadd.f32 v1, v0  }
0xfe: {  	v1 =	vld [tilespmem:s6+$0xF400]  }
0xff: {  	v0 =	vadd.f32 v2, v0  }
0x100: {  	v2 =	vld [tilespmem:s6+$0xFC00]  }
0x101: {  	v0 =	vadd.f32 v3, v0;
	_ =	sdelay $0x1  }
0x102: {  	v0 =	vadd.f32 v1, v0;
	_ =	sdelay $0x1  }
0x103: {  	v0 =	vadd.f32 v2, v0  }
0x104: {  	p0 =	seq.s32 s24, $0x4  }
0x105: {  	s3 =	sadd.s32 @!p0 $0x1400, s5;
	s7 =	simm.s32 @!p0 $0x6400;
	[tilespmem:s6+$0x1A400] =	vst v0;
	s6 =	simm.s32 @!p0 $0x80  }
0x106: {  	[tilespmem:s7], [sflag:$0x1] =	stream.indirect.gather @!p0 [hbm4b:s4+s6], $0x10, s3, s6, $0xb8;
	[tilespmem:$0x1AC10] =	vst v63  }
0x107: {  	s3 =	sadd.s32 @!p0 $0x1480, s5;
	s7 =	simm.s32 @!p0 $0x6C00  }
0x108: {  	[tilespmem:s7], [sflag:$0x1] =	stream.indirect.gather @!p0 [hbm4b:s4+s6], $0x10, s3, s6, $0xb8;
	[tilespmem:$0x1AC10] =	vst v63  }
0x109: {  	s3 =	sadd.s32 @!p0 $0x1500, s5;
	s7 =	simm.s32 @!p0 $0x7400  }
0x10a: {  	[tilespmem:s7], [sflag:$0x1] =	stream.indirect.gather @!p0 [hbm4b:s4+s6], $0x10, s3, s6, $0xb8;
	[tilespmem:$0x1AC10] =	vst v63  }
0x10b: {  	s3 =	sadd.s32 @!p0 $0x1580, s5;
	s7 =	simm.s32 @!p0 $0x7C00  }
0x10c: {  	[tilespmem:s7], [sflag:$0x1] =	stream.indirect.gather @!p0 [hbm4b:s4+s6], $0x10, s3, s6, $0xb8;
	[tilespmem:$0x1AC10] =	vst v63  }
0x10d: {  	s3 =	sadd.s32 @!p0 $0x1600, s5;
	s7 =	simm.s32 @!p0 $0x8400  }
0x10e: {  	[tilespmem:s7], [sflag:$0x1] =	stream.indirect.gather @!p0 [hbm4b:s4+s6], $0x10, s3, s6, $0xb8;
	[tilespmem:$0x1AC10] =	vst v63  }
0x10f: {  	s3 =	sadd.s32 @!p0 $0x1680, s5;
	s7 =	simm.s32 @!p0 $0x8C00  }
0x110: {  	[tilespmem:s7], [sflag:$0x1] =	stream.indirect.gather @!p0 [hbm4b:s4+s6], $0x10, s3, s6, $0xb8;
	[tilespmem:$0x1AC10] =	vst v63  }
0x111: {  	s3 =	sadd.s32 @!p0 $0x1700, s5;
	s7 =	simm.s32 @!p0 $0x9400  }
0x112: {  	[tilespmem:s7], [sflag:$0x1] =	stream.indirect.gather @!p0 [hbm4b:s4+s6], $0x10, s3, s6, $0xb8;
	[tilespmem:$0x1AC10] =	vst v63  }
0x113: {  	s3 =	sadd.s32 @!p0 $0x1780, s5;
	s7 =	simm.s32 @!p0 $0x9C00  }
0x114: {  	[tilespmem:s7], [sflag:$0x1] =	stream.indirect.gather @!p0 [hbm4b:s4+s6], $0x10, s3, s6, $0xb8;
	[tilespmem:$0x1AC10] =	vst v63  }
0x115: {  	s3 =	sadd.s32 @!p0 $0x1800, s5;
	s7 =	simm.s32 @!p0 $0xA400  }
0x116: {  	[tilespmem:s7], [sflag:$0x1] =	stream.indirect.gather @!p0 [hbm4b:s4+s6], $0x10, s3, s6, $0xb8;
	[tilespmem:$0x1AC10] =	vst v63  }
0x117: {  	s3 =	sadd.s32 @!p0 $0x1880, s5;
	s7 =	simm.s32 @!p0 $0xAC00  }
0x118: {  	[tilespmem:s7], [sflag:$0x1] =	stream.indirect.gather @!p0 [hbm4b:s4+s6], $0x10, s3, s6, $0xb8;
	[tilespmem:$0x1AC10] =	vst v63  }
0x119: {  	s3 =	sadd.s32 @!p0 $0x1900, s5;
	s7 =	simm.s32 @!p0 $0xB400  }
0x11a: {  	[tilespmem:s7], [sflag:$0x1] =	stream.indirect.gather @!p0 [hbm4b:s4+s6], $0x10, s3, s6, $0xb8;
	[tilespmem:$0x1AC10] =	vst v63  }
0x11b: {  	s3 =	sadd.s32 @!p0 $0x1980, s5;
	s7 =	simm.s32 @!p0 $0xBC00  }
0x11c: {  	[tilespmem:s7], [sflag:$0x1] =	stream.indirect.gather @!p0 [hbm4b:s4+s6], $0x10, s3, s6, $0xb8;
	[tilespmem:$0x1AC10] =	vst v63  }
0x11d: {  	s3 =	sadd.s32 @!p0 $0x1A00, s5;
	s7 =	simm.s32 @!p0 $0xC400  }
0x11e: {  	[tilespmem:s7], [sflag:$0x1] =	stream.indirect.gather @!p0 [hbm4b:s4+s6], $0x10, s3, s6, $0xb8;
	[tilespmem:$0x1AC10] =	vst v63  }
0x11f: {  	s3 =	sadd.s32 @!p0 $0x1A80, s5;
	s7 =	simm.s32 @!p0 $0xCC00  }
0x120: {  	[tilespmem:s7], [sflag:$0x1] =	stream.indirect.gather @!p0 [hbm4b:s4+s6], $0x10, s3, s6, $0xb8;
	[tilespmem:$0x1AC10] =	vst v63  }
0x121: {  	s3 =	sadd.s32 @!p0 $0x1B00, s5;
	s7 =	simm.s32 @!p0 $0xD400  }
0x122: {  	[tilespmem:s7], [sflag:$0x1] =	stream.indirect.gather @!p0 [hbm4b:s4+s6], $0x10, s3, s6, $0xb8;
	[tilespmem:$0x1AC10] =	vst v63  }
0x123: {  	s3 =	sadd.s32 @!p0 $0x1B80, s5;
	s7 =	simm.s32 @!p0 $0xDC00  }
0x124: {  	[tilespmem:s7], [sflag:$0x1] =	stream.indirect.gather @!p0 [hbm4b:s4+s6], $0x10, s3, s6, $0xb8;
	[tilespmem:$0x1AC10] =	vst v63  }
0x125: {  	s3 =	sadd.s32 @!p0 $0x1C00, s5;
	s7 =	simm.s32 @!p0 $0xE400  }
0x126: {  	[tilespmem:s7], [sflag:$0x1] =	stream.indirect.gather @!p0 [hbm4b:s4+s6], $0x10, s3, s6, $0xb8;
	[tilespmem:$0x1AC10] =	vst v63  }
0x127: {  	s3 =	sadd.s32 @!p0 $0x1C80, s5;
	s7 =	simm.s32 @!p0 $0xEC00  }
0x128: {  	[tilespmem:s7], [sflag:$0x1] =	stream.indirect.gather @!p0 [hbm4b:s4+s6], $0x10, s3, s6, $0xb8;
	[tilespmem:$0x1AC10] =	vst v63  }
0x129: {  	s3 =	sadd.s32 @!p0 $0x1D00, s5;
	s7 =	simm.s32 @!p0 $0xF400  }
0x12a: {  	[tilespmem:s7], [sflag:$0x1] =	stream.indirect.gather @!p0 [hbm4b:s4+s6], $0x10, s3, s6, $0xb8;
	[tilespmem:$0x1AC10] =	vst v63  }
0x12b: {  	s3 =	sadd.s32 @!p0 $0x1D80, s5;
	s5 =	simm.s32 @!p0 $0xFC00  }
0x12c: {  	[tilespmem:s5], [sflag:$0x1] =	stream.indirect.gather @!p0 [hbm4b:s4+s6], $0x10, s3, s6, $0xb8;
	[tilespmem:$0x1AC10] =	vst v63  }
0x12d: {  	_ =	swait.ge [sflag:s23], $0x800  }
0x12e: {  	[sflag:s23] =	ssyncset.done $0x0  }
0x12f: {  	[sflag:s23] =	ssyncadd.s32 $0xFFFFF800  }
0x130: {  	_ =	swait.ge [sflag:s23], $0x800  }
0x131: {  	[sflag:s23] =	ssyncset.done $0x0  }
0x132: {  	[sflag:s23] =	ssyncadd.s32 $0xFFFFF800  }
0x133: {  	_ =	swait.ge [sflag:s23], $0x800  }
0x134: {  	[sflag:s23] =	ssyncset.done $0x0  }
0x135: {  	[sflag:s23] =	ssyncadd.s32 $0xFFFFF800  }
0x136: {  	_ =	swait.ge [sflag:s23], $0x800  }
0x137: {  	[sflag:s23] =	ssyncset.done $0x0  }
0x138: {  	[sflag:s23] =	ssyncadd.s32 $0xFFFFF800  }
0x139: {  	_ =	swait.ge [sflag:s23], $0x800  }
0x13a: {  	[sflag:s23] =	ssyncset.done $0x0  }
0x13b: {  	[sflag:s23] =	ssyncadd.s32 $0xFFFFF800  }
0x13c: {  	_ =	swait.ge [sflag:s23], $0x800  }
0x13d: {  	[sflag:s23] =	ssyncset.done $0x0  }
0x13e: {  	[sflag:s23] =	ssyncadd.s32 $0xFFFFF800  }
0x13f: {  	_ =	swait.ge [sflag:s23], $0x800  }
0x140: {  	[sflag:s23] =	ssyncset.done $0x0  }
0x141: {  	[sflag:s23] =	ssyncadd.s32 $0xFFFFF800  }
0x142: {  	_ =	swait.ge [sflag:s23], $0x800  }
0x143: {  	[sflag:s23] =	ssyncset.done $0x0  }
0x144: {  	[sflag:s23] =	ssyncadd.s32 $0xFFFFF800  }
0x145: {  	_ =	swait.ge [sflag:s23], $0x800  }
0x146: {  	[sflag:s23] =	ssyncset.done $0x0  }
0x147: {  	[sflag:s23] =	ssyncadd.s32 $0xFFFFF800  }
0x148: {  	_ =	swait.ge [sflag:s23], $0x800  }
0x149: {  	[sflag:s23] =	ssyncset.done $0x0  }
0x14a: {  	[sflag:s23] =	ssyncadd.s32 $0xFFFFF800  }
0x14b: {  	_ =	swait.ge [sflag:s23], $0x800  }
0x14c: {  	[sflag:s23] =	ssyncset.done $0x0  }
0x14d: {  	[sflag:s23] =	ssyncadd.s32 $0xFFFFF800  }
0x14e: {  	_ =	swait.ge [sflag:s23], $0x800  }
0x14f: {  	[sflag:s23] =	ssyncset.done $0x0  }
0x150: {  	[sflag:s23] =	ssyncadd.s32 $0xFFFFF800  }
0x151: {  	_ =	swait.ge [sflag:s23], $0x800  }
0x152: {  	[sflag:s23] =	ssyncset.done $0x0  }
0x153: {  	[sflag:s23] =	ssyncadd.s32 $0xFFFFF800  }
0x154: {  	_ =	swait.ge [sflag:s23], $0x800  }
0x155: {  	[sflag:s23] =	ssyncset.done $0x0  }
0x156: {  	[sflag:s23] =	ssyncadd.s32 $0xFFFFF800  }
0x157: {  	_ =	swait.ge [sflag:s23], $0x800  }
0x158: {  	[sflag:s23] =	ssyncset.done $0x0  }
0x159: {  	[sflag:s23] =	ssyncadd.s32 $0xFFFFF800  }
0x15a: {  	_ =	swait.ge [sflag:s23], $0x800  }
0x15b: {  	[sflag:s23] =	ssyncset.done $0x0  }
0x15c: {  	[sflag:s23] =	ssyncadd.s32 $0xFFFFF800  }
0x15d: {  	_ =	swait.ge [sflag:s23], $0x800  }
0x15e: {  	[sflag:s23] =	ssyncset.done $0x0  }
0x15f: {  	[sflag:s23] =	ssyncadd.s32 $0xFFFFF800  }
0x160: {  	_ =	swait.ge [sflag:s23], $0x800  }
0x161: {  	[sflag:s23] =	ssyncset.done $0x0  }
0x162: {  	[sflag:s23] =	ssyncadd.s32 $0xFFFFF800  }
0x163: {  	_ =	swait.ge [sflag:s23], $0x800  }
0x164: {  	[sflag:s23] =	ssyncset.done $0x0  }
0x165: {  	[sflag:s23] =	ssyncadd.s32 $0xFFFFF800  }
0x166: {  	_ =	swait.ge [sflag:s23], $0x800  }
0x167: {  	[sflag:s23] =	ssyncset.done $0x0  }
0x168: {  	s5 =	simm.s32 $0x0;
	[sflag:s23] =	ssyncadd.s32 $0xFFFFF800  }
0x169: {  	s6 =	simm.s32 $0x40;
	v0 =	vld [tilespmem:s5+$0x10400]  }
.LBB2_7:
0x16a: {  	p0 =	sne.s32 s6, $0x1FC0;
	v1 =	vld [tilespmem:s5+$0x1A400];
	_ =	sdelay $0x1  }
0x16b: {  	v2 =	vld [tilespmem:s5+$0x10C00];
	_ =	sdelay $0x1  }
0x16c: {  	v3 =	vld [tilespmem:s5+$0x11400]  }
0x16d: {  	v0 =	vadd.f32 v0, v1  }
0x16e: {  	v1 =	vld [tilespmem:s5+$0x11C00]  }
0x16f: {  	v0 =	vadd.f32 v2, v0  }
0x170: {  	v2 =	vld [tilespmem:s5+$0x12400]  }
0x171: {  	v0 =	vadd.f32 v3, v0  }
0x172: {  	v3 =	vld [tilespmem:s5+$0x12C00]  }
0x173: {  	v0 =	vadd.f32 v1, v0  }
0x174: {  	v1 =	vld [tilespmem:s5+$0x13400]  }
0x175: {  	v0 =	vadd.f32 v2, v0  }
0x176: {  	v2 =	vld [tilespmem:s5+$0x13C00]  }
0x177: {  	v0 =	vadd.f32 v3, v0  }
0x178: {  	v3 =	vld [tilespmem:s5+$0x14400]  }
0x179: {  	v0 =	vadd.f32 v1, v0  }
0x17a: {  	v1 =	vld [tilespmem:s5+$0x14C00]  }
0x17b: {  	v0 =	vadd.f32 v2, v0  }
0x17c: {  	v2 =	vld [tilespmem:s5+$0x15400]  }
0x17d: {  	v0 =	vadd.f32 v3, v0  }
0x17e: {  	v3 =	vld [tilespmem:s5+$0x15C00]  }
0x17f: {  	v0 =	vadd.f32 v1, v0  }
0x180: {  	v1 =	vld [tilespmem:s5+$0x16400]  }
0x181: {  	v0 =	vadd.f32 v2, v0  }
0x182: {  	v2 =	vld [tilespmem:s5+$0x16C00]  }
0x183: {  	v0 =	vadd.f32 v3, v0  }
0x184: {  	v3 =	vld [tilespmem:s5+$0x17400]  }
0x185: {  	v0 =	vadd.f32 v1, v0  }
0x186: {  	v1 =	vld [tilespmem:s5+$0x17C00]  }
0x187: {  	v0 =	vadd.f32 v2, v0  }
0x188: {  	v2 =	vld [tilespmem:s5+$0x18400]  }
0x189: {  	v0 =	vadd.f32 v3, v0  }
0x18a: {  	v3 =	vld [tilespmem:s5+$0x18C00]  }
0x18b: {  	v0 =	vadd.f32 v1, v0  }
0x18c: {  	v1 =	vld [tilespmem:s5+$0x19400]  }
0x18d: {  	v0 =	vadd.f32 v2, v0  }
0x18e: {  	v2 =	vld [tilespmem:s5+$0x19C00]  }
0x18f: {  	v0 =	vadd.f32 v3, v0;
	_ =	sdelay $0x1  }
.Ltmp2:
0x190: {  	v0 =	vadd.f32 v1, v0;
	(pc) =	sbr.rel @p0 .LBB2_7-.Ltmp2, $4  }
0x191: {  	_ = 	snop  }
0x192: {  	v1 =	vadd.f32 v2, v0  }
0x193: {  	s3 =	sshra.s32 s6, $0x2  }
0x194: {  	s6 =	sadd.s32 $0x40, s6;
	v0 =	vld [tilespmem:s3+$0x10400];
	[tilespmem:s5+$0x1A400] =	vst v1;
	s5 =	smov.u32 s3  }
0x195: {  	v1 =	vld [tilespmem:s5+$0x1A400];
	_ =	sdelay $0x1  }
0x196: {  	v2 =	vld [tilespmem:s5+$0x10C00];
	_ =	sdelay $0x1  }
0x197: {  	v3 =	vld [tilespmem:s5+$0x11400]  }
0x198: {  	v0 =	vadd.f32 v0, v1  }
0x199: {  	v47 =	vld [tilespmem:s5+$0x11C00]  }
0x19a: {  	v0 =	vadd.f32 v2, v0  }
0x19b: {  	v48 =	vld [tilespmem:s5+$0x12400]  }
0x19c: {  	v0 =	vadd.f32 v3, v0  }
0x19d: {  	v49 =	vld [tilespmem:s5+$0x12C00]  }
0x19e: {  	v0 =	vadd.f32 v47, v0  }
0x19f: {  	v50 =	vld [tilespmem:s5+$0x13400]  }
0x1a0: {  	v0 =	vadd.f32 v48, v0  }
0x1a1: {  	v51 =	vld [tilespmem:s5+$0x13C00]  }
0x1a2: {  	v0 =	vadd.f32 v49, v0  }
0x1a3: {  	v52 =	vld [tilespmem:s5+$0x14400]  }
0x1a4: {  	v0 =	vadd.f32 v50, v0  }
0x1a5: {  	v53 =	vld [tilespmem:s5+$0x14C00]  }
0x1a6: {  	v0 =	vadd.f32 v51, v0  }
0x1a7: {  	v54 =	vld [tilespmem:s5+$0x15400]  }
0x1a8: {  	v0 =	vadd.f32 v52, v0  }
0x1a9: {  	v55 =	vld [tilespmem:s5+$0x15C00]  }
0x1aa: {  	v0 =	vadd.f32 v53, v0  }
0x1ab: {  	v56 =	vld [tilespmem:s5+$0x16400]  }
0x1ac: {  	v0 =	vadd.f32 v54, v0  }
0x1ad: {  	v57 =	vld [tilespmem:s5+$0x16C00]  }
0x1ae: {  	v0 =	vadd.f32 v55, v0  }
0x1af: {  	v58 =	vld [tilespmem:s5+$0x17400]  }
0x1b0: {  	v0 =	vadd.f32 v56, v0  }
0x1b1: {  	v59 =	vld [tilespmem:s5+$0x17C00]  }
0x1b2: {  	v0 =	vadd.f32 v57, v0  }
0x1b3: {  	v60 =	vld [tilespmem:s5+$0x18400]  }
0x1b4: {  	v0 =	vadd.f32 v58, v0  }
0x1b5: {  	v61 =	vld [tilespmem:s5+$0x18C00]  }
0x1b6: {  	v0 =	vadd.f32 v59, v0  }
0x1b7: {  	v62 =	vld [tilespmem:s5+$0x19400]  }
0x1b8: {  	v0 =	vadd.f32 v60, v0  }
0x1b9: {  	v63 =	vld [tilespmem:s5+$0x19C00]  }
0x1ba: {  	s24 =	sadd.s32 $0x1, s24;
	v0 =	vadd.f32 v61, v0  }
0x1bb: {  	p0 =	sne.s32 s24, $0x5  }
.Ltmp3:
0x1bc: {  	v0 =	vadd.f32 v62, v0;
	(pc) =	sbr.rel @p0 .LBB2_4-.Ltmp3, $3  }
0x1bd: {  	_ = 	snop  }
0x1be: {  	v0 =	vadd.f32 v63, v0;
	_ =	sdelay $0x1  }
0x1bf: {  	[tilespmem:s5+$0x1A400] =	vst v0  }
0x1c0: {  	s7 =	simm.s32 $0x0;
	s3 =	rddreg [dreg:$0x4];
	s5 =	simm.s32 $0x1A400  }
0x1c1: {  	[hbm4b:s3+s7] =	stream.linear.scatter [tilespmem:s5], [sflag:$0x3], $0x800, $0x38;
	[tilespmem:$0x1AC10] =	vst v63  }
0x1c2: {  	_ =	swait.ge [sflag:s10], $0x800  }
0x1c3: {  	s25 =	sadd.s32 $0x1, s25;
	s24 =	rddreg [dreg:$0x5]  }
0x1c4: {  	p0 =	sne.s32 s25, s24  }
.Ltmp4:
0x1c5: {  	_ = 	snop;
	(pc) =	sbr.rel @p0 .LBB2_1-.Ltmp4, $3  }
0x1c6: {  	_ =	sdelay $0x1  }
0x1c7: {  	[sflag:s10] =	ssyncset.done $0x0  }
0x1c8: {  	[sflag:s10] =	ssyncadd.s32 $0xFFFFF800  }
0x1c9: {  	_ =	sfence.sel $0x180000  }
0x1ca: {  	[bflag:$0x0] =	sbarrier.arrive $0xFFFF  }
0x1cb: {  	_ =	strace $0x90000047  }
0x1cc: {  	s0 =	stileid.u32;
	[bflag:$0x2] =	sbarrier.arrive $0xFFFF  }
0x1cd: {  	p0 =	sne.s32 s0, $0x0;
	s0 =	rddreg [dreg:$0x2]  }
0x1ce: {  	s0 =	sadd.s32 @!p0 $0x100000, s0  }
0x1cf: {  	[sflag:s0] =	ssyncadd.tile.s32 @!p0 $0x1;
	_ =	shalt  }
.Lfunc_end2:
_tile_overlayer_lowered:
.L_overlay_start_2:
0x1d0: {  	(tag) =	ssettag $0x2  }
0x1d1: {  	s0 =	rddreg [dreg:$0x0];
	s2 =	stileid.u32  }
0x1d2: {  	s1 =	rddreg [dreg:$0x1];
	p0 =	sne.s32 s2, $0x0  }
0x1d3: {  	s3 =	rddreg [dreg:$0x2];
	[bflag:$0x3] =	sbarrier.arrive $0xFFFF;
	s2 =	simm.s32 @!p0 $0x1C03  }
0x1d4: {  	[timem:s3], [sflag:s2] =	dma.local @!p0 [hbm:s0], s1  }
0x1d5: {  	s0 =	simm.s32 @!p0 $0x3  }
0x1d6: {  	_ =	swait.ge @!p0 [sflag:s0], s1  }
0x1d7: {  	s1 =	ssub.s32 @!p0 $0x0, s1;
	[sflag:s0] =	ssyncset.done @!p0 $0x0  }
0x1d8: {  	[sflag:s0] =	ssyncadd.s32 @!p0 s1  }
0x1d9: {  	[bflag:$0x3] =	sbarrier.arrive $0xFFFF  }
0x1da: {  	_ =	shalt  }

</sc_bundles>
